<compile_context>
chip_gen: v7x
topology: tpu7x:2x2x1
jax: 0.10.2.dev20260603
libtpu: 0.0.44.dev20260713+nightly
codegen_flags: <defaults>
</compile_context>

<pallas_src>
import functools

import jax
import jax.numpy as jnp
from jax import lax
from jax.experimental import pallas as pl
from jax.experimental.pallas import tpu as pltpu
from jax.experimental.pallas import tpu_sc as plsc

T = 128
H = 1024
FF = 2048
E = 16
NC = 2
EC = E // NC
BF = 1024
NF = FF // BF

SC_CORES = 2
SC_WORKERS = 16
TPW = T // SC_WORKERS


def _route_sc(rl_hbm, w_hbm, buf, wbuf):
    wid = lax.axis_index("s") * SC_CORES + lax.axis_index("c")

    @pl.when(wid < SC_WORKERS)
    def _work():
        base = wid * TPW
        pltpu.sync_copy(rl_hbm.at[pl.ds(base, TPW)], buf)
        lanes = lax.iota(jnp.int32, 16)

        def _bfly(m, op):
            for k in (8, 4, 2, 1):
                m = op(m, m.at[lanes ^ k].get(mode="promise_in_bounds"))
            return m

        for t in range(TPW):
            v = buf[t]
            m1 = _bfly(v, jnp.maximum)
            i1 = _bfly(jnp.where(v == m1, lanes, E), jnp.minimum)
            masked = jnp.where(lanes == i1, jnp.float32(-1e30), v)
            m2 = _bfly(masked, jnp.maximum)
            i2 = _bfly(jnp.where(masked == m2, lanes, E), jnp.minimum)
            ew = jnp.exp(m2 - m1)
            w1 = 1.0 / (1.0 + ew)
            w2 = 1.0 - w1
            wbuf[t] = (jnp.where(lanes == i1, w1, 0.0)
                       + jnp.where(lanes == i2, w2, 0.0))
        pltpu.sync_copy(wbuf, w_hbm.at[pl.ds(base, TPW)])


def _moe_body(w_in_ref, x_ref, wi0_ref, wi1_ref, wo_ref, out_ref):
    c = pl.program_id(0)
    e8 = pl.program_id(1)
    f = pl.program_id(2)
    e = c * EC + e8

    @pl.when((e8 == 0) & (f == 0))
    def _prologue():
        out_ref[...] = jnp.zeros_like(out_ref)

    x = x_ref[...]
    g = jnp.dot(x, wi0_ref[0], preferred_element_type=jnp.float32)
    u = jnp.dot(x, wi1_ref[0], preferred_element_type=jnp.float32)
    h = jax.nn.silu(g) * u
    ye = jnp.dot(h, wo_ref[0], preferred_element_type=jnp.float32)

    lane = jax.lax.broadcasted_iota(jnp.int32, (T, E), 1)
    w_e = jnp.sum(jnp.where(lane == e, w_in_ref[...], 0.0),
                  axis=-1, keepdims=True)
    out_ref[0] += ye * w_e


@functools.partial(jax.jit)
def kernel(x, router_logits, wi_0, wi_1, wo):
    route = functools.partial(
        pl.kernel,
        mesh=plsc.VectorSubcoreMesh(core_axis_name="c", subcore_axis_name="s"),
        out_type=jax.ShapeDtypeStruct((T, E), jnp.float32),
        scratch_types=[
            pltpu.VMEM((TPW, E), jnp.float32),
            pltpu.VMEM((TPW, E), jnp.float32),
        ],
    )(_route_sc)
    w = route(router_logits)

    parts = pl.pallas_call(
        _moe_body,
        grid=(NC, EC, NF),
        in_specs=[
            pl.BlockSpec((T, E), lambda c, e8, f: (0, 0)),
            pl.BlockSpec((T, H), lambda c, e8, f: (0, 0)),
            pl.BlockSpec((1, H, BF), lambda c, e8, f: (c * EC + e8, 0, f)),
            pl.BlockSpec((1, H, BF), lambda c, e8, f: (c * EC + e8, 0, f)),
            pl.BlockSpec((1, BF, H), lambda c, e8, f: (c * EC + e8, f, 0)),
        ],
        out_specs=pl.BlockSpec((1, T, H), lambda c, e8, f: (c, 0, 0)),
        out_shape=jax.ShapeDtypeStruct((NC, T, H), jnp.float32),
        compiler_params=pltpu.CompilerParams(
            dimension_semantics=("parallel", "arbitrary", "arbitrary")),
    )(w, x, wi_0, wi_1, wo)
    return parts[0] + parts[1]

# --- scband reference (transcript-rebuilt; emitter-appended) ---
"""Pipeline reference for scband-epmo-e-33638183862749 (READ-ONLY COPY).

The authoritative reference and input builder live on the scoring server;
editing this copy changes nothing except your own understanding.
"""

import jax, jax.numpy as jnp
import numpy as np

T = 128       # tokens (batch=128, q_len=1 decode step)
H = 1024      # hidden_size
FF = 2048     # intermediate_dim
E = 16        # num_experts
K = 2         # num_experts_per_tok


def setup_inputs(seed: int = 0) -> dict:
    key = jax.random.key(seed)
    k0, k1, k2, k3, k4 = jax.random.split(key, 5)
    x = jax.random.normal(k0, (T, H), dtype=jnp.float32)
    router_logits = jax.random.normal(k1, (T, E), dtype=jnp.float32)
    # Expert weights sized per init_kwargs (module draws them with random.normal;
    # we scale for numerical sanity and keep float32 on CPU instead of bf16).
    wi_0 = jax.random.normal(k2, (E, H, FF), dtype=jnp.float32) * 0.02
    wi_1 = jax.random.normal(k3, (E, H, FF), dtype=jnp.float32) * 0.02
    wo = jax.random.normal(k4, (E, FF, H), dtype=jnp.float32) * 0.02
    return {"x": x, "router_logits": router_logits, "wi_0": wi_0, "wi_1": wi_1, "wo": wo}


def reference(x, router_logits, wi_0, wi_1, wo):
    # Top-k routing: select K experts per token, softmax-normalize their weights.
    topk_vals, topk_ids = jax.lax.top_k(router_logits, K)
    topk_w = jax.nn.softmax(topk_vals, axis=-1)

    out = jnp.zeros((T, H), dtype=x.dtype)
    for e in range(E):
        # Per-token combine weight for expert e (top_k ids are distinct per
        # token, so at most one slot matches): masked fixed-shape reduction.
        w_e = jnp.sum(jnp.where(topk_ids == e, topk_w, jnp.zeros_like(topk_w)), axis=-1)
        h = jax.nn.silu(x @ wi_0[e]) * (x @ wi_1[e])     # silu-gated FFN
        ye = h @ wo[e]
        out = out + ye * w_e[:, None]                    # weighted combine
    return out

if __name__ == "__main__":
    import jax
    _d = setup_inputs()
    print(jax.jit(kernel)(*tuple(_d.values())))

</pallas_src>

<mosaic_0001>
#map = affine_map<(d0, d1) -> (0, 0)>
module attributes {stable_mosaic.version = 14 : i64} {
  func.func @_route_sc(%arg0: i32, %arg1: i32, %arg2: memref<128x16xf32, #tpu.memory_space<hbm>>, %arg3: memref<128x16xf32, #tpu.memory_space<hbm>>, %arg4: memref<8x16xf32, #tpu.memory_space<vmem>>, %arg5: memref<8x16xf32, #tpu.memory_space<vmem>>) attributes {dimension_semantics = [#tpu.dimension_semantics<core_parallel>, #tpu.dimension_semantics<subcore_parallel>], iteration_bounds = array<i64: 2, 16>, scalar_prefetch = 0 : i64, scratch_operands = 2 : i64, tpu.core_type = #tpu.core_type<sc_vector_subcore>, window_params = [{transform_indices = #map}, {transform_indices = #map}]} {
    %mul3A = arith.constant 2 : i32
    %mul3A_0 = arith.muli %arg1, %mul3A : i32
    %add3A = arith.addi %mul3A_0, %arg0 : i32
    %lt3A = arith.constant 16 : i32
    %lt3A_1 = arith.cmpi slt, %add3A, %lt3A : i32
    %convert_element_type3A = arith.extui %lt3A_1 : i1 to i32
    %cond3A = arith.constant 0 : i32
    %cond3A_2 = arith.cmpi ne, %convert_element_type3A, %cond3A : i32
    scf.if %cond3A_2 {
      %mul3A_3 = arith.constant 8 : i32
      %mul3A_4 = arith.muli %add3A, %mul3A_3 : i32
      "tpu.region"() ({
        %run_scoped3A = tpu.sem_alloc : memref<!tpu.dma_semaphore, #tpu.memory_space<semaphore_mem>>
        %dma_start3A = arith.constant 0 : i32
        %dma_start3A_2128 = tpu.memref_slice %arg2[%mul3A_4, %dma_start3A] : memref<128x16xf32, #tpu.memory_space<hbm>> -> memref<8x16xf32, #tpu.memory_space<hbm>>
        %dma_start3A_2129 = arith.constant 0 : i32
        %dma_start3A_2130 = tpu.memref_slice %arg2[%mul3A_4, %dma_start3A_2129] : memref<128x16xf32, #tpu.memory_space<hbm>> -> memref<8x16xf32, #tpu.memory_space<hbm>>
        tpu.enqueue_dma source(%dma_start3A_2130 : memref<8x16xf32, #tpu.memory_space<hbm>>) target(%arg4 : memref<8x16xf32, #tpu.memory_space<vmem>>) target_semaphore(%run_scoped3A : memref<!tpu.dma_semaphore, #tpu.memory_space<semaphore_mem>>)
        %dma_wait3A = arith.constant 0 : i32
        %dma_wait3A_2131 = tpu.memref_slice %arg2[%mul3A_4, %dma_wait3A] : memref<128x16xf32, #tpu.memory_space<hbm>> -> memref<8x16xf32, #tpu.memory_space<hbm>>
        %dma_wait3A_2132 = arith.constant 0 : i32
        %dma_wait3A_2133 = tpu.memref_slice %arg2[%mul3A_4, %dma_wait3A_2132] : memref<128x16xf32, #tpu.memory_space<hbm>> -> memref<8x16xf32, #tpu.memory_space<hbm>>
        tpu.wait_dma2 semaphore(%run_scoped3A : memref<!tpu.dma_semaphore, #tpu.memory_space<semaphore_mem>>) src(%dma_wait3A_2133 : memref<8x16xf32, #tpu.memory_space<hbm>>) dst(%arg4 : memref<8x16xf32, #tpu.memory_space<vmem>>)
        tpu.yield
      }) : () -> ()
      %iota3A = tpu.iota {dimensions = array<i32: 0>} : vector<16xi32>
      %get3A = arith.constant 0 : i32
      %get3A_5 = arith.index_cast %get3A : i32 to index
      %get3A_6 = arith.constant 0 : index
      %get3A_7 = tpu.vector_load %arg4[%get3A_5, %get3A_6] {strides = array<i32>} : memref<8x16xf32, #tpu.memory_space<vmem>>, vector<1x16xf32>,
      %get3A_8 = vector.shape_cast %get3A_7 : vector<1x16xf32> to vector<16xf32>
      %xor3A = arith.constant 8 : i32
      %xor3A_9 = vector.broadcast %xor3A : i32 to vector<16xi32>
      %xor3A_10 = arith.xori %iota3A, %xor3A_9 : vector<16xi32>
      %lt3A_11 = arith.constant 0 : i32
      %lt3A_12 = vector.broadcast %lt3A_11 : i32 to vector<16xi32>
      %lt3A_13 = arith.cmpi slt, %xor3A_10, %lt3A_12 : vector<16xi32>
      %add3A_14 = arith.constant 16 : i32
      %add3A_15 = vector.broadcast %add3A_14 : i32 to vector<16xi32>
      %add3A_16 = arith.addi %xor3A_10, %add3A_15 : vector<16xi32>
      %select_n3A = arith.select %lt3A_13, %add3A_16, %xor3A_10 : vector<16xi1>, vector<16xi32>
      %broadcast_in_dim3A = vector.shape_cast %select_n3A : vector<16xi32> to vector<16x1xi32>
      %gather3A = vector.shape_cast %broadcast_in_dim3A : vector<16x1xi32> to vector<16xi32>
      %gather3A_17 = tpu.dynamic_gather %get3A_8[%gather3A] in [0] : vector<16xf32>, vector<16xi32> -> vector<16xf32>
      %max3A = arith.maximumf %get3A_8, %gather3A_17 : vector<16xf32>
      %xor3A_18 = arith.constant 4 : i32
      %xor3A_19 = vector.broadcast %xor3A_18 : i32 to vector<16xi32>
      %xor3A_20 = arith.xori %iota3A, %xor3A_19 : vector<16xi32>
      %lt3A_21 = arith.constant 0 : i32
      %lt3A_22 = vector.broadcast %lt3A_21 : i32 to vector<16xi32>
      %lt3A_23 = arith.cmpi slt, %xor3A_20, %lt3A_22 : vector<16xi32>
      %add3A_24 = arith.constant 16 : i32
      %add3A_25 = vector.broadcast %add3A_24 : i32 to vector<16xi32>
      %add3A_26 = arith.addi %xor3A_20, %add3A_25 : vector<16xi32>
      %select_n3A_27 = arith.select %lt3A_23, %add3A_26, %xor3A_20 : vector<16xi1>, vector<16xi32>
      %broadcast_in_dim3A_28 = vector.shape_cast %select_n3A_27 : vector<16xi32> to vector<16x1xi32>
      %gather3A_29 = vector.shape_cast %broadcast_in_dim3A_28 : vector<16x1xi32> to vector<16xi32>
      %gather3A_30 = tpu.dynamic_gather %max3A[%gather3A_29] in [0] : vector<16xf32>, vector<16xi32> -> vector<16xf32>
      %max3A_31 = arith.maximumf %max3A, %gather3A_30 : vector<16xf32>
      %xor3A_32 = arith.constant 2 : i32
      %xor3A_33 = vector.broadcast %xor3A_32 : i32 to vector<16xi32>
      %xor3A_34 = arith.xori %iota3A, %xor3A_33 : vector<16xi32>
      %lt3A_35 = arith.constant 0 : i32
      %lt3A_36 = vector.broadcast %lt3A_35 : i32 to vector<16xi32>
      %lt3A_37 = arith.cmpi slt, %xor3A_34, %lt3A_36 : vector<16xi32>
      %add3A_38 = arith.constant 16 : i32
      %add3A_39 = vector.broadcast %add3A_38 : i32 to vector<16xi32>
      %add3A_40 = arith.addi %xor3A_34, %add3A_39 : vector<16xi32>
      %select_n3A_41 = arith.select %lt3A_37, %add3A_40, %xor3A_34 : vector<16xi1>, vector<16xi32>
      %broadcast_in_dim3A_42 = vector.shape_cast %select_n3A_41 : vector<16xi32> to vector<16x1xi32>
      %gather3A_43 = vector.shape_cast %broadcast_in_dim3A_42 : vector<16x1xi32> to vector<16xi32>
      %gather3A_44 = tpu.dynamic_gather %max3A_31[%gather3A_43] in [0] : vector<16xf32>, vector<16xi32> -> vector<16xf32>
      %max3A_45 = arith.maximumf %max3A_31, %gather3A_44 : vector<16xf32>
      %xor3A_46 = arith.constant 1 : i32
      %xor3A_47 = vector.broadcast %xor3A_46 : i32 to vector<16xi32>
      %xor3A_48 = arith.xori %iota3A, %xor3A_47 : vector<16xi32>
      %lt3A_49 = arith.constant 0 : i32
      %lt3A_50 = vector.broadcast %lt3A_49 : i32 to vector<16xi32>
      %lt3A_51 = arith.cmpi slt, %xor3A_48, %lt3A_50 : vector<16xi32>
      %add3A_52 = arith.constant 16 : i32
      %add3A_53 = vector.broadcast %add3A_52 : i32 to vector<16xi32>
      %add3A_54 = arith.addi %xor3A_48, %add3A_53 : vector<16xi32>
      %select_n3A_55 = arith.select %lt3A_51, %add3A_54, %xor3A_48 : vector<16xi1>, vector<16xi32>
      %broadcast_in_dim3A_56 = vector.shape_cast %select_n3A_55 : vector<16xi32> to vector<16x1xi32>
      %gather3A_57 = vector.shape_cast %broadcast_in_dim3A_56 : vector<16x1xi32> to vector<16xi32>
      %gather3A_58 = tpu.dynamic_gather %max3A_45[%gather3A_57] in [0] : vector<16xf32>, vector<16xi32> -> vector<16xf32>
      %max3A_59 = arith.maximumf %max3A_45, %gather3A_58 : vector<16xf32>
      %eq3A = arith.cmpf oeq, %get3A_8, %max3A_59 : vector<16xf32>
      %jit3A = arith.constant 16 : i32
      %broadcast_in_dim3A_60 = vector.broadcast %jit3A : i32 to vector<16xi32>
      %select_n3A_61 = arith.select %eq3A, %iota3A, %broadcast_in_dim3A_60 : vector<16xi1>, vector<16xi32>
      %xor3A_62 = arith.constant 8 : i32
      %xor3A_63 = vector.broadcast %xor3A_62 : i32 to vector<16xi32>
      %xor3A_64 = arith.xori %iota3A, %xor3A_63 : vector<16xi32>
      %lt3A_65 = arith.constant 0 : i32
      %lt3A_66 = vector.broadcast %lt3A_65 : i32 to vector<16xi32>
      %lt3A_67 = arith.cmpi slt, %xor3A_64, %lt3A_66 : vector<16xi32>
      %add3A_68 = arith.constant 16 : i32
      %add3A_69 = vector.broadcast %add3A_68 : i32 to vector<16xi32>
      %add3A_70 = arith.addi %xor3A_64, %add3A_69 : vector<16xi32>
      %select_n3A_71 = arith.select %lt3A_67, %add3A_70, %xor3A_64 : vector<16xi1>, vector<16xi32>
      %broadcast_in_dim3A_72 = vector.shape_cast %select_n3A_71 : vector<16xi32> to vector<16x1xi32>
      %gather3A_73 = vector.shape_cast %broadcast_in_dim3A_72 : vector<16x1xi32> to vector<16xi32>
      %gather3A_74 = tpu.dynamic_gather %select_n3A_61[%gather3A_73] in [0] : vector<16xi32>, vector<16xi32> -> vector<16xi32>
      %min3A = arith.minsi %select_n3A_61, %gather3A_74 : vector<16xi32>
      %xor3A_75 = arith.constant 4 : i32
      %xor3A_76 = vector.broadcast %xor3A_75 : i32 to vector<16xi32>
      %xor3A_77 = arith.xori %iota3A, %xor3A_76 : vector<16xi32>
      %lt3A_78 = arith.constant 0 : i32
      %lt3A_79 = vector.broadcast %lt3A_78 : i32 to vector<16xi32>
      %lt3A_80 = arith.cmpi slt, %xor3A_77, %lt3A_79 : vector<16xi32>
      %add3A_81 = arith.constant 16 : i32
      %add3A_82 = vector.broadcast %add3A_81 : i32 to vector<16xi32>
      %add3A_83 = arith.addi %xor3A_77, %add3A_82 : vector<16xi32>
      %select_n3A_84 = arith.select %lt3A_80, %add3A_83, %xor3A_77 : vector<16xi1>, vector<16xi32>
      %broadcast_in_dim3A_85 = vector.shape_cast %select_n3A_84 : vector<16xi32> to vector<16x1xi32>
      %gather3A_86 = vector.shape_cast %broadcast_in_dim3A_85 : vector<16x1xi32> to vector<16xi32>
      %gather3A_87 = tpu.dynamic_gather %min3A[%gather3A_86] in [0] : vector<16xi32>, vector<16xi32> -> vector<16xi32>
      %min3A_88 = arith.minsi %min3A, %gather3A_87 : vector<16xi32>
      %xor3A_89 = arith.constant 2 : i32
      %xor3A_90 = vector.broadcast %xor3A_89 : i32 to vector<16xi32>
      %xor3A_91 = arith.xori %iota3A, %xor3A_90 : vector<16xi32>
      %lt3A_92 = arith.constant 0 : i32
      %lt3A_93 = vector.broadcast %lt3A_92 : i32 to vector<16xi32>
      %lt3A_94 = arith.cmpi slt, %xor3A_91, %lt3A_93 : vector<16xi32>
      %add3A_95 = arith.constant 16 : i32
      %add3A_96 = vector.broadcast %add3A_95 : i32 to vector<16xi32>
      %add3A_97 = arith.addi %xor3A_91, %add3A_96 : vector<16xi32>
      %select_n3A_98 = arith.select %lt3A_94, %add3A_97, %xor3A_91 : vector<16xi1>, vector<16xi32>
      %broadcast_in_dim3A_99 = vector.shape_cast %select_n3A_98 : vector<16xi32> to vector<16x1xi32>
      %gather3A_100 = vector.shape_cast %broadcast_in_dim3A_99 : vector<16x1xi32> to vector<16xi32>
      %gather3A_101 = tpu.dynamic_gather %min3A_88[%gather3A_100] in [0] : vector<16xi32>, vector<16xi32> -> vector<16xi32>
      %min3A_102 = arith.minsi %min3A_88, %gather3A_101 : vector<16xi32>
      %xor3A_103 = arith.constant 1 : i32
      %xor3A_104 = vector.broadcast %xor3A_103 : i32 to vector<16xi32>
      %xor3A_105 = arith.xori %iota3A, %xor3A_104 : vector<16xi32>
      %lt3A_106 = arith.constant 0 : i32
      %lt3A_107 = vector.broadcast %lt3A_106 : i32 to vector<16xi32>
      %lt3A_108 = arith.cmpi slt, %xor3A_105, %lt3A_107 : vector<16xi32>
      %add3A_109 = arith.constant 16 : i32
      %add3A_110 = vector.broadcast %add3A_109 : i32 to vector<16xi32>
      %add3A_111 = arith.addi %xor3A_105, %add3A_110 : vector<16xi32>
      %select_n3A_112 = arith.select %lt3A_108, %add3A_111, %xor3A_105 : vector<16xi1>, vector<16xi32>
      %broadcast_in_dim3A_113 = vector.shape_cast %select_n3A_112 : vector<16xi32> to vector<16x1xi32>
      %gather3A_114 = vector.shape_cast %broadcast_in_dim3A_113 : vector<16x1xi32> to vector<16xi32>
      %gather3A_115 = tpu.dynamic_gather %min3A_102[%gather3A_114] in [0] : vector<16xi32>, vector<16xi32> -> vector<16xi32>
      %min3A_116 = arith.minsi %min3A_102, %gather3A_115 : vector<16xi32>
      %eq3A_117 = arith.cmpi eq, %iota3A, %min3A_116 : vector<16xi32>
      %jit3A_118 = arith.constant -1.000000e+30 : f32
      %broadcast_in_dim3A_119 = vector.broadcast %jit3A_118 : f32 to vector<16xf32>
      %select_n3A_120 = arith.select %eq3A_117, %broadcast_in_dim3A_119, %get3A_8 : vector<16xi1>, vector<16xf32>
      %xor3A_121 = arith.constant 8 : i32
      %xor3A_122 = vector.broadcast %xor3A_121 : i32 to vector<16xi32>
      %xor3A_123 = arith.xori %iota3A, %xor3A_122 : vector<16xi32>
      %lt3A_124 = arith.constant 0 : i32
      %lt3A_125 = vector.broadcast %lt3A_124 : i32 to vector<16xi32>
      %lt3A_126 = arith.cmpi slt, %xor3A_123, %lt3A_125 : vector<16xi32>
      %add3A_127 = arith.constant 16 : i32
      %add3A_128 = vector.broadcast %add3A_127 : i32 to vector<16xi32>
      %add3A_129 = arith.addi %xor3A_123, %add3A_128 : vector<16xi32>
      %select_n3A_130 = arith.select %lt3A_126, %add3A_129, %xor3A_123 : vector<16xi1>, vector<16xi32>
      %broadcast_in_dim3A_131 = vector.shape_cast %select_n3A_130 : vector<16xi32> to vector<16x1xi32>
      %gather3A_132 = vector.shape_cast %broadcast_in_dim3A_131 : vector<16x1xi32> to vector<16xi32>
      %gather3A_133 = tpu.dynamic_gather %select_n3A_120[%gather3A_132] in [0] : vector<16xf32>, vector<16xi32> -> vector<16xf32>
      %max3A_134 = arith.maximumf %select_n3A_120, %gather3A_133 : vector<16xf32>
      %xor3A_135 = arith.constant 4 : i32
      %xor3A_136 = vector.broadcast %xor3A_135 : i32 to vector<16xi32>
      %xor3A_137 = arith.xori %iota3A, %xor3A_136 : vector<16xi32>
      %lt3A_138 = arith.constant 0 : i32
      %lt3A_139 = vector.broadcast %lt3A_138 : i32 to vector<16xi32>
      %lt3A_140 = arith.cmpi slt, %xor3A_137, %lt3A_139 : vector<16xi32>
      %add3A_141 = arith.constant 16 : i32
      %add3A_142 = vector.broadcast %add3A_141 : i32 to vector<16xi32>
      %add3A_143 = arith.addi %xor3A_137, %add3A_142 : vector<16xi32>
      %select_n3A_144 = arith.select %lt3A_140, %add3A_143, %xor3A_137 : vector<16xi1>, vector<16xi32>
      %broadcast_in_dim3A_145 = vector.shape_cast %select_n3A_144 : vector<16xi32> to vector<16x1xi32>
      %gather3A_146 = vector.shape_cast %broadcast_in_dim3A_145 : vector<16x1xi32> to vector<16xi32>
      %gather3A_147 = tpu.dynamic_gather %max3A_134[%gather3A_146] in [0] : vector<16xf32>, vector<16xi32> -> vector<16xf32>
      %max3A_148 = arith.maximumf %max3A_134, %gather3A_147 : vector<16xf32>
      %xor3A_149 = arith.constant 2 : i32
      %xor3A_150 = vector.broadcast %xor3A_149 : i32 to vector<16xi32>
      %xor3A_151 = arith.xori %iota3A, %xor3A_150 : vector<16xi32>
      %lt3A_152 = arith.constant 0 : i32
      %lt3A_153 = vector.broadcast %lt3A_152 : i32 to vector<16xi32>
      %lt3A_154 = arith.cmpi slt, %xor3A_151, %lt3A_153 : vector<16xi32>
      %add3A_155 = arith.constant 16 : i32
      %add3A_156 = vector.broadcast %add3A_155 : i32 to vector<16xi32>
      %add3A_157 = arith.addi %xor3A_151, %add3A_156 : vector<16xi32>
      %select_n3A_158 = arith.select %lt3A_154, %add3A_157, %xor3A_151 : vector<16xi1>, vector<16xi32>
      %broadcast_in_dim3A_159 = vector.shape_cast %select_n3A_158 : vector<16xi32> to vector<16x1xi32>
      %gather3A_160 = vector.shape_cast %broadcast_in_dim3A_159 : vector<16x1xi32> to vector<16xi32>
      %gather3A_161 = tpu.dynamic_gather %max3A_148[%gather3A_160] in [0] : vector<16xf32>, vector<16xi32> -> vector<16xf32>
      %max3A_162 = arith.maximumf %max3A_148, %gather3A_161 : vector<16xf32>
      %xor3A_163 = arith.constant 1 : i32
      %xor3A_164 = vector.broadcast %xor3A_163 : i32 to vector<16xi32>
      %xor3A_165 = arith.xori %iota3A, %xor3A_164 : vector<16xi32>
      %lt3A_166 = arith.constant 0 : i32
      %lt3A_167 = vector.broadcast %lt3A_166 : i32 to vector<16xi32>
      %lt3A_168 = arith.cmpi slt, %xor3A_165, %lt3A_167 : vector<16xi32>
      %add3A_169 = arith.constant 16 : i32
      %add3A_170 = vector.broadcast %add3A_169 : i32 to vector<16xi32>
      %add3A_171 = arith.addi %xor3A_165, %add3A_170 : vector<16xi32>
      %select_n3A_172 = arith.select %lt3A_168, %add3A_171, %xor3A_165 : vector<16xi1>, vector<16xi32>
      %broadcast_in_dim3A_173 = vector.shape_cast %select_n3A_172 : vector<16xi32> to vector<16x1xi32>
      %gather3A_174 = vector.shape_cast %broadcast_in_dim3A_173 : vector<16x1xi32> to vector<16xi32>
      %gather3A_175 = tpu.dynamic_gather %max3A_162[%gather3A_174] in [0] : vector<16xf32>, vector<16xi32> -> vector<16xf32>
      %max3A_176 = arith.maximumf %max3A_162, %gather3A_175 : vector<16xf32>
      %eq3A_177 = arith.cmpf oeq, %select_n3A_120, %max3A_176 : vector<16xf32>
      %jit3A_178 = arith.constant 16 : i32
      %broadcast_in_dim3A_179 = vector.broadcast %jit3A_178 : i32 to vector<16xi32>
      %select_n3A_180 = arith.select %eq3A_177, %iota3A, %broadcast_in_dim3A_179 : vector<16xi1>, vector<16xi32>
      %xor3A_181 = arith.constant 8 : i32
      %xor3A_182 = vector.broadcast %xor3A_181 : i32 to vector<16xi32>
      %xor3A_183 = arith.xori %iota3A, %xor3A_182 : vector<16xi32>
      %lt3A_184 = arith.constant 0 : i32
      %lt3A_185 = vector.broadcast %lt3A_184 : i32 to vector<16xi32>
      %lt3A_186 = arith.cmpi slt, %xor3A_183, %lt3A_185 : vector<16xi32>
      %add3A_187 = arith.constant 16 : i32
      %add3A_188 = vector.broadcast %add3A_187 : i32 to vector<16xi32>
      %add3A_189 = arith.addi %xor3A_183, %add3A_188 : vector<16xi32>
      %select_n3A_190 = arith.select %lt3A_186, %add3A_189, %xor3A_183 : vector<16xi1>, vector<16xi32>
      %broadcast_in_dim3A_191 = vector.shape_cast %select_n3A_190 : vector<16xi32> to vector<16x1xi32>
      %gather3A_192 = vector.shape_cast %broadcast_in_dim3A_191 : vector<16x1xi32> to vector<16xi32>
      %gather3A_193 = tpu.dynamic_gather %select_n3A_180[%gather3A_192] in [0] : vector<16xi32>, vector<16xi32> -> vector<16xi32>
      %min3A_194 = arith.minsi %select_n3A_180, %gather3A_193 : vector<16xi32>
      %xor3A_195 = arith.constant 4 : i32
      %xor3A_196 = vector.broadcast %xor3A_195 : i32 to vector<16xi32>
      %xor3A_197 = arith.xori %iota3A, %xor3A_196 : vector<16xi32>
      %lt3A_198 = arith.constant 0 : i32
      %lt3A_199 = vector.broadcast %lt3A_198 : i32 to vector<16xi32>
      %lt3A_200 = arith.cmpi slt, %xor3A_197, %lt3A_199 : vector<16xi32>
      %add3A_201 = arith.constant 16 : i32
      %add3A_202 = vector.broadcast %add3A_201 : i32 to vector<16xi32>
      %add3A_203 = arith.addi %xor3A_197, %add3A_202 : vector<16xi32>
      %select_n3A_204 = arith.select %lt3A_200, %add3A_203, %xor3A_197 : vector<16xi1>, vector<16xi32>
      %broadcast_in_dim3A_205 = vector.shape_cast %select_n3A_204 : vector<16xi32> to vector<16x1xi32>
      %gather3A_206 = vector.shape_cast %broadcast_in_dim3A_205 : vector<16x1xi32> to vector<16xi32>
      %gather3A_207 = tpu.dynamic_gather %min3A_194[%gather3A_206] in [0] : vector<16xi32>, vector<16xi32> -> vector<16xi32>
      %min3A_208 = arith.minsi %min3A_194, %gather3A_207 : vector<16xi32>
      %xor3A_209 = arith.constant 2 : i32
      %xor3A_210 = vector.broadcast %xor3A_209 : i32 to vector<16xi32>
      %xor3A_211 = arith.xori %iota3A, %xor3A_210 : vector<16xi32>
      %lt3A_212 = arith.constant 0 : i32
      %lt3A_213 = vector.broadcast %lt3A_212 : i32 to vector<16xi32>
      %lt3A_214 = arith.cmpi slt, %xor3A_211, %lt3A_213 : vector<16xi32>
      %add3A_215 = arith.constant 16 : i32
      %add3A_216 = vector.broadcast %add3A_215 : i32 to vector<16xi32>
      %add3A_217 = arith.addi %xor3A_211, %add3A_216 : vector<16xi32>
      %select_n3A_218 = arith.select %lt3A_214, %add3A_217, %xor3A_211 : vector<16xi1>, vector<16xi32>
      %broadcast_in_dim3A_219 = vector.shape_cast %select_n3A_218 : vector<16xi32> to vector<16x1xi32>
      %gather3A_220 = vector.shape_cast %broadcast_in_dim3A_219 : vector<16x1xi32> to vector<16xi32>
      %gather3A_221 = tpu.dynamic_gather %min3A_208[%gather3A_220] in [0] : vector<16xi32>, vector<16xi32> -> vector<16xi32>
      %min3A_222 = arith.minsi %min3A_208, %gather3A_221 : vector<16xi32>
      %xor3A_223 = arith.constant 1 : i32
      %xor3A_224 = vector.broadcast %xor3A_223 : i32 to vector<16xi32>
      %xor3A_225 = arith.xori %iota3A, %xor3A_224 : vector<16xi32>
      %lt3A_226 = arith.constant 0 : i32
      %lt3A_227 = vector.broadcast %lt3A_226 : i32 to vector<16xi32>
      %lt3A_228 = arith.cmpi slt, %xor3A_225, %lt3A_227 : vector<16xi32>
      %add3A_229 = arith.constant 16 : i32
      %add3A_230 = vector.broadcast %add3A_229 : i32 to vector<16xi32>
      %add3A_231 = arith.addi %xor3A_225, %add3A_230 : vector<16xi32>
      %select_n3A_232 = arith.select %lt3A_228, %add3A_231, %xor3A_225 : vector<16xi1>, vector<16xi32>
      %broadcast_in_dim3A_233 = vector.shape_cast %select_n3A_232 : vector<16xi32> to vector<16x1xi32>
      %gather3A_234 = vector.shape_cast %broadcast_in_dim3A_233 : vector<16x1xi32> to vector<16xi32>
      %gather3A_235 = tpu.dynamic_gather %min3A_222[%gather3A_234] in [0] : vector<16xi32>, vector<16xi32> -> vector<16xi32>
      %min3A_236 = arith.minsi %min3A_222, %gather3A_235 : vector<16xi32>
      %sub3A = arith.subf %max3A_176, %max3A_59 : vector<16xf32>
      %exp3A = math.exp %sub3A : vector<16xf32>
      %add3A_237 = arith.constant 1.000000e+00 : f32
      %add3A_238 = vector.broadcast %add3A_237 : f32 to vector<16xf32>
      %add3A_239 = arith.addf %add3A_238, %exp3A : vector<16xf32>
      %div3A = arith.constant 1.000000e+00 : f32
      %div3A_240 = vector.broadcast %div3A : f32 to vector<16xf32>
      %div3A_241 = arith.divf %div3A_240, %add3A_239 : vector<16xf32>
      %sub3A_242 = arith.constant 1.000000e+00 : f32
      %sub3A_243 = vector.broadcast %sub3A_242 : f32 to vector<16xf32>
      %sub3A_244 = arith.subf %sub3A_243, %div3A_241 : vector<16xf32>
      %eq3A_245 = arith.cmpi eq, %iota3A, %min3A_116 : vector<16xi32>
      %jit3A_246 = arith.constant 0.000000e+00 : f32
      %broadcast_in_dim3A_247 = vector.broadcast %jit3A_246 : f32 to vector<16xf32>
      %select_n3A_248 = arith.select %eq3A_245, %div3A_241, %broadcast_in_dim3A_247 : vector<16xi1>, vector<16xf32>
      %eq3A_249 = arith.cmpi eq, %iota3A, %min3A_236 : vector<16xi32>
      %jit3A_250 = arith.constant 0.000000e+00 : f32
      %broadcast_in_dim3A_251 = vector.broadcast %jit3A_250 : f32 to vector<16xf32>
      %select_n3A_252 = arith.select %eq3A_249, %sub3A_244, %broadcast_in_dim3A_251 : vector<16xi1>, vector<16xf32>
      %add3A_253 = arith.addf %select_n3A_248, %select_n3A_252 : vector<16xf32>
      %swap3A = arith.constant 0 : i32
      %swap3A_254 = arith.index_cast %swap3A : i32 to index
      %swap3A_255 = arith.constant 0 : index
      %swap3A_256 = tpu.vector_load %arg5[%swap3A_254, %swap3A_255] {strides = array<i32>} : memref<8x16xf32, #tpu.memory_space<vmem>>, vector<1x16xf32>,
      %swap3A_257 = vector.shape_cast %swap3A_256 : vector<1x16xf32> to vector<16xf32>
      %swap3A_258 = vector.shape_cast %add3A_253 : vector<16xf32> to vector<1x16xf32>
      tpu.vector_store %arg5[%swap3A_254, %swap3A_255], %swap3A_258 {strides = array<i32>} : memref<8x16xf32, #tpu.memory_space<vmem>>, vector<1x16xf32>,
      %get3A_259 = arith.constant 1 : i32
      %get3A_260 = arith.index_cast %get3A_259 : i32 to index
      %get3A_261 = arith.constant 0 : index
      %get3A_262 = tpu.vector_load %arg4[%get3A_260, %get3A_261] {strides = array<i32>} : memref<8x16xf32, #tpu.memory_space<vmem>>, vector<1x16xf32>,
      %get3A_263 = vector.shape_cast %get3A_262 : vector<1x16xf32> to vector<16xf32>
      %xor3A_264 = arith.constant 8 : i32
      %xor3A_265 = vector.broadcast %xor3A_264 : i32 to vector<16xi32>
      %xor3A_266 = arith.xori %iota3A, %xor3A_265 : vector<16xi32>
      %lt3A_267 = arith.constant 0 : i32
      %lt3A_268 = vector.broadcast %lt3A_267 : i32 to vector<16xi32>
      %lt3A_269 = arith.cmpi slt, %xor3A_266, %lt3A_268 : vector<16xi32>
      %add3A_270 = arith.constant 16 : i32
      %add3A_271 = vector.broadcast %add3A_270 : i32 to vector<16xi32>
      %add3A_272 = arith.addi %xor3A_266, %add3A_271 : vector<16xi32>
      %select_n3A_273 = arith.select %lt3A_269, %add3A_272, %xor3A_266 : vector<16xi1>, vector<16xi32>
      %broadcast_in_dim3A_274 = vector.shape_cast %select_n3A_273 : vector<16xi32> to vector<16x1xi32>
      %gather3A_275 = vector.shape_cast %broadcast_in_dim3A_274 : vector<16x1xi32> to vector<16xi32>
      %gather3A_276 = tpu.dynamic_gather %get3A_263[%gather3A_275] in [0] : vector<16xf32>, vector<16xi32> -> vector<16xf32>
      %max3A_277 = arith.maximumf %get3A_263, %gather3A_276 : vector<16xf32>
      %xor3A_278 = arith.constant 4 : i32
      %xor3A_279 = vector.broadcast %xor3A_278 : i32 to vector<16xi32>
      %xor3A_280 = arith.xori %iota3A, %xor3A_279 : vector<16xi32>
      %lt3A_281 = arith.constant 0 : i32
      %lt3A_282 = vector.broadcast %lt3A_281 : i32 to vector<16xi32>
      %lt3A_283 = arith.cmpi slt, %xor3A_280, %lt3A_282 : vector<16xi32>
      %add3A_284 = arith.constant 16 : i32
      %add3A_285 = vector.broadcast %add3A_284 : i32 to vector<16xi32>
      %add3A_286 = arith.addi %xor3A_280, %add3A_285 : vector<16xi32>
      %select_n3A_287 = arith.select %lt3A_283, %add3A_286, %xor3A_280 : vector<16xi1>, vector<16xi32>
      %broadcast_in_dim3A_288 = vector.shape_cast %select_n3A_287 : vector<16xi32> to vector<16x1xi32>
      %gather3A_289 = vector.shape_cast %broadcast_in_dim3A_288 : vector<16x1xi32> to vector<16xi32>
      %gather3A_290 = tpu.dynamic_gather %max3A_277[%gather3A_289] in [0] : vector<16xf32>, vector<16xi32> -> vector<16xf32>
      %max3A_291 = arith.maximumf %max3A_277, %gather3A_290 : vector<16xf32>
      %xor3A_292 = arith.constant 2 : i32
      %xor3A_293 = vector.broadcast %xor3A_292 : i32 to vector<16xi32>
      %xor3A_294 = arith.xori %iota3A, %xor3A_293 : vector<16xi32>
      %lt3A_295 = arith.constant 0 : i32
      %lt3A_296 = vector.broadcast %lt3A_295 : i32 to vector<16xi32>
      %lt3A_297 = arith.cmpi slt, %xor3A_294, %lt3A_296 : vector<16xi32>
      %add3A_298 = arith.constant 16 : i32
      %add3A_299 = vector.broadcast %add3A_298 : i32 to vector<16xi32>
      %add3A_300 = arith.addi %xor3A_294, %add3A_299 : vector<16xi32>
      %select_n3A_301 = arith.select %lt3A_297, %add3A_300, %xor3A_294 : vector<16xi1>, vector<16xi32>
      %broadcast_in_dim3A_302 = vector.shape_cast %select_n3A_301 : vector<16xi32> to vector<16x1xi32>
      %gather3A_303 = vector.shape_cast %broadcast_in_dim3A_302 : vector<16x1xi32> to vector<16xi32>
      %gather3A_304 = tpu.dynamic_gather %max3A_291[%gather3A_303] in [0] : vector<16xf32>, vector<16xi32> -> vector<16xf32>
      %max3A_305 = arith.maximumf %max3A_291, %gather3A_304 : vector<16xf32>
      %xor3A_306 = arith.constant 1 : i32
      %xor3A_307 = vector.broadcast %xor3A_306 : i32 to vector<16xi32>
      %xor3A_308 = arith.xori %iota3A, %xor3A_307 : vector<16xi32>
      %lt3A_309 = arith.constant 0 : i32
      %lt3A_310 = vector.broadcast %lt3A_309 : i32 to vector<16xi32>
      %lt3A_311 = arith.cmpi slt, %xor3A_308, %lt3A_310 : vector<16xi32>
      %add3A_312 = arith.constant 16 : i32
      %add3A_313 = vector.broadcast %add3A_312 : i32 to vector<16xi32>
      %add3A_314 = arith.addi %xor3A_308, %add3A_313 : vector<16xi32>
      %select_n3A_315 = arith.select %lt3A_311, %add3A_314, %xor3A_308 : vector<16xi1>, vector<16xi32>
      %broadcast_in_dim3A_316 = vector.shape_cast %select_n3A_315 : vector<16xi32> to vector<16x1xi32>
      %gather3A_317 = vector.shape_cast %broadcast_in_dim3A_316 : vector<16x1xi32> to vector<16xi32>
      %gather3A_318 = tpu.dynamic_gather %max3A_305[%gather3A_317] in [0] : vector<16xf32>, vector<16xi32> -> vector<16xf32>
      %max3A_319 = arith.maximumf %max3A_305, %gather3A_318 : vector<16xf32>
      %eq3A_320 = arith.cmpf oeq, %get3A_263, %max3A_319 : vector<16xf32>
      %jit3A_321 = arith.constant 16 : i32
      %broadcast_in_dim3A_322 = vector.broadcast %jit3A_321 : i32 to vector<16xi32>
      %select_n3A_323 = arith.select %eq3A_320, %iota3A, %broadcast_in_dim3A_322 : vector<16xi1>, vector<16xi32>
      %xor3A_324 = arith.constant 8 : i32
      %xor3A_325 = vector.broadcast %xor3A_324 : i32 to vector<16xi32>
      %xor3A_326 = arith.xori %iota3A, %xor3A_325 : vector<16xi32>
      %lt3A_327 = arith.constant 0 : i32
      %lt3A_328 = vector.broadcast %lt3A_327 : i32 to vector<16xi32>
      %lt3A_329 = arith.cmpi slt, %xor3A_326, %lt3A_328 : vector<16xi32>
      %add3A_330 = arith.constant 16 : i32
      %add3A_331 = vector.broadcast %add3A_330 : i32 to vector<16xi32>
      %add3A_332 = arith.addi %xor3A_326, %add3A_331 : vector<16xi32>
      %select_n3A_333 = arith.select %lt3A_329, %add3A_332, %xor3A_326 : vector<16xi1>, vector<16xi32>
      %broadcast_in_dim3A_334 = vector.shape_cast %select_n3A_333 : vector<16xi32> to vector<16x1xi32>
      %gather3A_335 = vector.shape_cast %broadcast_in_dim3A_334 : vector<16x1xi32> to vector<16xi32>
      %gather3A_336 = tpu.dynamic_gather %select_n3A_323[%gather3A_335] in [0] : vector<16xi32>, vector<16xi32> -> vector<16xi32>
      %min3A_337 = arith.minsi %select_n3A_323, %gather3A_336 : vector<16xi32>
      %xor3A_338 = arith.constant 4 : i32
      %xor3A_339 = vector.broadcast %xor3A_338 : i32 to vector<16xi32>
      %xor3A_340 = arith.xori %iota3A, %xor3A_339 : vector<16xi32>
      %lt3A_341 = arith.constant 0 : i32
      %lt3A_342 = vector.broadcast %lt3A_341 : i32 to vector<16xi32>
      %lt3A_343 = arith.cmpi slt, %xor3A_340, %lt3A_342 : vector<16xi32>
      %add3A_344 = arith.constant 16 : i32
      %add3A_345 = vector.broadcast %add3A_344 : i32 to vector<16xi32>
      %add3A_346 = arith.addi %xor3A_340, %add3A_345 : vector<16xi32>
      %select_n3A_347 = arith.select %lt3A_343, %add3A_346, %xor3A_340 : vector<16xi1>, vector<16xi32>
      %broadcast_in_dim3A_348 = vector.shape_cast %select_n3A_347 : vector<16xi32> to vector<16x1xi32>
      %gather3A_349 = vector.shape_cast %broadcast_in_dim3A_348 : vector<16x1xi32> to vector<16xi32>
      %gather3A_350 = tpu.dynamic_gather %min3A_337[%gather3A_349] in [0] : vector<16xi32>, vector<16xi32> -> vector<16xi32>
      %min3A_351 = arith.minsi %min3A_337, %gather3A_350 : vector<16xi32>
      %xor3A_352 = arith.constant 2 : i32
      %xor3A_353 = vector.broadcast %xor3A_352 : i32 to vector<16xi32>
      %xor3A_354 = arith.xori %iota3A, %xor3A_353 : vector<16xi32>
      %lt3A_355 = arith.constant 0 : i32
      %lt3A_356 = vector.broadcast %lt3A_355 : i32 to vector<16xi32>
      %lt3A_357 = arith.cmpi slt, %xor3A_354, %lt3A_356 : vector<16xi32>
      %add3A_358 = arith.constant 16 : i32
      %add3A_359 = vector.broadcast %add3A_358 : i32 to vector<16xi32>
      %add3A_360 = arith.addi %xor3A_354, %add3A_359 : vector<16xi32>
      %select_n3A_361 = arith.select %lt3A_357, %add3A_360, %xor3A_354 : vector<16xi1>, vector<16xi32>
      %broadcast_in_dim3A_362 = vector.shape_cast %select_n3A_361 : vector<16xi32> to vector<16x1xi32>
      %gather3A_363 = vector.shape_cast %broadcast_in_dim3A_362 : vector<16x1xi32> to vector<16xi32>
      %gather3A_364 = tpu.dynamic_gather %min3A_351[%gather3A_363] in [0] : vector<16xi32>, vector<16xi32> -> vector<16xi32>
      %min3A_365 = arith.minsi %min3A_351, %gather3A_364 : vector<16xi32>
      %xor3A_366 = arith.constant 1 : i32
      %xor3A_367 = vector.broadcast %xor3A_366 : i32 to vector<16xi32>
      %xor3A_368 = arith.xori %iota3A, %xor3A_367 : vector<16xi32>
      %lt3A_369 = arith.constant 0 : i32
      %lt3A_370 = vector.broadcast %lt3A_369 : i32 to vector<16xi32>
      %lt3A_371 = arith.cmpi slt, %xor3A_368, %lt3A_370 : vector<16xi32>
      %add3A_372 = arith.constant 16 : i32
      %add3A_373 = vector.broadcast %add3A_372 : i32 to vector<16xi32>
      %add3A_374 = arith.addi %xor3A_368, %add3A_373 : vector<16xi32>
      %select_n3A_375 = arith.select %lt3A_371, %add3A_374, %xor3A_368 : vector<16xi1>, vector<16xi32>
      %broadcast_in_dim3A_376 = vector.shape_cast %select_n3A_375 : vector<16xi32> to vector<16x1xi32>
      %gather3A_377 = vector.shape_cast %broadcast_in_dim3A_376 : vector<16x1xi32> to vector<16xi32>
      %gather3A_378 = tpu.dynamic_gather %min3A_365[%gather3A_377] in [0] : vector<16xi32>, vector<16xi32> -> vector<16xi32>
      %min3A_379 = arith.minsi %min3A_365, %gather3A_378 : vector<16xi32>
      %eq3A_380 = arith.cmpi eq, %iota3A, %min3A_379 : vector<16xi32>
      %jit3A_381 = arith.constant -1.000000e+30 : f32
      %broadcast_in_dim3A_382 = vector.broadcast %jit3A_381 : f32 to vector<16xf32>
      %select_n3A_383 = arith.select %eq3A_380, %broadcast_in_dim3A_382, %get3A_263 : vector<16xi1>, vector<16xf32>
      %xor3A_384 = arith.constant 8 : i32
      %xor3A_385 = vector.broadcast %xor3A_384 : i32 to vector<16xi32>
      %xor3A_386 = arith.xori %iota3A, %xor3A_385 : vector<16xi32>
      %lt3A_387 = arith.constant 0 : i32
      %lt3A_388 = vector.broadcast %lt3A_387 : i32 to vector<16xi32>
      %lt3A_389 = arith.cmpi slt, %xor3A_386, %lt3A_388 : vector<16xi32>
      %add3A_390 = arith.constant 16 : i32
      %add3A_391 = vector.broadcast %add3A_390 : i32 to vector<16xi32>
      %add3A_392 = arith.addi %xor3A_386, %add3A_391 : vector<16xi32>
      %select_n3A_393 = arith.select %lt3A_389, %add3A_392, %xor3A_386 : vector<16xi1>, vector<16xi32>
      %broadcast_in_dim3A_394 = vector.shape_cast %select_n3A_393 : vector<16xi32> to vector<16x1xi32>
      %gather3A_395 = vector.shape_cast %broadcast_in_dim3A_394 : vector<16x1xi32> to vector<16xi32>
      %gather3A_396 = tpu.dynamic_gather %select_n3A_383[%gather3A_395] in [0] : vector<16xf32>, vector<16xi32> -> vector<16xf32>
      %max3A_397 = arith.maximumf %select_n3A_383, %gather3A_396 : vector<16xf32>
      %xor3A_398 = arith.constant 4 : i32
      %xor3A_399 = vector.broadcast %xor3A_398 : i32 to vector<16xi32>
      %xor3A_400 = arith.xori %iota3A, %xor3A_399 : vector<16xi32>
      %lt3A_401 = arith.constant 0 : i32
      %lt3A_402 = vector.broadcast %lt3A_401 : i32 to vector<16xi32>
      %lt3A_403 = arith.cmpi slt, %xor3A_400, %lt3A_402 : vector<16xi32>
      %add3A_404 = arith.constant 16 : i32
      %add3A_405 = vector.broadcast %add3A_404 : i32 to vector<16xi32>
      %add3A_406 = arith.addi %xor3A_400, %add3A_405 : vector<16xi32>
      %select_n3A_407 = arith.select %lt3A_403, %add3A_406, %xor3A_400 : vector<16xi1>, vector<16xi32>
      %broadcast_in_dim3A_408 = vector.shape_cast %select_n3A_407 : vector<16xi32> to vector<16x1xi32>
      %gather3A_409 = vector.shape_cast %broadcast_in_dim3A_408 : vector<16x1xi32> to vector<16xi32>
      %gather3A_410 = tpu.dynamic_gather %max3A_397[%gather3A_409] in [0] : vector<16xf32>, vector<16xi32> -> vector<16xf32>
      %max3A_411 = arith.maximumf %max3A_397, %gather3A_410 : vector<16xf32>
      %xor3A_412 = arith.constant 2 : i32
      %xor3A_413 = vector.broadcast %xor3A_412 : i32 to vector<16xi32>
      %xor3A_414 = arith.xori %iota3A, %xor3A_413 : vector<16xi32>
      %lt3A_415 = arith.constant 0 : i32
      %lt3A_416 = vector.broadcast %lt3A_415 : i32 to vector<16xi32>
      %lt3A_417 = arith.cmpi slt, %xor3A_414, %lt3A_416 : vector<16xi32>
      %add3A_418 = arith.constant 16 : i32
      %add3A_419 = vector.broadcast %add3A_418 : i32 to vector<16xi32>
      %add3A_420 = arith.addi %xor3A_414, %add3A_419 : vector<16xi32>
      %select_n3A_421 = arith.select %lt3A_417, %add3A_420, %xor3A_414 : vector<16xi1>, vector<16xi32>
      %broadcast_in_dim3A_422 = vector.shape_cast %select_n3A_421 : vector<16xi32> to vector<16x1xi32>
      %gather3A_423 = vector.shape_cast %broadcast_in_dim3A_422 : vector<16x1xi32> to vector<16xi32>
      %gather3A_424 = tpu.dynamic_gather %max3A_411[%gather3A_423] in [0] : vector<16xf32>, vector<16xi32> -> vector<16xf32>
      %max3A_425 = arith.maximumf %max3A_411, %gather3A_424 : vector<16xf32>
      %xor3A_426 = arith.constant 1 : i32
      %xor3A_427 = vector.broadcast %xor3A_426 : i32 to vector<16xi32>
      %xor3A_428 = arith.xori %iota3A, %xor3A_427 : vector<16xi32>
      %lt3A_429 = arith.constant 0 : i32
      %lt3A_430 = vector.broadcast %lt3A_429 : i32 to vector<16xi32>
      %lt3A_431 = arith.cmpi slt, %xor3A_428, %lt3A_430 : vector<16xi32>
      %add3A_432 = arith.constant 16 : i32
      %add3A_433 = vector.broadcast %add3A_432 : i32 to vector<16xi32>
      %add3A_434 = arith.addi %xor3A_428, %add3A_433 : vector<16xi32>
      %select_n3A_435 = arith.select %lt3A_431, %add3A_434, %xor3A_428 : vector<16xi1>, vector<16xi32>
      %broadcast_in_dim3A_436 = vector.shape_cast %select_n3A_435 : vector<16xi32> to vector<16x1xi32>
      %gather3A_437 = vector.shape_cast %broadcast_in_dim3A_436 : vector<16x1xi32> to vector<16xi32>
      %gather3A_438 = tpu.dynamic_gather %max3A_425[%gather3A_437] in [0] : vector<16xf32>, vector<16xi32> -> vector<16xf32>
      %max3A_439 = arith.maximumf %max3A_425, %gather3A_438 : vector<16xf32>
      %eq3A_440 = arith.cmpf oeq, %select_n3A_383, %max3A_439 : vector<16xf32>
      %jit3A_441 = arith.constant 16 : i32
      %broadcast_in_dim3A_442 = vector.broadcast %jit3A_441 : i32 to vector<16xi32>
      %select_n3A_443 = arith.select %eq3A_440, %iota3A, %broadcast_in_dim3A_442 : vector<16xi1>, vector<16xi32>
      %xor3A_444 = arith.constant 8 : i32
      %xor3A_445 = vector.broadcast %xor3A_444 : i32 to vector<16xi32>
      %xor3A_446 = arith.xori %iota3A, %xor3A_445 : vector<16xi32>
      %lt3A_447 = arith.constant 0 : i32
      %lt3A_448 = vector.broadcast %lt3A_447 : i32 to vector<16xi32>
      %lt3A_449 = arith.cmpi slt, %xor3A_446, %lt3A_448 : vector<16xi32>
      %add3A_450 = arith.constant 16 : i32
      %add3A_451 = vector.broadcast %add3A_450 : i32 to vector<16xi32>
      %add3A_452 = arith.addi %xor3A_446, %add3A_451 : vector<16xi32>
      %select_n3A_453 = arith.select %lt3A_449, %add3A_452, %xor3A_446 : vector<16xi1>, vector<16xi32>
      %broadcast_in_dim3A_454 = vector.shape_cast %select_n3A_453 : vector<16xi32> to vector<16x1xi32>
      %gather3A_455 = vector.shape_cast %broadcast_in_dim3A_454 : vector<16x1xi32> to vector<16xi32>
      %gather3A_456 = tpu.dynamic_gather %select_n3A_443[%gather3A_455] in [0] : vector<16xi32>, vector<16xi32> -> vector<16xi32>
      %min3A_457 = arith.minsi %select_n3A_443, %gather3A_456 : vector<16xi32>
      %xor3A_458 = arith.constant 4 : i32
      %xor3A_459 = vector.broadcast %xor3A_458 : i32 to vector<16xi32>
      %xor3A_460 = arith.xori %iota3A, %xor3A_459 : vector<16xi32>
      %lt3A_461 = arith.constant 0 : i32
      %lt3A_462 = vector.broadcast %lt3A_461 : i32 to vector<16xi32>
      %lt3A_463 = arith.cmpi slt, %xor3A_460, %lt3A_462 : vector<16xi32>
      %add3A_464 = arith.constant 16 : i32
      %add3A_465 = vector.broadcast %add3A_464 : i32 to vector<16xi32>
      %add3A_466 = arith.addi %xor3A_460, %add3A_465 : vector<16xi32>
      %select_n3A_467 = arith.select %lt3A_463, %add3A_466, %xor3A_460 : vector<16xi1>, vector<16xi32>
      %broadcast_in_dim3A_468 = vector.shape_cast %select_n3A_467 : vector<16xi32> to vector<16x1xi32>
      %gather3A_469 = vector.shape_cast %broadcast_in_dim3A_468 : vector<16x1xi32> to vector<16xi32>
      %gather3A_470 = tpu.dynamic_gather %min3A_457[%gather3A_469] in [0] : vector<16xi32>, vector<16xi32> -> vector<16xi32>
      %min3A_471 = arith.minsi %min3A_457, %gather3A_470 : vector<16xi32>
      %xor3A_472 = arith.constant 2 : i32
      %xor3A_473 = vector.broadcast %xor3A_472 : i32 to vector<16xi32>
      %xor3A_474 = arith.xori %iota3A, %xor3A_473 : vector<16xi32>
      %lt3A_475 = arith.constant 0 : i32
      %lt3A_476 = vector.broadcast %lt3A_475 : i32 to vector<16xi32>
      %lt3A_477 = arith.cmpi slt, %xor3A_474, %lt3A_476 : vector<16xi32>
      %add3A_478 = arith.constant 16 : i32
      %add3A_479 = vector.broadcast %add3A_478 : i32 to vector<16xi32>
      %add3A_480 = arith.addi %xor3A_474, %add3A_479 : vector<16xi32>
      %select_n3A_481 = arith.select %lt3A_477, %add3A_480, %xor3A_474 : vector<16xi1>, vector<16xi32>
      %broadcast_in_dim3A_482 = vector.shape_cast %select_n3A_481 : vector<16xi32> to vector<16x1xi32>
      %gather3A_483 = vector.shape_cast %broadcast_in_dim3A_482 : vector<16x1xi32> to vector<16xi32>
      %gather3A_484 = tpu.dynamic_gather %min3A_471[%gather3A_483] in [0] : vector<16xi32>, vector<16xi32> -> vector<16xi32>
      %min3A_485 = arith.minsi %min3A_471, %gather3A_484 : vector<16xi32>
      %xor3A_486 = arith.constant 1 : i32
      %xor3A_487 = vector.broadcast %xor3A_486 : i32 to vector<16xi32>
      %xor3A_488 = arith.xori %iota3A, %xor3A_487 : vector<16xi32>
      %lt3A_489 = arith.constant 0 : i32
      %lt3A_490 = vector.broadcast %lt3A_489 : i32 to vector<16xi32>
      %lt3A_491 = arith.cmpi slt, %xor3A_488, %lt3A_490 : vector<16xi32>
      %add3A_492 = arith.constant 16 : i32
      %add3A_493 = vector.broadcast %add3A_492 : i32 to vector<16xi32>
      %add3A_494 = arith.addi %xor3A_488, %add3A_493 : vector<16xi32>
      %select_n3A_495 = arith.select %lt3A_491, %add3A_494, %xor3A_488 : vector<16xi1>, vector<16xi32>
      %broadcast_in_dim3A_496 = vector.shape_cast %select_n3A_495 : vector<16xi32> to vector<16x1xi32>
      %gather3A_497 = vector.shape_cast %broadcast_in_dim3A_496 : vector<16x1xi32> to vector<16xi32>
      %gather3A_498 = tpu.dynamic_gather %min3A_485[%gather3A_497] in [0] : vector<16xi32>, vector<16xi32> -> vector<16xi32>
      %min3A_499 = arith.minsi %min3A_485, %gather3A_498 : vector<16xi32>
      %sub3A_500 = arith.subf %max3A_439, %max3A_319 : vector<16xf32>
      %exp3A_501 = math.exp %sub3A_500 : vector<16xf32>
      %add3A_502 = arith.constant 1.000000e+00 : f32
      %add3A_503 = vector.broadcast %add3A_502 : f32 to vector<16xf32>
      %add3A_504 = arith.addf %add3A_503, %exp3A_501 : vector<16xf32>
      %div3A_505 = arith.constant 1.000000e+00 : f32
      %div3A_506 = vector.broadcast %div3A_505 : f32 to vector<16xf32>
      %div3A_507 = arith.divf %div3A_506, %add3A_504 : vector<16xf32>
      %sub3A_508 = arith.constant 1.000000e+00 : f32
      %sub3A_509 = vector.broadcast %sub3A_508 : f32 to vector<16xf32>
      %sub3A_510 = arith.subf %sub3A_509, %div3A_507 : vector<16xf32>
      %eq3A_511 = arith.cmpi eq, %iota3A, %min3A_379 : vector<16xi32>
      %jit3A_512 = arith.constant 0.000000e+00 : f32
      %broadcast_in_dim3A_513 = vector.broadcast %jit3A_512 : f32 to vector<16xf32>
      %select_n3A_514 = arith.select %eq3A_511, %div3A_507, %broadcast_in_dim3A_513 : vector<16xi1>, vector<16xf32>
      %eq3A_515 = arith.cmpi eq, %iota3A, %min3A_499 : vector<16xi32>
      %jit3A_516 = arith.constant 0.000000e+00 : f32
      %broadcast_in_dim3A_517 = vector.broadcast %jit3A_516 : f32 to vector<16xf32>
      %select_n3A_518 = arith.select %eq3A_515, %sub3A_510, %broadcast_in_dim3A_517 : vector<16xi1>, vector<16xf32>
      %add3A_519 = arith.addf %select_n3A_514, %select_n3A_518 : vector<16xf32>
      %swap3A_520 = arith.constant 1 : i32
      %swap3A_521 = arith.index_cast %swap3A_520 : i32 to index
      %swap3A_522 = arith.constant 0 : index
      %swap3A_523 = tpu.vector_load %arg5[%swap3A_521, %swap3A_522] {strides = array<i32>} : memref<8x16xf32, #tpu.memory_space<vmem>>, vector<1x16xf32>,
      %swap3A_524 = vector.shape_cast %swap3A_523 : vector<1x16xf32> to vector<16xf32>
      %swap3A_525 = vector.shape_cast %add3A_519 : vector<16xf32> to vector<1x16xf32>
      tpu.vector_store %arg5[%swap3A_521, %swap3A_522], %swap3A_525 {strides = array<i32>} : memref<8x16xf32, #tpu.memory_space<vmem>>, vector<1x16xf32>,
      %get3A_526 = arith.constant 2 : i32
      %get3A_527 = arith.index_cast %get3A_526 : i32 to index
      %get3A_528 = arith.constant 0 : index
      %get3A_529 = tpu.vector_load %arg4[%get3A_527, %get3A_528] {strides = array<i32>} : memref<8x16xf32, #tpu.memory_space<vmem>>, vector<1x16xf32>,
      %get3A_530 = vector.shape_cast %get3A_529 : vector<1x16xf32> to vector<16xf32>
      %xor3A_531 = arith.constant 8 : i32
      %xor3A_532 = vector.broadcast %xor3A_531 : i32 to vector<16xi32>
      %xor3A_533 = arith.xori %iota3A, %xor3A_532 : vector<16xi32>
      %lt3A_534 = arith.constant 0 : i32
      %lt3A_535 = vector.broadcast %lt3A_534 : i32 to vector<16xi32>
      %lt3A_536 = arith.cmpi slt, %xor3A_533, %lt3A_535 : vector<16xi32>
      %add3A_537 = arith.constant 16 : i32
      %add3A_538 = vector.broadcast %add3A_537 : i32 to vector<16xi32>
      %add3A_539 = arith.addi %xor3A_533, %add3A_538 : vector<16xi32>
      %select_n3A_540 = arith.select %lt3A_536, %add3A_539, %xor3A_533 : vector<16xi1>, vector<16xi32>
      %broadcast_in_dim3A_541 = vector.shape_cast %select_n3A_540 : vector<16xi32> to vector<16x1xi32>
      %gather3A_542 = vector.shape_cast %broadcast_in_dim3A_541 : vector<16x1xi32> to vector<16xi32>
      %gather3A_543 = tpu.dynamic_gather %get3A_530[%gather3A_542] in [0] : vector<16xf32>, vector<16xi32> -> vector<16xf32>
      %max3A_544 = arith.maximumf %get3A_530, %gather3A_543 : vector<16xf32>
      %xor3A_545 = arith.constant 4 : i32
      %xor3A_546 = vector.broadcast %xor3A_545 : i32 to vector<16xi32>
      %xor3A_547 = arith.xori %iota3A, %xor3A_546 : vector<16xi32>
      %lt3A_548 = arith.constant 0 : i32
      %lt3A_549 = vector.broadcast %lt3A_548 : i32 to vector<16xi32>
      %lt3A_550 = arith.cmpi slt, %xor3A_547, %lt3A_549 : vector<16xi32>
      %add3A_551 = arith.constant 16 : i32
      %add3A_552 = vector.broadcast %add3A_551 : i32 to vector<16xi32>
      %add3A_553 = arith.addi %xor3A_547, %add3A_552 : vector<16xi32>
      %select_n3A_554 = arith.select %lt3A_550, %add3A_553, %xor3A_547 : vector<16xi1>, vector<16xi32>
      %broadcast_in_dim3A_555 = vector.shape_cast %select_n3A_554 : vector<16xi32> to vector<16x1xi32>
      %gather3A_556 = vector.shape_cast %broadcast_in_dim3A_555 : vector<16x1xi32> to vector<16xi32>
      %gather3A_557 = tpu.dynamic_gather %max3A_544[%gather3A_556] in [0] : vector<16xf32>, vector<16xi32> -> vector<16xf32>
      %max3A_558 = arith.maximumf %max3A_544, %gather3A_557 : vector<16xf32>
      %xor3A_559 = arith.constant 2 : i32
      %xor3A_560 = vector.broadcast %xor3A_559 : i32 to vector<16xi32>
      %xor3A_561 = arith.xori %iota3A, %xor3A_560 : vector<16xi32>
      %lt3A_562 = arith.constant 0 : i32
      %lt3A_563 = vector.broadcast %lt3A_562 : i32 to vector<16xi32>
      %lt3A_564 = arith.cmpi slt, %xor3A_561, %lt3A_563 : vector<16xi32>
      %add3A_565 = arith.constant 16 : i32
      %add3A_566 = vector.broadcast %add3A_565 : i32 to vector<16xi32>
      %add3A_567 = arith.addi %xor3A_561, %add3A_566 : vector<16xi32>
      %select_n3A_568 = arith.select %lt3A_564, %add3A_567, %xor3A_561 : vector<16xi1>, vector<16xi32>
      %broadcast_in_dim3A_569 = vector.shape_cast %select_n3A_568 : vector<16xi32> to vector<16x1xi32>
      %gather3A_570 = vector.shape_cast %broadcast_in_dim3A_569 : vector<16x1xi32> to vector<16xi32>
      %gather3A_571 = tpu.dynamic_gather %max3A_558[%gather3A_570] in [0] : vector<16xf32>, vector<16xi32> -> vector<16xf32>
      %max3A_572 = arith.maximumf %max3A_558, %gather3A_571 : vector<16xf32>
      %xor3A_573 = arith.constant 1 : i32
      %xor3A_574 = vector.broadcast %xor3A_573 : i32 to vector<16xi32>
      %xor3A_575 = arith.xori %iota3A, %xor3A_574 : vector<16xi32>
      %lt3A_576 = arith.constant 0 : i32
      %lt3A_577 = vector.broadcast %lt3A_576 : i32 to vector<16xi32>
      %lt3A_578 = arith.cmpi slt, %xor3A_575, %lt3A_577 : vector<16xi32>
      %add3A_579 = arith.constant 16 : i32
      %add3A_580 = vector.broadcast %add3A_579 : i32 to vector<16xi32>
      %add3A_581 = arith.addi %xor3A_575, %add3A_580 : vector<16xi32>
      %select_n3A_582 = arith.select %lt3A_578, %add3A_581, %xor3A_575 : vector<16xi1>, vector<16xi32>
      %broadcast_in_dim3A_583 = vector.shape_cast %select_n3A_582 : vector<16xi32> to vector<16x1xi32>
      %gather3A_584 = vector.shape_cast %broadcast_in_dim3A_583 : vector<16x1xi32> to vector<16xi32>
      %gather3A_585 = tpu.dynamic_gather %max3A_572[%gather3A_584] in [0] : vector<16xf32>, vector<16xi32> -> vector<16xf32>
      %max3A_586 = arith.maximumf %max3A_572, %gather3A_585 : vector<16xf32>
      %eq3A_587 = arith.cmpf oeq, %get3A_530, %max3A_586 : vector<16xf32>
      %jit3A_588 = arith.constant 16 : i32
      %broadcast_in_dim3A_589 = vector.broadcast %jit3A_588 : i32 to vector<16xi32>
      %select_n3A_590 = arith.select %eq3A_587, %iota3A, %broadcast_in_dim3A_589 : vector<16xi1>, vector<16xi32>
      %xor3A_591 = arith.constant 8 : i32
      %xor3A_592 = vector.broadcast %xor3A_591 : i32 to vector<16xi32>
      %xor3A_593 = arith.xori %iota3A, %xor3A_592 : vector<16xi32>
      %lt3A_594 = arith.constant 0 : i32
      %lt3A_595 = vector.broadcast %lt3A_594 : i32 to vector<16xi32>
      %lt3A_596 = arith.cmpi slt, %xor3A_593, %lt3A_595 : vector<16xi32>
      %add3A_597 = arith.constant 16 : i32
      %add3A_598 = vector.broadcast %add3A_597 : i32 to vector<16xi32>
      %add3A_599 = arith.addi %xor3A_593, %add3A_598 : vector<16xi32>
      %select_n3A_600 = arith.select %lt3A_596, %add3A_599, %xor3A_593 : vector<16xi1>, vector<16xi32>
      %broadcast_in_dim3A_601 = vector.shape_cast %select_n3A_600 : vector<16xi32> to vector<16x1xi32>
      %gather3A_602 = vector.shape_cast %broadcast_in_dim3A_601 : vector<16x1xi32> to vector<16xi32>
      %gather3A_603 = tpu.dynamic_gather %select_n3A_590[%gather3A_602] in [0] : vector<16xi32>, vector<16xi32> -> vector<16xi32>
      %min3A_604 = arith.minsi %select_n3A_590, %gather3A_603 : vector<16xi32>
      %xor3A_605 = arith.constant 4 : i32
      %xor3A_606 = vector.broadcast %xor3A_605 : i32 to vector<16xi32>
      %xor3A_607 = arith.xori %iota3A, %xor3A_606 : vector<16xi32>
      %lt3A_608 = arith.constant 0 : i32
      %lt3A_609 = vector.broadcast %lt3A_608 : i32 to vector<16xi32>
      %lt3A_610 = arith.cmpi slt, %xor3A_607, %lt3A_609 : vector<16xi32>
      %add3A_611 = arith.constant 16 : i32
      %add3A_612 = vector.broadcast %add3A_611 : i32 to vector<16xi32>
      %add3A_613 = arith.addi %xor3A_607, %add3A_612 : vector<16xi32>
      %select_n3A_614 = arith.select %lt3A_610, %add3A_613, %xor3A_607 : vector<16xi1>, vector<16xi32>
      %broadcast_in_dim3A_615 = vector.shape_cast %select_n3A_614 : vector<16xi32> to vector<16x1xi32>
      %gather3A_616 = vector.shape_cast %broadcast_in_dim3A_615 : vector<16x1xi32> to vector<16xi32>
      %gather3A_617 = tpu.dynamic_gather %min3A_604[%gather3A_616] in [0] : vector<16xi32>, vector<16xi32> -> vector<16xi32>
      %min3A_618 = arith.minsi %min3A_604, %gather3A_617 : vector<16xi32>
      %xor3A_619 = arith.constant 2 : i32
      %xor3A_620 = vector.broadcast %xor3A_619 : i32 to vector<16xi32>
      %xor3A_621 = arith.xori %iota3A, %xor3A_620 : vector<16xi32>
      %lt3A_622 = arith.constant 0 : i32
      %lt3A_623 = vector.broadcast %lt3A_622 : i32 to vector<16xi32>
      %lt3A_624 = arith.cmpi slt, %xor3A_621, %lt3A_623 : vector<16xi32>
      %add3A_625 = arith.constant 16 : i32
      %add3A_626 = vector.broadcast %add3A_625 : i32 to vector<16xi32>
      %add3A_627 = arith.addi %xor3A_621, %add3A_626 : vector<16xi32>
      %select_n3A_628 = arith.select %lt3A_624, %add3A_627, %xor3A_621 : vector<16xi1>, vector<16xi32>
      %broadcast_in_dim3A_629 = vector.shape_cast %select_n3A_628 : vector<16xi32> to vector<16x1xi32>
      %gather3A_630 = vector.shape_cast %broadcast_in_dim3A_629 : vector<16x1xi32> to vector<16xi32>
      %gather3A_631 = tpu.dynamic_gather %min3A_618[%gather3A_630] in [0] : vector<16xi32>, vector<16xi32> -> vector<16xi32>
      %min3A_632 = arith.minsi %min3A_618, %gather3A_631 : vector<16xi32>
      %xor3A_633 = arith.constant 1 : i32
      %xor3A_634 = vector.broadcast %xor3A_633 : i32 to vector<16xi32>
      %xor3A_635 = arith.xori %iota3A, %xor3A_634 : vector<16xi32>
      %lt3A_636 = arith.constant 0 : i32
      %lt3A_637 = vector.broadcast %lt3A_636 : i32 to vector<16xi32>
      %lt3A_638 = arith.cmpi slt, %xor3A_635, %lt3A_637 : vector<16xi32>
      %add3A_639 = arith.constant 16 : i32
      %add3A_640 = vector.broadcast %add3A_639 : i32 to vector<16xi32>
      %add3A_641 = arith.addi %xor3A_635, %add3A_640 : vector<16xi32>
      %select_n3A_642 = arith.select %lt3A_638, %add3A_641, %xor3A_635 : vector<16xi1>, vector<16xi32>
      %broadcast_in_dim3A_643 = vector.shape_cast %select_n3A_642 : vector<16xi32> to vector<16x1xi32>
      %gather3A_644 = vector.shape_cast %broadcast_in_dim3A_643 : vector<16x1xi32> to vector<16xi32>
      %gather3A_645 = tpu.dynamic_gather %min3A_632[%gather3A_644] in [0] : vector<16xi32>, vector<16xi32> -> vector<16xi32>
      %min3A_646 = arith.minsi %min3A_632, %gather3A_645 : vector<16xi32>
      %eq3A_647 = arith.cmpi eq, %iota3A, %min3A_646 : vector<16xi32>
      %jit3A_648 = arith.constant -1.000000e+30 : f32
      %broadcast_in_dim3A_649 = vector.broadcast %jit3A_648 : f32 to vector<16xf32>
      %select_n3A_650 = arith.select %eq3A_647, %broadcast_in_dim3A_649, %get3A_530 : vector<16xi1>, vector<16xf32>
      %xor3A_651 = arith.constant 8 : i32
      %xor3A_652 = vector.broadcast %xor3A_651 : i32 to vector<16xi32>
      %xor3A_653 = arith.xori %iota3A, %xor3A_652 : vector<16xi32>
      %lt3A_654 = arith.constant 0 : i32
      %lt3A_655 = vector.broadcast %lt3A_654 : i32 to vector<16xi32>
      %lt3A_656 = arith.cmpi slt, %xor3A_653, %lt3A_655 : vector<16xi32>
      %add3A_657 = arith.constant 16 : i32
      %add3A_658 = vector.broadcast %add3A_657 : i32 to vector<16xi32>
      %add3A_659 = arith.addi %xor3A_653, %add3A_658 : vector<16xi32>
      %select_n3A_660 = arith.select %lt3A_656, %add3A_659, %xor3A_653 : vector<16xi1>, vector<16xi32>
      %broadcast_in_dim3A_661 = vector.shape_cast %select_n3A_660 : vector<16xi32> to vector<16x1xi32>
      %gather3A_662 = vector.shape_cast %broadcast_in_dim3A_661 : vector<16x1xi32> to vector<16xi32>
      %gather3A_663 = tpu.dynamic_gather %select_n3A_650[%gather3A_662] in [0] : vector<16xf32>, vector<16xi32> -> vector<16xf32>
      %max3A_664 = arith.maximumf %select_n3A_650, %gather3A_663 : vector<16xf32>
      %xor3A_665 = arith.constant 4 : i32
      %xor3A_666 = vector.broadcast %xor3A_665 : i32 to vector<16xi32>
      %xor3A_667 = arith.xori %iota3A, %xor3A_666 : vector<16xi32>
      %lt3A_668 = arith.constant 0 : i32
      %lt3A_669 = vector.broadcast %lt3A_668 : i32 to vector<16xi32>
      %lt3A_670 = arith.cmpi slt, %xor3A_667, %lt3A_669 : vector<16xi32>
      %add3A_671 = arith.constant 16 : i32
      %add3A_672 = vector.broadcast %add3A_671 : i32 to vector<16xi32>
      %add3A_673 = arith.addi %xor3A_667, %add3A_672 : vector<16xi32>
      %select_n3A_674 = arith.select %lt3A_670, %add3A_673, %xor3A_667 : vector<16xi1>, vector<16xi32>
      %broadcast_in_dim3A_675 = vector.shape_cast %select_n3A_674 : vector<16xi32> to vector<16x1xi32>
      %gather3A_676 = vector.shape_cast %broadcast_in_dim3A_675 : vector<16x1xi32> to vector<16xi32>
      %gather3A_677 = tpu.dynamic_gather %max3A_664[%gather3A_676] in [0] : vector<16xf32>, vector<16xi32> -> vector<16xf32>
      %max3A_678 = arith.maximumf %max3A_664, %gather3A_677 : vector<16xf32>
      %xor3A_679 = arith.constant 2 : i32
      %xor3A_680 = vector.broadcast %xor3A_679 : i32 to vector<16xi32>
      %xor3A_681 = arith.xori %iota3A, %xor3A_680 : vector<16xi32>
      %lt3A_682 = arith.constant 0 : i32
      %lt3A_683 = vector.broadcast %lt3A_682 : i32 to vector<16xi32>
      %lt3A_684 = arith.cmpi slt, %xor3A_681, %lt3A_683 : vector<16xi32>
      %add3A_685 = arith.constant 16 : i32
      %add3A_686 = vector.broadcast %add3A_685 : i32 to vector<16xi32>
      %add3A_687 = arith.addi %xor3A_681, %add3A_686 : vector<16xi32>
      %select_n3A_688 = arith.select %lt3A_684, %add3A_687, %xor3A_681 : vector<16xi1>, vector<16xi32>
      %broadcast_in_dim3A_689 = vector.shape_cast %select_n3A_688 : vector<16xi32> to vector<16x1xi32>
      %gather3A_690 = vector.shape_cast %broadcast_in_dim3A_689 : vector<16x1xi32> to vector<16xi32>
      %gather3A_691 = tpu.dynamic_gather %max3A_678[%gather3A_690] in [0] : vector<16xf32>, vector<16xi32> -> vector<16xf32>
      %max3A_692 = arith.maximumf %max3A_678, %gather3A_691 : vector<16xf32>
      %xor3A_693 = arith.constant 1 : i32
      %xor3A_694 = vector.broadcast %xor3A_693 : i32 to vector<16xi32>
      %xor3A_695 = arith.xori %iota3A, %xor3A_694 : vector<16xi32>
      %lt3A_696 = arith.constant 0 : i32
      %lt3A_697 = vector.broadcast %lt3A_696 : i32 to vector<16xi32>
      %lt3A_698 = arith.cmpi slt, %xor3A_695, %lt3A_697 : vector<16xi32>
      %add3A_699 = arith.constant 16 : i32
      %add3A_700 = vector.broadcast %add3A_699 : i32 to vector<16xi32>
      %add3A_701 = arith.addi %xor3A_695, %add3A_700 : vector<16xi32>
      %select_n3A_702 = arith.select %lt3A_698, %add3A_701, %xor3A_695 : vector<16xi1>, vector<16xi32>
      %broadcast_in_dim3A_703 = vector.shape_cast %select_n3A_702 : vector<16xi32> to vector<16x1xi32>
      %gather3A_704 = vector.shape_cast %broadcast_in_dim3A_703 : vector<16x1xi32> to vector<16xi32>
      %gather3A_705 = tpu.dynamic_gather %max3A_692[%gather3A_704] in [0] : vector<16xf32>, vector<16xi32> -> vector<16xf32>
      %max3A_706 = arith.maximumf %max3A_692, %gather3A_705 : vector<16xf32>
      %eq3A_707 = arith.cmpf oeq, %select_n3A_650, %max3A_706 : vector<16xf32>
      %jit3A_708 = arith.constant 16 : i32
      %broadcast_in_dim3A_709 = vector.broadcast %jit3A_708 : i32 to vector<16xi32>
      %select_n3A_710 = arith.select %eq3A_707, %iota3A, %broadcast_in_dim3A_709 : vector<16xi1>, vector<16xi32>
      %xor3A_711 = arith.constant 8 : i32
      %xor3A_712 = vector.broadcast %xor3A_711 : i32 to vector<16xi32>
      %xor3A_713 = arith.xori %iota3A, %xor3A_712 : vector<16xi32>
      %lt3A_714 = arith.constant 0 : i32
      %lt3A_715 = vector.broadcast %lt3A_714 : i32 to vector<16xi32>
      %lt3A_716 = arith.cmpi slt, %xor3A_713, %lt3A_715 : vector<16xi32>
      %add3A_717 = arith.constant 16 : i32
      %add3A_718 = vector.broadcast %add3A_717 : i32 to vector<16xi32>
      %add3A_719 = arith.addi %xor3A_713, %add3A_718 : vector<16xi32>
      %select_n3A_720 = arith.select %lt3A_716, %add3A_719, %xor3A_713 : vector<16xi1>, vector<16xi32>
      %broadcast_in_dim3A_721 = vector.shape_cast %select_n3A_720 : vector<16xi32> to vector<16x1xi32>
      %gather3A_722 = vector.shape_cast %broadcast_in_dim3A_721 : vector<16x1xi32> to vector<16xi32>
      %gather3A_723 = tpu.dynamic_gather %select_n3A_710[%gather3A_722] in [0] : vector<16xi32>, vector<16xi32> -> vector<16xi32>
      %min3A_724 = arith.minsi %select_n3A_710, %gather3A_723 : vector<16xi32>
      %xor3A_725 = arith.constant 4 : i32
      %xor3A_726 = vector.broadcast %xor3A_725 : i32 to vector<16xi32>
      %xor3A_727 = arith.xori %iota3A, %xor3A_726 : vector<16xi32>
      %lt3A_728 = arith.constant 0 : i32
      %lt3A_729 = vector.broadcast %lt3A_728 : i32 to vector<16xi32>
      %lt3A_730 = arith.cmpi slt, %xor3A_727, %lt3A_729 : vector<16xi32>
      %add3A_731 = arith.constant 16 : i32
      %add3A_732 = vector.broadcast %add3A_731 : i32 to vector<16xi32>
      %add3A_733 = arith.addi %xor3A_727, %add3A_732 : vector<16xi32>
      %select_n3A_734 = arith.select %lt3A_730, %add3A_733, %xor3A_727 : vector<16xi1>, vector<16xi32>
      %broadcast_in_dim3A_735 = vector.shape_cast %select_n3A_734 : vector<16xi32> to vector<16x1xi32>
      %gather3A_736 = vector.shape_cast %broadcast_in_dim3A_735 : vector<16x1xi32> to vector<16xi32>
      %gather3A_737 = tpu.dynamic_gather %min3A_724[%gather3A_736] in [0] : vector<16xi32>, vector<16xi32> -> vector<16xi32>
      %min3A_738 = arith.minsi %min3A_724, %gather3A_737 : vector<16xi32>
      %xor3A_739 = arith.constant 2 : i32
      %xor3A_740 = vector.broadcast %xor3A_739 : i32 to vector<16xi32>
      %xor3A_741 = arith.xori %iota3A, %xor3A_740 : vector<16xi32>
      %lt3A_742 = arith.constant 0 : i32
      %lt3A_743 = vector.broadcast %lt3A_742 : i32 to vector<16xi32>
      %lt3A_744 = arith.cmpi slt, %xor3A_741, %lt3A_743 : vector<16xi32>
      %add3A_745 = arith.constant 16 : i32
      %add3A_746 = vector.broadcast %add3A_745 : i32 to vector<16xi32>
      %add3A_747 = arith.addi %xor3A_741, %add3A_746 : vector<16xi32>
      %select_n3A_748 = arith.select %lt3A_744, %add3A_747, %xor3A_741 : vector<16xi1>, vector<16xi32>
      %broadcast_in_dim3A_749 = vector.shape_cast %select_n3A_748 : vector<16xi32> to vector<16x1xi32>
      %gather3A_750 = vector.shape_cast %broadcast_in_dim3A_749 : vector<16x1xi32> to vector<16xi32>
      %gather3A_751 = tpu.dynamic_gather %min3A_738[%gather3A_750] in [0] : vector<16xi32>, vector<16xi32> -> vector<16xi32>
      %min3A_752 = arith.minsi %min3A_738, %gather3A_751 : vector<16xi32>
      %xor3A_753 = arith.constant 1 : i32
      %xor3A_754 = vector.broadcast %xor3A_753 : i32 to vector<16xi32>
      %xor3A_755 = arith.xori %iota3A, %xor3A_754 : vector<16xi32>
      %lt3A_756 = arith.constant 0 : i32
      %lt3A_757 = vector.broadcast %lt3A_756 : i32 to vector<16xi32>
      %lt3A_758 = arith.cmpi slt, %xor3A_755, %lt3A_757 : vector<16xi32>
      %add3A_759 = arith.constant 16 : i32
      %add3A_760 = vector.broadcast %add3A_759 : i32 to vector<16xi32>
      %add3A_761 = arith.addi %xor3A_755, %add3A_760 : vector<16xi32>
      %select_n3A_762 = arith.select %lt3A_758, %add3A_761, %xor3A_755 : vector<16xi1>, vector<16xi32>
      %broadcast_in_dim3A_763 = vector.shape_cast %select_n3A_762 : vector<16xi32> to vector<16x1xi32>
      %gather3A_764 = vector.shape_cast %broadcast_in_dim3A_763 : vector<16x1xi32> to vector<16xi32>
      %gather3A_765 = tpu.dynamic_gather %min3A_752[%gather3A_764] in [0] : vector<16xi32>, vector<16xi32> -> vector<16xi32>
      %min3A_766 = arith.minsi %min3A_752, %gather3A_765 : vector<16xi32>
      %sub3A_767 = arith.subf %max3A_706, %max3A_586 : vector<16xf32>
      %exp3A_768 = math.exp %sub3A_767 : vector<16xf32>
      %add3A_769 = arith.constant 1.000000e+00 : f32
      %add3A_770 = vector.broadcast %add3A_769 : f32 to vector<16xf32>
      %add3A_771 = arith.addf %add3A_770, %exp3A_768 : vector<16xf32>
      %div3A_772 = arith.constant 1.000000e+00 : f32
      %div3A_773 = vector.broadcast %div3A_772 : f32 to vector<16xf32>
      %div3A_774 = arith.divf %div3A_773, %add3A_771 : vector<16xf32>
      %sub3A_775 = arith.constant 1.000000e+00 : f32
      %sub3A_776 = vector.broadcast %sub3A_775 : f32 to vector<16xf32>
      %sub3A_777 = arith.subf %sub3A_776, %div3A_774 : vector<16xf32>
      %eq3A_778 = arith.cmpi eq, %iota3A, %min3A_646 : vector<16xi32>
      %jit3A_779 = arith.constant 0.000000e+00 : f32
      %broadcast_in_dim3A_780 = vector.broadcast %jit3A_779 : f32 to vector<16xf32>
      %select_n3A_781 = arith.select %eq3A_778, %div3A_774, %broadcast_in_dim3A_780 : vector<16xi1>, vector<16xf32>
      %eq3A_782 = arith.cmpi eq, %iota3A, %min3A_766 : vector<16xi32>
      %jit3A_783 = arith.constant 0.000000e+00 : f32
      %broadcast_in_dim3A_784 = vector.broadcast %jit3A_783 : f32 to vector<16xf32>
      %select_n3A_785 = arith.select %eq3A_782, %sub3A_777, %broadcast_in_dim3A_784 : vector<16xi1>, vector<16xf32>
      %add3A_786 = arith.addf %select_n3A_781, %select_n3A_785 : vector<16xf32>
      %swap3A_787 = arith.constant 2 : i32
      %swap3A_788 = arith.index_cast %swap3A_787 : i32 to index
      %swap3A_789 = arith.constant 0 : index
      %swap3A_790 = tpu.vector_load %arg5[%swap3A_788, %swap3A_789] {strides = array<i32>} : memref<8x16xf32, #tpu.memory_space<vmem>>, vector<1x16xf32>,
      %swap3A_791 = vector.shape_cast %swap3A_790 : vector<1x16xf32> to vector<16xf32>
      %swap3A_792 = vector.shape_cast %add3A_786 : vector<16xf32> to vector<1x16xf32>
      tpu.vector_store %arg5[%swap3A_788, %swap3A_789], %swap3A_792 {strides = array<i32>} : memref<8x16xf32, #tpu.memory_space<vmem>>, vector<1x16xf32>,
      %get3A_793 = arith.constant 3 : i32
      %get3A_794 = arith.index_cast %get3A_793 : i32 to index
      %get3A_795 = arith.constant 0 : index
      %get3A_796 = tpu.vector_load %arg4[%get3A_794, %get3A_795] {strides = array<i32>} : memref<8x16xf32, #tpu.memory_space<vmem>>, vector<1x16xf32>,
      %get3A_797 = vector.shape_cast %get3A_796 : vector<1x16xf32> to vector<16xf32>
      %xor3A_798 = arith.constant 8 : i32
      %xor3A_799 = vector.broadcast %xor3A_798 : i32 to vector<16xi32>
      %xor3A_800 = arith.xori %iota3A, %xor3A_799 : vector<16xi32>
      %lt3A_801 = arith.constant 0 : i32
      %lt3A_802 = vector.broadcast %lt3A_801 : i32 to vector<16xi32>
      %lt3A_803 = arith.cmpi slt, %xor3A_800, %lt3A_802 : vector<16xi32>
      %add3A_804 = arith.constant 16 : i32
      %add3A_805 = vector.broadcast %add3A_804 : i32 to vector<16xi32>
      %add3A_806 = arith.addi %xor3A_800, %add3A_805 : vector<16xi32>
      %select_n3A_807 = arith.select %lt3A_803, %add3A_806, %xor3A_800 : vector<16xi1>, vector<16xi32>
      %broadcast_in_dim3A_808 = vector.shape_cast %select_n3A_807 : vector<16xi32> to vector<16x1xi32>
      %gather3A_809 = vector.shape_cast %broadcast_in_dim3A_808 : vector<16x1xi32> to vector<16xi32>
      %gather3A_810 = tpu.dynamic_gather %get3A_797[%gather3A_809] in [0] : vector<16xf32>, vector<16xi32> -> vector<16xf32>
      %max3A_811 = arith.maximumf %get3A_797, %gather3A_810 : vector<16xf32>
      %xor3A_812 = arith.constant 4 : i32
      %xor3A_813 = vector.broadcast %xor3A_812 : i32 to vector<16xi32>
      %xor3A_814 = arith.xori %iota3A, %xor3A_813 : vector<16xi32>
      %lt3A_815 = arith.constant 0 : i32
      %lt3A_816 = vector.broadcast %lt3A_815 : i32 to vector<16xi32>
      %lt3A_817 = arith.cmpi slt, %xor3A_814, %lt3A_816 : vector<16xi32>
      %add3A_818 = arith.constant 16 : i32
      %add3A_819 = vector.broadcast %add3A_818 : i32 to vector<16xi32>
      %add3A_820 = arith.addi %xor3A_814, %add3A_819 : vector<16xi32>
      %select_n3A_821 = arith.select %lt3A_817, %add3A_820, %xor3A_814 : vector<16xi1>, vector<16xi32>
      %broadcast_in_dim3A_822 = vector.shape_cast %select_n3A_821 : vector<16xi32> to vector<16x1xi32>
      %gather3A_823 = vector.shape_cast %broadcast_in_dim3A_822 : vector<16x1xi32> to vector<16xi32>
      %gather3A_824 = tpu.dynamic_gather %max3A_811[%gather3A_823] in [0] : vector<16xf32>, vector<16xi32> -> vector<16xf32>
      %max3A_825 = arith.maximumf %max3A_811, %gather3A_824 : vector<16xf32>
      %xor3A_826 = arith.constant 2 : i32
      %xor3A_827 = vector.broadcast %xor3A_826 : i32 to vector<16xi32>
      %xor3A_828 = arith.xori %iota3A, %xor3A_827 : vector<16xi32>
      %lt3A_829 = arith.constant 0 : i32
      %lt3A_830 = vector.broadcast %lt3A_829 : i32 to vector<16xi32>
      %lt3A_831 = arith.cmpi slt, %xor3A_828, %lt3A_830 : vector<16xi32>
      %add3A_832 = arith.constant 16 : i32
      %add3A_833 = vector.broadcast %add3A_832 : i32 to vector<16xi32>
      %add3A_834 = arith.addi %xor3A_828, %add3A_833 : vector<16xi32>
      %select_n3A_835 = arith.select %lt3A_831, %add3A_834, %xor3A_828 : vector<16xi1>, vector<16xi32>
      %broadcast_in_dim3A_836 = vector.shape_cast %select_n3A_835 : vector<16xi32> to vector<16x1xi32>
      %gather3A_837 = vector.shape_cast %broadcast_in_dim3A_836 : vector<16x1xi32> to vector<16xi32>
      %gather3A_838 = tpu.dynamic_gather %max3A_825[%gather3A_837] in [0] : vector<16xf32>, vector<16xi32> -> vector<16xf32>
      %max3A_839 = arith.maximumf %max3A_825, %gather3A_838 : vector<16xf32>
      %xor3A_840 = arith.constant 1 : i32
      %xor3A_841 = vector.broadcast %xor3A_840 : i32 to vector<16xi32>
      %xor3A_842 = arith.xori %iota3A, %xor3A_841 : vector<16xi32>
      %lt3A_843 = arith.constant 0 : i32
      %lt3A_844 = vector.broadcast %lt3A_843 : i32 to vector<16xi32>
      %lt3A_845 = arith.cmpi slt, %xor3A_842, %lt3A_844 : vector<16xi32>
      %add3A_846 = arith.constant 16 : i32
      %add3A_847 = vector.broadcast %add3A_846 : i32 to vector<16xi32>
      %add3A_848 = arith.addi %xor3A_842, %add3A_847 : vector<16xi32>
      %select_n3A_849 = arith.select %lt3A_845, %add3A_848, %xor3A_842 : vector<16xi1>, vector<16xi32>
      %broadcast_in_dim3A_850 = vector.shape_cast %select_n3A_849 : vector<16xi32> to vector<16x1xi32>
      %gather3A_851 = vector.shape_cast %broadcast_in_dim3A_850 : vector<16x1xi32> to vector<16xi32>
      %gather3A_852 = tpu.dynamic_gather %max3A_839[%gather3A_851] in [0] : vector<16xf32>, vector<16xi32> -> vector<16xf32>
      %max3A_853 = arith.maximumf %max3A_839, %gather3A_852 : vector<16xf32>
      %eq3A_854 = arith.cmpf oeq, %get3A_797, %max3A_853 : vector<16xf32>
      %jit3A_855 = arith.constant 16 : i32
      %broadcast_in_dim3A_856 = vector.broadcast %jit3A_855 : i32 to vector<16xi32>
      %select_n3A_857 = arith.select %eq3A_854, %iota3A, %broadcast_in_dim3A_856 : vector<16xi1>, vector<16xi32>
      %xor3A_858 = arith.constant 8 : i32
      %xor3A_859 = vector.broadcast %xor3A_858 : i32 to vector<16xi32>
      %xor3A_860 = arith.xori %iota3A, %xor3A_859 : vector<16xi32>
      %lt3A_861 = arith.constant 0 : i32
      %lt3A_862 = vector.broadcast %lt3A_861 : i32 to vector<16xi32>
      %lt3A_863 = arith.cmpi slt, %xor3A_860, %lt3A_862 : vector<16xi32>
      %add3A_864 = arith.constant 16 : i32
      %add3A_865 = vector.broadcast %add3A_864 : i32 to vector<16xi32>
      %add3A_866 = arith.addi %xor3A_860, %add3A_865 : vector<16xi32>
      %select_n3A_867 = arith.select %lt3A_863, %add3A_866, %xor3A_860 : vector<16xi1>, vector<16xi32>
      %broadcast_in_dim3A_868 = vector.shape_cast %select_n3A_867 : vector<16xi32> to vector<16x1xi32>
      %gather3A_869 = vector.shape_cast %broadcast_in_dim3A_868 : vector<16x1xi32> to vector<16xi32>
      %gather3A_870 = tpu.dynamic_gather %select_n3A_857[%gather3A_869] in [0] : vector<16xi32>, vector<16xi32> -> vector<16xi32>
      %min3A_871 = arith.minsi %select_n3A_857, %gather3A_870 : vector<16xi32>
      %xor3A_872 = arith.constant 4 : i32
      %xor3A_873 = vector.broadcast %xor3A_872 : i32 to vector<16xi32>
      %xor3A_874 = arith.xori %iota3A, %xor3A_873 : vector<16xi32>
      %lt3A_875 = arith.constant 0 : i32
      %lt3A_876 = vector.broadcast %lt3A_875 : i32 to vector<16xi32>
      %lt3A_877 = arith.cmpi slt, %xor3A_874, %lt3A_876 : vector<16xi32>
      %add3A_878 = arith.constant 16 : i32
      %add3A_879 = vector.broadcast %add3A_878 : i32 to vector<16xi32>
      %add3A_880 = arith.addi %xor3A_874, %add3A_879 : vector<16xi32>
      %select_n3A_881 = arith.select %lt3A_877, %add3A_880, %xor3A_874 : vector<16xi1>, vector<16xi32>
      %broadcast_in_dim3A_882 = vector.shape_cast %select_n3A_881 : vector<16xi32> to vector<16x1xi32>
      %gather3A_883 = vector.shape_cast %broadcast_in_dim3A_882 : vector<16x1xi32> to vector<16xi32>
      %gather3A_884 = tpu.dynamic_gather %min3A_871[%gather3A_883] in [0] : vector<16xi32>, vector<16xi32> -> vector<16xi32>
      %min3A_885 = arith.minsi %min3A_871, %gather3A_884 : vector<16xi32>
      %xor3A_886 = arith.constant 2 : i32
      %xor3A_887 = vector.broadcast %xor3A_886 : i32 to vector<16xi32>
      %xor3A_888 = arith.xori %iota3A, %xor3A_887 : vector<16xi32>
      %lt3A_889 = arith.constant 0 : i32
      %lt3A_890 = vector.broadcast %lt3A_889 : i32 to vector<16xi32>
      %lt3A_891 = arith.cmpi slt, %xor3A_888, %lt3A_890 : vector<16xi32>
      %add3A_892 = arith.constant 16 : i32
      %add3A_893 = vector.broadcast %add3A_892 : i32 to vector<16xi32>
      %add3A_894 = arith.addi %xor3A_888, %add3A_893 : vector<16xi32>
      %select_n3A_895 = arith.select %lt3A_891, %add3A_894, %xor3A_888 : vector<16xi1>, vector<16xi32>
      %broadcast_in_dim3A_896 = vector.shape_cast %select_n3A_895 : vector<16xi32> to vector<16x1xi32>
      %gather3A_897 = vector.shape_cast %broadcast_in_dim3A_896 : vector<16x1xi32> to vector<16xi32>
      %gather3A_898 = tpu.dynamic_gather %min3A_885[%gather3A_897] in [0] : vector<16xi32>, vector<16xi32> -> vector<16xi32>
      %min3A_899 = arith.minsi %min3A_885, %gather3A_898 : vector<16xi32>
      %xor3A_900 = arith.constant 1 : i32
      %xor3A_901 = vector.broadcast %xor3A_900 : i32 to vector<16xi32>
      %xor3A_902 = arith.xori %iota3A, %xor3A_901 : vector<16xi32>
      %lt3A_903 = arith.constant 0 : i32
      %lt3A_904 = vector.broadcast %lt3A_903 : i32 to vector<16xi32>
      %lt3A_905 = arith.cmpi slt, %xor3A_902, %lt3A_904 : vector<16xi32>
      %add3A_906 = arith.constant 16 : i32
      %add3A_907 = vector.broadcast %add3A_906 : i32 to vector<16xi32>
      %add3A_908 = arith.addi %xor3A_902, %add3A_907 : vector<16xi32>
      %select_n3A_909 = arith.select %lt3A_905, %add3A_908, %xor3A_902 : vector<16xi1>, vector<16xi32>
      %broadcast_in_dim3A_910 = vector.shape_cast %select_n3A_909 : vector<16xi32> to vector<16x1xi32>
      %gather3A_911 = vector.shape_cast %broadcast_in_dim3A_910 : vector<16x1xi32> to vector<16xi32>
      %gather3A_912 = tpu.dynamic_gather %min3A_899[%gather3A_911] in [0] : vector<16xi32>, vector<16xi32> -> vector<16xi32>
      %min3A_913 = arith.minsi %min3A_899, %gather3A_912 : vector<16xi32>
      %eq3A_914 = arith.cmpi eq, %iota3A, %min3A_913 : vector<16xi32>
      %jit3A_915 = arith.constant -1.000000e+30 : f32
      %broadcast_in_dim3A_916 = vector.broadcast %jit3A_915 : f32 to vector<16xf32>
      %select_n3A_917 = arith.select %eq3A_914, %broadcast_in_dim3A_916, %get3A_797 : vector<16xi1>, vector<16xf32>
      %xor3A_918 = arith.constant 8 : i32
      %xor3A_919 = vector.broadcast %xor3A_918 : i32 to vector<16xi32>
      %xor3A_920 = arith.xori %iota3A, %xor3A_919 : vector<16xi32>
      %lt3A_921 = arith.constant 0 : i32
      %lt3A_922 = vector.broadcast %lt3A_921 : i32 to vector<16xi32>
      %lt3A_923 = arith.cmpi slt, %xor3A_920, %lt3A_922 : vector<16xi32>
      %add3A_924 = arith.constant 16 : i32
      %add3A_925 = vector.broadcast %add3A_924 : i32 to vector<16xi32>
      %add3A_926 = arith.addi %xor3A_920, %add3A_925 : vector<16xi32>
      %select_n3A_927 = arith.select %lt3A_923, %add3A_926, %xor3A_920 : vector<16xi1>, vector<16xi32>
      %broadcast_in_dim3A_928 = vector.shape_cast %select_n3A_927 : vector<16xi32> to vector<16x1xi32>
      %gather3A_929 = vector.shape_cast %broadcast_in_dim3A_928 : vector<16x1xi32> to vector<16xi32>
      %gather3A_930 = tpu.dynamic_gather %select_n3A_917[%gather3A_929] in [0] : vector<16xf32>, vector<16xi32> -> vector<16xf32>
      %max3A_931 = arith.maximumf %select_n3A_917, %gather3A_930 : vector<16xf32>
      %xor3A_932 = arith.constant 4 : i32
      %xor3A_933 = vector.broadcast %xor3A_932 : i32 to vector<16xi32>
      %xor3A_934 = arith.xori %iota3A, %xor3A_933 : vector<16xi32>
      %lt3A_935 = arith.constant 0 : i32
      %lt3A_936 = vector.broadcast %lt3A_935 : i32 to vector<16xi32>
      %lt3A_937 = arith.cmpi slt, %xor3A_934, %lt3A_936 : vector<16xi32>
      %add3A_938 = arith.constant 16 : i32
      %add3A_939 = vector.broadcast %add3A_938 : i32 to vector<16xi32>
      %add3A_940 = arith.addi %xor3A_934, %add3A_939 : vector<16xi32>
      %select_n3A_941 = arith.select %lt3A_937, %add3A_940, %xor3A_934 : vector<16xi1>, vector<16xi32>
      %broadcast_in_dim3A_942 = vector.shape_cast %select_n3A_941 : vector<16xi32> to vector<16x1xi32>
      %gather3A_943 = vector.shape_cast %broadcast_in_dim3A_942 : vector<16x1xi32> to vector<16xi32>
      %gather3A_944 = tpu.dynamic_gather %max3A_931[%gather3A_943] in [0] : vector<16xf32>, vector<16xi32> -> vector<16xf32>
      %max3A_945 = arith.maximumf %max3A_931, %gather3A_944 : vector<16xf32>
      %xor3A_946 = arith.constant 2 : i32
      %xor3A_947 = vector.broadcast %xor3A_946 : i32 to vector<16xi32>
      %xor3A_948 = arith.xori %iota3A, %xor3A_947 : vector<16xi32>
      %lt3A_949 = arith.constant 0 : i32
      %lt3A_950 = vector.broadcast %lt3A_949 : i32 to vector<16xi32>
      %lt3A_951 = arith.cmpi slt, %xor3A_948, %lt3A_950 : vector<16xi32>
      %add3A_952 = arith.constant 16 : i32
      %add3A_953 = vector.broadcast %add3A_952 : i32 to vector<16xi32>
      %add3A_954 = arith.addi %xor3A_948, %add3A_953 : vector<16xi32>
      %select_n3A_955 = arith.select %lt3A_951, %add3A_954, %xor3A_948 : vector<16xi1>, vector<16xi32>
      %broadcast_in_dim3A_956 = vector.shape_cast %select_n3A_955 : vector<16xi32> to vector<16x1xi32>
      %gather3A_957 = vector.shape_cast %broadcast_in_dim3A_956 : vector<16x1xi32> to vector<16xi32>
      %gather3A_958 = tpu.dynamic_gather %max3A_945[%gather3A_957] in [0] : vector<16xf32>, vector<16xi32> -> vector<16xf32>
      %max3A_959 = arith.maximumf %max3A_945, %gather3A_958 : vector<16xf32>
      %xor3A_960 = arith.constant 1 : i32
      %xor3A_961 = vector.broadcast %xor3A_960 : i32 to vector<16xi32>
      %xor3A_962 = arith.xori %iota3A, %xor3A_961 : vector<16xi32>
      %lt3A_963 = arith.constant 0 : i32
      %lt3A_964 = vector.broadcast %lt3A_963 : i32 to vector<16xi32>
      %lt3A_965 = arith.cmpi slt, %xor3A_962, %lt3A_964 : vector<16xi32>
      %add3A_966 = arith.constant 16 : i32
      %add3A_967 = vector.broadcast %add3A_966 : i32 to vector<16xi32>
      %add3A_968 = arith.addi %xor3A_962, %add3A_967 : vector<16xi32>
      %select_n3A_969 = arith.select %lt3A_965, %add3A_968, %xor3A_962 : vector<16xi1>, vector<16xi32>
      %broadcast_in_dim3A_970 = vector.shape_cast %select_n3A_969 : vector<16xi32> to vector<16x1xi32>
      %gather3A_971 = vector.shape_cast %broadcast_in_dim3A_970 : vector<16x1xi32> to vector<16xi32>
      %gather3A_972 = tpu.dynamic_gather %max3A_959[%gather3A_971] in [0] : vector<16xf32>, vector<16xi32> -> vector<16xf32>
      %max3A_973 = arith.maximumf %max3A_959, %gather3A_972 : vector<16xf32>
      %eq3A_974 = arith.cmpf oeq, %select_n3A_917, %max3A_973 : vector<16xf32>
      %jit3A_975 = arith.constant 16 : i32
      %broadcast_in_dim3A_976 = vector.broadcast %jit3A_975 : i32 to vector<16xi32>
      %select_n3A_977 = arith.select %eq3A_974, %iota3A, %broadcast_in_dim3A_976 : vector<16xi1>, vector<16xi32>
      %xor3A_978 = arith.constant 8 : i32
      %xor3A_979 = vector.broadcast %xor3A_978 : i32 to vector<16xi32>
      %xor3A_980 = arith.xori %iota3A, %xor3A_979 : vector<16xi32>
      %lt3A_981 = arith.constant 0 : i32
      %lt3A_982 = vector.broadcast %lt3A_981 : i32 to vector<16xi32>
      %lt3A_983 = arith.cmpi slt, %xor3A_980, %lt3A_982 : vector<16xi32>
      %add3A_984 = arith.constant 16 : i32
      %add3A_985 = vector.broadcast %add3A_984 : i32 to vector<16xi32>
      %add3A_986 = arith.addi %xor3A_980, %add3A_985 : vector<16xi32>
      %select_n3A_987 = arith.select %lt3A_983, %add3A_986, %xor3A_980 : vector<16xi1>, vector<16xi32>
      %broadcast_in_dim3A_988 = vector.shape_cast %select_n3A_987 : vector<16xi32> to vector<16x1xi32>
      %gather3A_989 = vector.shape_cast %broadcast_in_dim3A_988 : vector<16x1xi32> to vector<16xi32>
      %gather3A_990 = tpu.dynamic_gather %select_n3A_977[%gather3A_989] in [0] : vector<16xi32>, vector<16xi32> -> vector<16xi32>
      %min3A_991 = arith.minsi %select_n3A_977, %gather3A_990 : vector<16xi32>
      %xor3A_992 = arith.constant 4 : i32
      %xor3A_993 = vector.broadcast %xor3A_992 : i32 to vector<16xi32>
      %xor3A_994 = arith.xori %iota3A, %xor3A_993 : vector<16xi32>
      %lt3A_995 = arith.constant 0 : i32
      %lt3A_996 = vector.broadcast %lt3A_995 : i32 to vector<16xi32>
      %lt3A_997 = arith.cmpi slt, %xor3A_994, %lt3A_996 : vector<16xi32>
      %add3A_998 = arith.constant 16 : i32
      %add3A_999 = vector.broadcast %add3A_998 : i32 to vector<16xi32>
      %add3A_1000 = arith.addi %xor3A_994, %add3A_999 : vector<16xi32>
      %select_n3A_1001 = arith.select %lt3A_997, %add3A_1000, %xor3A_994 : vector<16xi1>, vector<16xi32>
      %broadcast_in_dim3A_1002 = vector.shape_cast %select_n3A_1001 : vector<16xi32> to vector<16x1xi32>
      %gather3A_1003 = vector.shape_cast %broadcast_in_dim3A_1002 : vector<16x1xi32> to vector<16xi32>
      %gather3A_1004 = tpu.dynamic_gather %min3A_991[%gather3A_1003] in [0] : vector<16xi32>, vector<16xi32> -> vector<16xi32>
      %min3A_1005 = arith.minsi %min3A_991, %gather3A_1004 : vector<16xi32>
      %xor3A_1006 = arith.constant 2 : i32
      %xor3A_1007 = vector.broadcast %xor3A_1006 : i32 to vector<16xi32>
      %xor3A_1008 = arith.xori %iota3A, %xor3A_1007 : vector<16xi32>
      %lt3A_1009 = arith.constant 0 : i32
      %lt3A_1010 = vector.broadcast %lt3A_1009 : i32 to vector<16xi32>
      %lt3A_1011 = arith.cmpi slt, %xor3A_1008, %lt3A_1010 : vector<16xi32>
      %add3A_1012 = arith.constant 16 : i32
      %add3A_1013 = vector.broadcast %add3A_1012 : i32 to vector<16xi32>
      %add3A_1014 = arith.addi %xor3A_1008, %add3A_1013 : vector<16xi32>
      %select_n3A_1015 = arith.select %lt3A_1011, %add3A_1014, %xor3A_1008 : vector<16xi1>, vector<16xi32>
      %broadcast_in_dim3A_1016 = vector.shape_cast %select_n3A_1015 : vector<16xi32> to vector<16x1xi32>
      %gather3A_1017 = vector.shape_cast %broadcast_in_dim3A_1016 : vector<16x1xi32> to vector<16xi32>
      %gather3A_1018 = tpu.dynamic_gather %min3A_1005[%gather3A_1017] in [0] : vector<16xi32>, vector<16xi32> -> vector<16xi32>
      %min3A_1019 = arith.minsi %min3A_1005, %gather3A_1018 : vector<16xi32>
      %xor3A_1020 = arith.constant 1 : i32
      %xor3A_1021 = vector.broadcast %xor3A_1020 : i32 to vector<16xi32>
      %xor3A_1022 = arith.xori %iota3A, %xor3A_1021 : vector<16xi32>
      %lt3A_1023 = arith.constant 0 : i32
      %lt3A_1024 = vector.broadcast %lt3A_1023 : i32 to vector<16xi32>
      %lt3A_1025 = arith.cmpi slt, %xor3A_1022, %lt3A_1024 : vector<16xi32>
      %add3A_1026 = arith.constant 16 : i32
      %add3A_1027 = vector.broadcast %add3A_1026 : i32 to vector<16xi32>
      %add3A_1028 = arith.addi %xor3A_1022, %add3A_1027 : vector<16xi32>
      %select_n3A_1029 = arith.select %lt3A_1025, %add3A_1028, %xor3A_1022 : vector<16xi1>, vector<16xi32>
      %broadcast_in_dim3A_1030 = vector.shape_cast %select_n3A_1029 : vector<16xi32> to vector<16x1xi32>
      %gather3A_1031 = vector.shape_cast %broadcast_in_dim3A_1030 : vector<16x1xi32> to vector<16xi32>
      %gather3A_1032 = tpu.dynamic_gather %min3A_1019[%gather3A_1031] in [0] : vector<16xi32>, vector<16xi32> -> vector<16xi32>
      %min3A_1033 = arith.minsi %min3A_1019, %gather3A_1032 : vector<16xi32>
      %sub3A_1034 = arith.subf %max3A_973, %max3A_853 : vector<16xf32>
      %exp3A_1035 = math.exp %sub3A_1034 : vector<16xf32>
      %add3A_1036 = arith.constant 1.000000e+00 : f32
      %add3A_1037 = vector.broadcast %add3A_1036 : f32 to vector<16xf32>
      %add3A_1038 = arith.addf %add3A_1037, %exp3A_1035 : vector<16xf32>
      %div3A_1039 = arith.constant 1.000000e+00 : f32
      %div3A_1040 = vector.broadcast %div3A_1039 : f32 to vector<16xf32>
      %div3A_1041 = arith.divf %div3A_1040, %add3A_1038 : vector<16xf32>
      %sub3A_1042 = arith.constant 1.000000e+00 : f32
      %sub3A_1043 = vector.broadcast %sub3A_1042 : f32 to vector<16xf32>
      %sub3A_1044 = arith.subf %sub3A_1043, %div3A_1041 : vector<16xf32>
      %eq3A_1045 = arith.cmpi eq, %iota3A, %min3A_913 : vector<16xi32>
      %jit3A_1046 = arith.constant 0.000000e+00 : f32
      %broadcast_in_dim3A_1047 = vector.broadcast %jit3A_1046 : f32 to vector<16xf32>
      %select_n3A_1048 = arith.select %eq3A_1045, %div3A_1041, %broadcast_in_dim3A_1047 : vector<16xi1>, vector<16xf32>
      %eq3A_1049 = arith.cmpi eq, %iota3A, %min3A_1033 : vector<16xi32>
      %jit3A_1050 = arith.constant 0.000000e+00 : f32
      %broadcast_in_dim3A_1051 = vector.broadcast %jit3A_1050 : f32 to vector<16xf32>
      %select_n3A_1052 = arith.select %eq3A_1049, %sub3A_1044, %broadcast_in_dim3A_1051 : vector<16xi1>, vector<16xf32>
      %add3A_1053 = arith.addf %select_n3A_1048, %select_n3A_1052 : vector<16xf32>
      %swap3A_1054 = arith.constant 3 : i32
      %swap3A_1055 = arith.index_cast %swap3A_1054 : i32 to index
      %swap3A_1056 = arith.constant 0 : index
      %swap3A_1057 = tpu.vector_load %arg5[%swap3A_1055, %swap3A_1056] {strides = array<i32>} : memref<8x16xf32, #tpu.memory_space<vmem>>, vector<1x16xf32>,
      %swap3A_1058 = vector.shape_cast %swap3A_1057 : vector<1x16xf32> to vector<16xf32>
      %swap3A_1059 = vector.shape_cast %add3A_1053 : vector<16xf32> to vector<1x16xf32>
      tpu.vector_store %arg5[%swap3A_1055, %swap3A_1056], %swap3A_1059 {strides = array<i32>} : memref<8x16xf32, #tpu.memory_space<vmem>>, vector<1x16xf32>,
      %get3A_1060 = arith.constant 4 : i32
      %get3A_1061 = arith.index_cast %get3A_1060 : i32 to index
      %get3A_1062 = arith.constant 0 : index
      %get3A_1063 = tpu.vector_load %arg4[%get3A_1061, %get3A_1062] {strides = array<i32>} : memref<8x16xf32, #tpu.memory_space<vmem>>, vector<1x16xf32>,
      %get3A_1064 = vector.shape_cast %get3A_1063 : vector<1x16xf32> to vector<16xf32>
      %xor3A_1065 = arith.constant 8 : i32
      %xor3A_1066 = vector.broadcast %xor3A_1065 : i32 to vector<16xi32>
      %xor3A_1067 = arith.xori %iota3A, %xor3A_1066 : vector<16xi32>
      %lt3A_1068 = arith.constant 0 : i32
      %lt3A_1069 = vector.broadcast %lt3A_1068 : i32 to vector<16xi32>
      %lt3A_1070 = arith.cmpi slt, %xor3A_1067, %lt3A_1069 : vector<16xi32>
      %add3A_1071 = arith.constant 16 : i32
      %add3A_1072 = vector.broadcast %add3A_1071 : i32 to vector<16xi32>
      %add3A_1073 = arith.addi %xor3A_1067, %add3A_1072 : vector<16xi32>
      %select_n3A_1074 = arith.select %lt3A_1070, %add3A_1073, %xor3A_1067 : vector<16xi1>, vector<16xi32>
      %broadcast_in_dim3A_1075 = vector.shape_cast %select_n3A_1074 : vector<16xi32> to vector<16x1xi32>
      %gather3A_1076 = vector.shape_cast %broadcast_in_dim3A_1075 : vector<16x1xi32> to vector<16xi32>
      %gather3A_1077 = tpu.dynamic_gather %get3A_1064[%gather3A_1076] in [0] : vector<16xf32>, vector<16xi32> -> vector<16xf32>
      %max3A_1078 = arith.maximumf %get3A_1064, %gather3A_1077 : vector<16xf32>
      %xor3A_1079 = arith.constant 4 : i32
      %xor3A_1080 = vector.broadcast %xor3A_1079 : i32 to vector<16xi32>
      %xor3A_1081 = arith.xori %iota3A, %xor3A_1080 : vector<16xi32>
      %lt3A_1082 = arith.constant 0 : i32
      %lt3A_1083 = vector.broadcast %lt3A_1082 : i32 to vector<16xi32>
      %lt3A_1084 = arith.cmpi slt, %xor3A_1081, %lt3A_1083 : vector<16xi32>
      %add3A_1085 = arith.constant 16 : i32
      %add3A_1086 = vector.broadcast %add3A_1085 : i32 to vector<16xi32>
      %add3A_1087 = arith.addi %xor3A_1081, %add3A_1086 : vector<16xi32>
      %select_n3A_1088 = arith.select %lt3A_1084, %add3A_1087, %xor3A_1081 : vector<16xi1>, vector<16xi32>
      %broadcast_in_dim3A_1089 = vector.shape_cast %select_n3A_1088 : vector<16xi32> to vector<16x1xi32>
      %gather3A_1090 = vector.shape_cast %broadcast_in_dim3A_1089 : vector<16x1xi32> to vector<16xi32>
      %gather3A_1091 = tpu.dynamic_gather %max3A_1078[%gather3A_1090] in [0] : vector<16xf32>, vector<16xi32> -> vector<16xf32>
      %max3A_1092 = arith.maximumf %max3A_1078, %gather3A_1091 : vector<16xf32>
      %xor3A_1093 = arith.constant 2 : i32
      %xor3A_1094 = vector.broadcast %xor3A_1093 : i32 to vector<16xi32>
      %xor3A_1095 = arith.xori %iota3A, %xor3A_1094 : vector<16xi32>
      %lt3A_1096 = arith.constant 0 : i32
      %lt3A_1097 = vector.broadcast %lt3A_1096 : i32 to vector<16xi32>
      %lt3A_1098 = arith.cmpi slt, %xor3A_1095, %lt3A_1097 : vector<16xi32>
      %add3A_1099 = arith.constant 16 : i32
      %add3A_1100 = vector.broadcast %add3A_1099 : i32 to vector<16xi32>
      %add3A_1101 = arith.addi %xor3A_1095, %add3A_1100 : vector<16xi32>
      %select_n3A_1102 = arith.select %lt3A_1098, %add3A_1101, %xor3A_1095 : vector<16xi1>, vector<16xi32>
      %broadcast_in_dim3A_1103 = vector.shape_cast %select_n3A_1102 : vector<16xi32> to vector<16x1xi32>
      %gather3A_1104 = vector.shape_cast %broadcast_in_dim3A_1103 : vector<16x1xi32> to vector<16xi32>
      %gather3A_1105 = tpu.dynamic_gather %max3A_1092[%gather3A_1104] in [0] : vector<16xf32>, vector<16xi32> -> vector<16xf32>
      %max3A_1106 = arith.maximumf %max3A_1092, %gather3A_1105 : vector<16xf32>
      %xor3A_1107 = arith.constant 1 : i32
      %xor3A_1108 = vector.broadcast %xor3A_1107 : i32 to vector<16xi32>
      %xor3A_1109 = arith.xori %iota3A, %xor3A_1108 : vector<16xi32>
      %lt3A_1110 = arith.constant 0 : i32
      %lt3A_1111 = vector.broadcast %lt3A_1110 : i32 to vector<16xi32>
      %lt3A_1112 = arith.cmpi slt, %xor3A_1109, %lt3A_1111 : vector<16xi32>
      %add3A_1113 = arith.constant 16 : i32
      %add3A_1114 = vector.broadcast %add3A_1113 : i32 to vector<16xi32>
      %add3A_1115 = arith.addi %xor3A_1109, %add3A_1114 : vector<16xi32>
      %select_n3A_1116 = arith.select %lt3A_1112, %add3A_1115, %xor3A_1109 : vector<16xi1>, vector<16xi32>
      %broadcast_in_dim3A_1117 = vector.shape_cast %select_n3A_1116 : vector<16xi32> to vector<16x1xi32>
      %gather3A_1118 = vector.shape_cast %broadcast_in_dim3A_1117 : vector<16x1xi32> to vector<16xi32>
      %gather3A_1119 = tpu.dynamic_gather %max3A_1106[%gather3A_1118] in [0] : vector<16xf32>, vector<16xi32> -> vector<16xf32>
      %max3A_1120 = arith.maximumf %max3A_1106, %gather3A_1119 : vector<16xf32>
      %eq3A_1121 = arith.cmpf oeq, %get3A_1064, %max3A_1120 : vector<16xf32>
      %jit3A_1122 = arith.constant 16 : i32
      %broadcast_in_dim3A_1123 = vector.broadcast %jit3A_1122 : i32 to vector<16xi32>
      %select_n3A_1124 = arith.select %eq3A_1121, %iota3A, %broadcast_in_dim3A_1123 : vector<16xi1>, vector<16xi32>
      %xor3A_1125 = arith.constant 8 : i32
      %xor3A_1126 = vector.broadcast %xor3A_1125 : i32 to vector<16xi32>
      %xor3A_1127 = arith.xori %iota3A, %xor3A_1126 : vector<16xi32>
      %lt3A_1128 = arith.constant 0 : i32
      %lt3A_1129 = vector.broadcast %lt3A_1128 : i32 to vector<16xi32>
      %lt3A_1130 = arith.cmpi slt, %xor3A_1127, %lt3A_1129 : vector<16xi32>
      %add3A_1131 = arith.constant 16 : i32
      %add3A_1132 = vector.broadcast %add3A_1131 : i32 to vector<16xi32>
      %add3A_1133 = arith.addi %xor3A_1127, %add3A_1132 : vector<16xi32>
      %select_n3A_1134 = arith.select %lt3A_1130, %add3A_1133, %xor3A_1127 : vector<16xi1>, vector<16xi32>
      %broadcast_in_dim3A_1135 = vector.shape_cast %select_n3A_1134 : vector<16xi32> to vector<16x1xi32>
      %gather3A_1136 = vector.shape_cast %broadcast_in_dim3A_1135 : vector<16x1xi32> to vector<16xi32>
      %gather3A_1137 = tpu.dynamic_gather %select_n3A_1124[%gather3A_1136] in [0] : vector<16xi32>, vector<16xi32> -> vector<16xi32>
      %min3A_1138 = arith.minsi %select_n3A_1124, %gather3A_1137 : vector<16xi32>
      %xor3A_1139 = arith.constant 4 : i32
      %xor3A_1140 = vector.broadcast %xor3A_1139 : i32 to vector<16xi32>
      %xor3A_1141 = arith.xori %iota3A, %xor3A_1140 : vector<16xi32>
      %lt3A_1142 = arith.constant 0 : i32
      %lt3A_1143 = vector.broadcast %lt3A_1142 : i32 to vector<16xi32>
      %lt3A_1144 = arith.cmpi slt, %xor3A_1141, %lt3A_1143 : vector<16xi32>
      %add3A_1145 = arith.constant 16 : i32
      %add3A_1146 = vector.broadcast %add3A_1145 : i32 to vector<16xi32>
      %add3A_1147 = arith.addi %xor3A_1141, %add3A_1146 : vector<16xi32>
      %select_n3A_1148 = arith.select %lt3A_1144, %add3A_1147, %xor3A_1141 : vector<16xi1>, vector<16xi32>
      %broadcast_in_dim3A_1149 = vector.shape_cast %select_n3A_1148 : vector<16xi32> to vector<16x1xi32>
      %gather3A_1150 = vector.shape_cast %broadcast_in_dim3A_1149 : vector<16x1xi32> to vector<16xi32>
      %gather3A_1151 = tpu.dynamic_gather %min3A_1138[%gather3A_1150] in [0] : vector<16xi32>, vector<16xi32> -> vector<16xi32>
      %min3A_1152 = arith.minsi %min3A_1138, %gather3A_1151 : vector<16xi32>
      %xor3A_1153 = arith.constant 2 : i32
      %xor3A_1154 = vector.broadcast %xor3A_1153 : i32 to vector<16xi32>
      %xor3A_1155 = arith.xori %iota3A, %xor3A_1154 : vector<16xi32>
      %lt3A_1156 = arith.constant 0 : i32
      %lt3A_1157 = vector.broadcast %lt3A_1156 : i32 to vector<16xi32>
      %lt3A_1158 = arith.cmpi slt, %xor3A_1155, %lt3A_1157 : vector<16xi32>
      %add3A_1159 = arith.constant 16 : i32
      %add3A_1160 = vector.broadcast %add3A_1159 : i32 to vector<16xi32>
      %add3A_1161 = arith.addi %xor3A_1155, %add3A_1160 : vector<16xi32>
      %select_n3A_1162 = arith.select %lt3A_1158, %add3A_1161, %xor3A_1155 : vector<16xi1>, vector<16xi32>
      %broadcast_in_dim3A_1163 = vector.shape_cast %select_n3A_1162 : vector<16xi32> to vector<16x1xi32>
      %gather3A_1164 = vector.shape_cast %broadcast_in_dim3A_1163 : vector<16x1xi32> to vector<16xi32>
      %gather3A_1165 = tpu.dynamic_gather %min3A_1152[%gather3A_1164] in [0] : vector<16xi32>, vector<16xi32> -> vector<16xi32>
      %min3A_1166 = arith.minsi %min3A_1152, %gather3A_1165 : vector<16xi32>
      %xor3A_1167 = arith.constant 1 : i32
      %xor3A_1168 = vector.broadcast %xor3A_1167 : i32 to vector<16xi32>
      %xor3A_1169 = arith.xori %iota3A, %xor3A_1168 : vector<16xi32>
      %lt3A_1170 = arith.constant 0 : i32
      %lt3A_1171 = vector.broadcast %lt3A_1170 : i32 to vector<16xi32>
      %lt3A_1172 = arith.cmpi slt, %xor3A_1169, %lt3A_1171 : vector<16xi32>
      %add3A_1173 = arith.constant 16 : i32
      %add3A_1174 = vector.broadcast %add3A_1173 : i32 to vector<16xi32>
      %add3A_1175 = arith.addi %xor3A_1169, %add3A_1174 : vector<16xi32>
      %select_n3A_1176 = arith.select %lt3A_1172, %add3A_1175, %xor3A_1169 : vector<16xi1>, vector<16xi32>
      %broadcast_in_dim3A_1177 = vector.shape_cast %select_n3A_1176 : vector<16xi32> to vector<16x1xi32>
      %gather3A_1178 = vector.shape_cast %broadcast_in_dim3A_1177 : vector<16x1xi32> to vector<16xi32>
      %gather3A_1179 = tpu.dynamic_gather %min3A_1166[%gather3A_1178] in [0] : vector<16xi32>, vector<16xi32> -> vector<16xi32>
      %min3A_1180 = arith.minsi %min3A_1166, %gather3A_1179 : vector<16xi32>
      %eq3A_1181 = arith.cmpi eq, %iota3A, %min3A_1180 : vector<16xi32>
      %jit3A_1182 = arith.constant -1.000000e+30 : f32
      %broadcast_in_dim3A_1183 = vector.broadcast %jit3A_1182 : f32 to vector<16xf32>
      %select_n3A_1184 = arith.select %eq3A_1181, %broadcast_in_dim3A_1183, %get3A_1064 : vector<16xi1>, vector<16xf32>
      %xor3A_1185 = arith.constant 8 : i32
      %xor3A_1186 = vector.broadcast %xor3A_1185 : i32 to vector<16xi32>
      %xor3A_1187 = arith.xori %iota3A, %xor3A_1186 : vector<16xi32>
      %lt3A_1188 = arith.constant 0 : i32
      %lt3A_1189 = vector.broadcast %lt3A_1188 : i32 to vector<16xi32>
      %lt3A_1190 = arith.cmpi slt, %xor3A_1187, %lt3A_1189 : vector<16xi32>
      %add3A_1191 = arith.constant 16 : i32
      %add3A_1192 = vector.broadcast %add3A_1191 : i32 to vector<16xi32>
      %add3A_1193 = arith.addi %xor3A_1187, %add3A_1192 : vector<16xi32>
      %select_n3A_1194 = arith.select %lt3A_1190, %add3A_1193, %xor3A_1187 : vector<16xi1>, vector<16xi32>
      %broadcast_in_dim3A_1195 = vector.shape_cast %select_n3A_1194 : vector<16xi32> to vector<16x1xi32>
      %gather3A_1196 = vector.shape_cast %broadcast_in_dim3A_1195 : vector<16x1xi32> to vector<16xi32>
      %gather3A_1197 = tpu.dynamic_gather %select_n3A_1184[%gather3A_1196] in [0] : vector<16xf32>, vector<16xi32> -> vector<16xf32>
      %max3A_1198 = arith.maximumf %select_n3A_1184, %gather3A_1197 : vector<16xf32>
      %xor3A_1199 = arith.constant 4 : i32
      %xor3A_1200 = vector.broadcast %xor3A_1199 : i32 to vector<16xi32>
      %xor3A_1201 = arith.xori %iota3A, %xor3A_1200 : vector<16xi32>
      %lt3A_1202 = arith.constant 0 : i32
      %lt3A_1203 = vector.broadcast %lt3A_1202 : i32 to vector<16xi32>
      %lt3A_1204 = arith.cmpi slt, %xor3A_1201, %lt3A_1203 : vector<16xi32>
      %add3A_1205 = arith.constant 16 : i32
      %add3A_1206 = vector.broadcast %add3A_1205 : i32 to vector<16xi32>
      %add3A_1207 = arith.addi %xor3A_1201, %add3A_1206 : vector<16xi32>
      %select_n3A_1208 = arith.select %lt3A_1204, %add3A_1207, %xor3A_1201 : vector<16xi1>, vector<16xi32>
      %broadcast_in_dim3A_1209 = vector.shape_cast %select_n3A_1208 : vector<16xi32> to vector<16x1xi32>
      %gather3A_1210 = vector.shape_cast %broadcast_in_dim3A_1209 : vector<16x1xi32> to vector<16xi32>
      %gather3A_1211 = tpu.dynamic_gather %max3A_1198[%gather3A_1210] in [0] : vector<16xf32>, vector<16xi32> -> vector<16xf32>
      %max3A_1212 = arith.maximumf %max3A_1198, %gather3A_1211 : vector<16xf32>
      %xor3A_1213 = arith.constant 2 : i32
      %xor3A_1214 = vector.broadcast %xor3A_1213 : i32 to vector<16xi32>
      %xor3A_1215 = arith.xori %iota3A, %xor3A_1214 : vector<16xi32>
      %lt3A_1216 = arith.constant 0 : i32
      %lt3A_1217 = vector.broadcast %lt3A_1216 : i32 to vector<16xi32>
      %lt3A_1218 = arith.cmpi slt, %xor3A_1215, %lt3A_1217 : vector<16xi32>
      %add3A_1219 = arith.constant 16 : i32
      %add3A_1220 = vector.broadcast %add3A_1219 : i32 to vector<16xi32>
      %add3A_1221 = arith.addi %xor3A_1215, %add3A_1220 : vector<16xi32>
      %select_n3A_1222 = arith.select %lt3A_1218, %add3A_1221, %xor3A_1215 : vector<16xi1>, vector<16xi32>
      %broadcast_in_dim3A_1223 = vector.shape_cast %select_n3A_1222 : vector<16xi32> to vector<16x1xi32>
      %gather3A_1224 = vector.shape_cast %broadcast_in_dim3A_1223 : vector<16x1xi32> to vector<16xi32>
      %gather3A_1225 = tpu.dynamic_gather %max3A_1212[%gather3A_1224] in [0] : vector<16xf32>, vector<16xi32> -> vector<16xf32>
      %max3A_1226 = arith.maximumf %max3A_1212, %gather3A_1225 : vector<16xf32>
      %xor3A_1227 = arith.constant 1 : i32
      %xor3A_1228 = vector.broadcast %xor3A_1227 : i32 to vector<16xi32>
      %xor3A_1229 = arith.xori %iota3A, %xor3A_1228 : vector<16xi32>
      %lt3A_1230 = arith.constant 0 : i32
      %lt3A_1231 = vector.broadcast %lt3A_1230 : i32 to vector<16xi32>
      %lt3A_1232 = arith.cmpi slt, %xor3A_1229, %lt3A_1231 : vector<16xi32>
      %add3A_1233 = arith.constant 16 : i32
      %add3A_1234 = vector.broadcast %add3A_1233 : i32 to vector<16xi32>
      %add3A_1235 = arith.addi %xor3A_1229, %add3A_1234 : vector<16xi32>
      %select_n3A_1236 = arith.select %lt3A_1232, %add3A_1235, %xor3A_1229 : vector<16xi1>, vector<16xi32>
      %broadcast_in_dim3A_1237 = vector.shape_cast %select_n3A_1236 : vector<16xi32> to vector<16x1xi32>
      %gather3A_1238 = vector.shape_cast %broadcast_in_dim3A_1237 : vector<16x1xi32> to vector<16xi32>
      %gather3A_1239 = tpu.dynamic_gather %max3A_1226[%gather3A_1238] in [0] : vector<16xf32>, vector<16xi32> -> vector<16xf32>
      %max3A_1240 = arith.maximumf %max3A_1226, %gather3A_1239 : vector<16xf32>
      %eq3A_1241 = arith.cmpf oeq, %select_n3A_1184, %max3A_1240 : vector<16xf32>
      %jit3A_1242 = arith.constant 16 : i32
      %broadcast_in_dim3A_1243 = vector.broadcast %jit3A_1242 : i32 to vector<16xi32>
      %select_n3A_1244 = arith.select %eq3A_1241, %iota3A, %broadcast_in_dim3A_1243 : vector<16xi1>, vector<16xi32>
      %xor3A_1245 = arith.constant 8 : i32
      %xor3A_1246 = vector.broadcast %xor3A_1245 : i32 to vector<16xi32>
      %xor3A_1247 = arith.xori %iota3A, %xor3A_1246 : vector<16xi32>
      %lt3A_1248 = arith.constant 0 : i32
      %lt3A_1249 = vector.broadcast %lt3A_1248 : i32 to vector<16xi32>
      %lt3A_1250 = arith.cmpi slt, %xor3A_1247, %lt3A_1249 : vector<16xi32>
      %add3A_1251 = arith.constant 16 : i32
      %add3A_1252 = vector.broadcast %add3A_1251 : i32 to vector<16xi32>
      %add3A_1253 = arith.addi %xor3A_1247, %add3A_1252 : vector<16xi32>
      %select_n3A_1254 = arith.select %lt3A_1250, %add3A_1253, %xor3A_1247 : vector<16xi1>, vector<16xi32>
      %broadcast_in_dim3A_1255 = vector.shape_cast %select_n3A_1254 : vector<16xi32> to vector<16x1xi32>
      %gather3A_1256 = vector.shape_cast %broadcast_in_dim3A_1255 : vector<16x1xi32> to vector<16xi32>
      %gather3A_1257 = tpu.dynamic_gather %select_n3A_1244[%gather3A_1256] in [0] : vector<16xi32>, vector<16xi32> -> vector<16xi32>
      %min3A_1258 = arith.minsi %select_n3A_1244, %gather3A_1257 : vector<16xi32>
      %xor3A_1259 = arith.constant 4 : i32
      %xor3A_1260 = vector.broadcast %xor3A_1259 : i32 to vector<16xi32>
      %xor3A_1261 = arith.xori %iota3A, %xor3A_1260 : vector<16xi32>
      %lt3A_1262 = arith.constant 0 : i32
      %lt3A_1263 = vector.broadcast %lt3A_1262 : i32 to vector<16xi32>
      %lt3A_1264 = arith.cmpi slt, %xor3A_1261, %lt3A_1263 : vector<16xi32>
      %add3A_1265 = arith.constant 16 : i32
      %add3A_1266 = vector.broadcast %add3A_1265 : i32 to vector<16xi32>
      %add3A_1267 = arith.addi %xor3A_1261, %add3A_1266 : vector<16xi32>
      %select_n3A_1268 = arith.select %lt3A_1264, %add3A_1267, %xor3A_1261 : vector<16xi1>, vector<16xi32>
      %broadcast_in_dim3A_1269 = vector.shape_cast %select_n3A_1268 : vector<16xi32> to vector<16x1xi32>
      %gather3A_1270 = vector.shape_cast %broadcast_in_dim3A_1269 : vector<16x1xi32> to vector<16xi32>
      %gather3A_1271 = tpu.dynamic_gather %min3A_1258[%gather3A_1270] in [0] : vector<16xi32>, vector<16xi32> -> vector<16xi32>
      %min3A_1272 = arith.minsi %min3A_1258, %gather3A_1271 : vector<16xi32>
      %xor3A_1273 = arith.constant 2 : i32
      %xor3A_1274 = vector.broadcast %xor3A_1273 : i32 to vector<16xi32>
      %xor3A_1275 = arith.xori %iota3A, %xor3A_1274 : vector<16xi32>
      %lt3A_1276 = arith.constant 0 : i32
      %lt3A_1277 = vector.broadcast %lt3A_1276 : i32 to vector<16xi32>
      %lt3A_1278 = arith.cmpi slt, %xor3A_1275, %lt3A_1277 : vector<16xi32>
      %add3A_1279 = arith.constant 16 : i32
      %add3A_1280 = vector.broadcast %add3A_1279 : i32 to vector<16xi32>
      %add3A_1281 = arith.addi %xor3A_1275, %add3A_1280 : vector<16xi32>
      %select_n3A_1282 = arith.select %lt3A_1278, %add3A_1281, %xor3A_1275 : vector<16xi1>, vector<16xi32>
      %broadcast_in_dim3A_1283 = vector.shape_cast %select_n3A_1282 : vector<16xi32> to vector<16x1xi32>
      %gather3A_1284 = vector.shape_cast %broadcast_in_dim3A_1283 : vector<16x1xi32> to vector<16xi32>
      %gather3A_1285 = tpu.dynamic_gather %min3A_1272[%gather3A_1284] in [0] : vector<16xi32>, vector<16xi32> -> vector<16xi32>
      %min3A_1286 = arith.minsi %min3A_1272, %gather3A_1285 : vector<16xi32>
      %xor3A_1287 = arith.constant 1 : i32
      %xor3A_1288 = vector.broadcast %xor3A_1287 : i32 to vector<16xi32>
      %xor3A_1289 = arith.xori %iota3A, %xor3A_1288 : vector<16xi32>
      %lt3A_1290 = arith.constant 0 : i32
      %lt3A_1291 = vector.broadcast %lt3A_1290 : i32 to vector<16xi32>
      %lt3A_1292 = arith.cmpi slt, %xor3A_1289, %lt3A_1291 : vector<16xi32>
      %add3A_1293 = arith.constant 16 : i32
      %add3A_1294 = vector.broadcast %add3A_1293 : i32 to vector<16xi32>
      %add3A_1295 = arith.addi %xor3A_1289, %add3A_1294 : vector<16xi32>
      %select_n3A_1296 = arith.select %lt3A_1292, %add3A_1295, %xor3A_1289 : vector<16xi1>, vector<16xi32>
      %broadcast_in_dim3A_1297 = vector.shape_cast %select_n3A_1296 : vector<16xi32> to vector<16x1xi32>
      %gather3A_1298 = vector.shape_cast %broadcast_in_dim3A_1297 : vector<16x1xi32> to vector<16xi32>
      %gather3A_1299 = tpu.dynamic_gather %min3A_1286[%gather3A_1298] in [0] : vector<16xi32>, vector<16xi32> -> vector<16xi32>
      %min3A_1300 = arith.minsi %min3A_1286, %gather3A_1299 : vector<16xi32>
      %sub3A_1301 = arith.subf %max3A_1240, %max3A_1120 : vector<16xf32>
      %exp3A_1302 = math.exp %sub3A_1301 : vector<16xf32>
      %add3A_1303 = arith.constant 1.000000e+00 : f32
      %add3A_1304 = vector.broadcast %add3A_1303 : f32 to vector<16xf32>
      %add3A_1305 = arith.addf %add3A_1304, %exp3A_1302 : vector<16xf32>
      %div3A_1306 = arith.constant 1.000000e+00 : f32
      %div3A_1307 = vector.broadcast %div3A_1306 : f32 to vector<16xf32>
      %div3A_1308 = arith.divf %div3A_1307, %add3A_1305 : vector<16xf32>
      %sub3A_1309 = arith.constant 1.000000e+00 : f32
      %sub3A_1310 = vector.broadcast %sub3A_1309 : f32 to vector<16xf32>
      %sub3A_1311 = arith.subf %sub3A_1310, %div3A_1308 : vector<16xf32>
      %eq3A_1312 = arith.cmpi eq, %iota3A, %min3A_1180 : vector<16xi32>
      %jit3A_1313 = arith.constant 0.000000e+00 : f32
      %broadcast_in_dim3A_1314 = vector.broadcast %jit3A_1313 : f32 to vector<16xf32>
      %select_n3A_1315 = arith.select %eq3A_1312, %div3A_1308, %broadcast_in_dim3A_1314 : vector<16xi1>, vector<16xf32>
      %eq3A_1316 = arith.cmpi eq, %iota3A, %min3A_1300 : vector<16xi32>
      %jit3A_1317 = arith.constant 0.000000e+00 : f32
      %broadcast_in_dim3A_1318 = vector.broadcast %jit3A_1317 : f32 to vector<16xf32>
      %select_n3A_1319 = arith.select %eq3A_1316, %sub3A_1311, %broadcast_in_dim3A_1318 : vector<16xi1>, vector<16xf32>
      %add3A_1320 = arith.addf %select_n3A_1315, %select_n3A_1319 : vector<16xf32>
      %swap3A_1321 = arith.constant 4 : i32
      %swap3A_1322 = arith.index_cast %swap3A_1321 : i32 to index
      %swap3A_1323 = arith.constant 0 : index
      %swap3A_1324 = tpu.vector_load %arg5[%swap3A_1322, %swap3A_1323] {strides = array<i32>} : memref<8x16xf32, #tpu.memory_space<vmem>>, vector<1x16xf32>,
      %swap3A_1325 = vector.shape_cast %swap3A_1324 : vector<1x16xf32> to vector<16xf32>
      %swap3A_1326 = vector.shape_cast %add3A_1320 : vector<16xf32> to vector<1x16xf32>
      tpu.vector_store %arg5[%swap3A_1322, %swap3A_1323], %swap3A_1326 {strides = array<i32>} : memref<8x16xf32, #tpu.memory_space<vmem>>, vector<1x16xf32>,
      %get3A_1327 = arith.constant 5 : i32
      %get3A_1328 = arith.index_cast %get3A_1327 : i32 to index
      %get3A_1329 = arith.constant 0 : index
      %get3A_1330 = tpu.vector_load %arg4[%get3A_1328, %get3A_1329] {strides = array<i32>} : memref<8x16xf32, #tpu.memory_space<vmem>>, vector<1x16xf32>,
      %get3A_1331 = vector.shape_cast %get3A_1330 : vector<1x16xf32> to vector<16xf32>
      %xor3A_1332 = arith.constant 8 : i32
      %xor3A_1333 = vector.broadcast %xor3A_1332 : i32 to vector<16xi32>
      %xor3A_1334 = arith.xori %iota3A, %xor3A_1333 : vector<16xi32>
      %lt3A_1335 = arith.constant 0 : i32
      %lt3A_1336 = vector.broadcast %lt3A_1335 : i32 to vector<16xi32>
      %lt3A_1337 = arith.cmpi slt, %xor3A_1334, %lt3A_1336 : vector<16xi32>
      %add3A_1338 = arith.constant 16 : i32
      %add3A_1339 = vector.broadcast %add3A_1338 : i32 to vector<16xi32>
      %add3A_1340 = arith.addi %xor3A_1334, %add3A_1339 : vector<16xi32>
      %select_n3A_1341 = arith.select %lt3A_1337, %add3A_1340, %xor3A_1334 : vector<16xi1>, vector<16xi32>
      %broadcast_in_dim3A_1342 = vector.shape_cast %select_n3A_1341 : vector<16xi32> to vector<16x1xi32>
      %gather3A_1343 = vector.shape_cast %broadcast_in_dim3A_1342 : vector<16x1xi32> to vector<16xi32>
      %gather3A_1344 = tpu.dynamic_gather %get3A_1331[%gather3A_1343] in [0] : vector<16xf32>, vector<16xi32> -> vector<16xf32>
      %max3A_1345 = arith.maximumf %get3A_1331, %gather3A_1344 : vector<16xf32>
      %xor3A_1346 = arith.constant 4 : i32
      %xor3A_1347 = vector.broadcast %xor3A_1346 : i32 to vector<16xi32>
      %xor3A_1348 = arith.xori %iota3A, %xor3A_1347 : vector<16xi32>
      %lt3A_1349 = arith.constant 0 : i32
      %lt3A_1350 = vector.broadcast %lt3A_1349 : i32 to vector<16xi32>
      %lt3A_1351 = arith.cmpi slt, %xor3A_1348, %lt3A_1350 : vector<16xi32>
      %add3A_1352 = arith.constant 16 : i32
      %add3A_1353 = vector.broadcast %add3A_1352 : i32 to vector<16xi32>
      %add3A_1354 = arith.addi %xor3A_1348, %add3A_1353 : vector<16xi32>
      %select_n3A_1355 = arith.select %lt3A_1351, %add3A_1354, %xor3A_1348 : vector<16xi1>, vector<16xi32>
      %broadcast_in_dim3A_1356 = vector.shape_cast %select_n3A_1355 : vector<16xi32> to vector<16x1xi32>
      %gather3A_1357 = vector.shape_cast %broadcast_in_dim3A_1356 : vector<16x1xi32> to vector<16xi32>
      %gather3A_1358 = tpu.dynamic_gather %max3A_1345[%gather3A_1357] in [0] : vector<16xf32>, vector<16xi32> -> vector<16xf32>
      %max3A_1359 = arith.maximumf %max3A_1345, %gather3A_1358 : vector<16xf32>
      %xor3A_1360 = arith.constant 2 : i32
      %xor3A_1361 = vector.broadcast %xor3A_1360 : i32 to vector<16xi32>
      %xor3A_1362 = arith.xori %iota3A, %xor3A_1361 : vector<16xi32>
      %lt3A_1363 = arith.constant 0 : i32
      %lt3A_1364 = vector.broadcast %lt3A_1363 : i32 to vector<16xi32>
      %lt3A_1365 = arith.cmpi slt, %xor3A_1362, %lt3A_1364 : vector<16xi32>
      %add3A_1366 = arith.constant 16 : i32
      %add3A_1367 = vector.broadcast %add3A_1366 : i32 to vector<16xi32>
      %add3A_1368 = arith.addi %xor3A_1362, %add3A_1367 : vector<16xi32>
      %select_n3A_1369 = arith.select %lt3A_1365, %add3A_1368, %xor3A_1362 : vector<16xi1>, vector<16xi32>
      %broadcast_in_dim3A_1370 = vector.shape_cast %select_n3A_1369 : vector<16xi32> to vector<16x1xi32>
      %gather3A_1371 = vector.shape_cast %broadcast_in_dim3A_1370 : vector<16x1xi32> to vector<16xi32>
      %gather3A_1372 = tpu.dynamic_gather %max3A_1359[%gather3A_1371] in [0] : vector<16xf32>, vector<16xi32> -> vector<16xf32>
      %max3A_1373 = arith.maximumf %max3A_1359, %gather3A_1372 : vector<16xf32>
      %xor3A_1374 = arith.constant 1 : i32
      %xor3A_1375 = vector.broadcast %xor3A_1374 : i32 to vector<16xi32>
      %xor3A_1376 = arith.xori %iota3A, %xor3A_1375 : vector<16xi32>
      %lt3A_1377 = arith.constant 0 : i32
      %lt3A_1378 = vector.broadcast %lt3A_1377 : i32 to vector<16xi32>
      %lt3A_1379 = arith.cmpi slt, %xor3A_1376, %lt3A_1378 : vector<16xi32>
      %add3A_1380 = arith.constant 16 : i32
      %add3A_1381 = vector.broadcast %add3A_1380 : i32 to vector<16xi32>
      %add3A_1382 = arith.addi %xor3A_1376, %add3A_1381 : vector<16xi32>
      %select_n3A_1383 = arith.select %lt3A_1379, %add3A_1382, %xor3A_1376 : vector<16xi1>, vector<16xi32>
      %broadcast_in_dim3A_1384 = vector.shape_cast %select_n3A_1383 : vector<16xi32> to vector<16x1xi32>
      %gather3A_1385 = vector.shape_cast %broadcast_in_dim3A_1384 : vector<16x1xi32> to vector<16xi32>
      %gather3A_1386 = tpu.dynamic_gather %max3A_1373[%gather3A_1385] in [0] : vector<16xf32>, vector<16xi32> -> vector<16xf32>
      %max3A_1387 = arith.maximumf %max3A_1373, %gather3A_1386 : vector<16xf32>
      %eq3A_1388 = arith.cmpf oeq, %get3A_1331, %max3A_1387 : vector<16xf32>
      %jit3A_1389 = arith.constant 16 : i32
      %broadcast_in_dim3A_1390 = vector.broadcast %jit3A_1389 : i32 to vector<16xi32>
      %select_n3A_1391 = arith.select %eq3A_1388, %iota3A, %broadcast_in_dim3A_1390 : vector<16xi1>, vector<16xi32>
      %xor3A_1392 = arith.constant 8 : i32
      %xor3A_1393 = vector.broadcast %xor3A_1392 : i32 to vector<16xi32>
      %xor3A_1394 = arith.xori %iota3A, %xor3A_1393 : vector<16xi32>
      %lt3A_1395 = arith.constant 0 : i32
      %lt3A_1396 = vector.broadcast %lt3A_1395 : i32 to vector<16xi32>
      %lt3A_1397 = arith.cmpi slt, %xor3A_1394, %lt3A_1396 : vector<16xi32>
      %add3A_1398 = arith.constant 16 : i32
      %add3A_1399 = vector.broadcast %add3A_1398 : i32 to vector<16xi32>
      %add3A_1400 = arith.addi %xor3A_1394, %add3A_1399 : vector<16xi32>
      %select_n3A_1401 = arith.select %lt3A_1397, %add3A_1400, %xor3A_1394 : vector<16xi1>, vector<16xi32>
      %broadcast_in_dim3A_1402 = vector.shape_cast %select_n3A_1401 : vector<16xi32> to vector<16x1xi32>
      %gather3A_1403 = vector.shape_cast %broadcast_in_dim3A_1402 : vector<16x1xi32> to vector<16xi32>
      %gather3A_1404 = tpu.dynamic_gather %select_n3A_1391[%gather3A_1403] in [0] : vector<16xi32>, vector<16xi32> -> vector<16xi32>
      %min3A_1405 = arith.minsi %select_n3A_1391, %gather3A_1404 : vector<16xi32>
      %xor3A_1406 = arith.constant 4 : i32
      %xor3A_1407 = vector.broadcast %xor3A_1406 : i32 to vector<16xi32>
      %xor3A_1408 = arith.xori %iota3A, %xor3A_1407 : vector<16xi32>
      %lt3A_1409 = arith.constant 0 : i32
      %lt3A_1410 = vector.broadcast %lt3A_1409 : i32 to vector<16xi32>
      %lt3A_1411 = arith.cmpi slt, %xor3A_1408, %lt3A_1410 : vector<16xi32>
      %add3A_1412 = arith.constant 16 : i32
      %add3A_1413 = vector.broadcast %add3A_1412 : i32 to vector<16xi32>
      %add3A_1414 = arith.addi %xor3A_1408, %add3A_1413 : vector<16xi32>
      %select_n3A_1415 = arith.select %lt3A_1411, %add3A_1414, %xor3A_1408 : vector<16xi1>, vector<16xi32>
      %broadcast_in_dim3A_1416 = vector.shape_cast %select_n3A_1415 : vector<16xi32> to vector<16x1xi32>
      %gather3A_1417 = vector.shape_cast %broadcast_in_dim3A_1416 : vector<16x1xi32> to vector<16xi32>
      %gather3A_1418 = tpu.dynamic_gather %min3A_1405[%gather3A_1417] in [0] : vector<16xi32>, vector<16xi32> -> vector<16xi32>
      %min3A_1419 = arith.minsi %min3A_1405, %gather3A_1418 : vector<16xi32>
      %xor3A_1420 = arith.constant 2 : i32
      %xor3A_1421 = vector.broadcast %xor3A_1420 : i32 to vector<16xi32>
      %xor3A_1422 = arith.xori %iota3A, %xor3A_1421 : vector<16xi32>
      %lt3A_1423 = arith.constant 0 : i32
      %lt3A_1424 = vector.broadcast %lt3A_1423 : i32 to vector<16xi32>
      %lt3A_1425 = arith.cmpi slt, %xor3A_1422, %lt3A_1424 : vector<16xi32>
      %add3A_1426 = arith.constant 16 : i32
      %add3A_1427 = vector.broadcast %add3A_1426 : i32 to vector<16xi32>
      %add3A_1428 = arith.addi %xor3A_1422, %add3A_1427 : vector<16xi32>
      %select_n3A_1429 = arith.select %lt3A_1425, %add3A_1428, %xor3A_1422 : vector<16xi1>, vector<16xi32>
      %broadcast_in_dim3A_1430 = vector.shape_cast %select_n3A_1429 : vector<16xi32> to vector<16x1xi32>
      %gather3A_1431 = vector.shape_cast %broadcast_in_dim3A_1430 : vector<16x1xi32> to vector<16xi32>
      %gather3A_1432 = tpu.dynamic_gather %min3A_1419[%gather3A_1431] in [0] : vector<16xi32>, vector<16xi32> -> vector<16xi32>
      %min3A_1433 = arith.minsi %min3A_1419, %gather3A_1432 : vector<16xi32>
      %xor3A_1434 = arith.constant 1 : i32
      %xor3A_1435 = vector.broadcast %xor3A_1434 : i32 to vector<16xi32>
      %xor3A_1436 = arith.xori %iota3A, %xor3A_1435 : vector<16xi32>
      %lt3A_1437 = arith.constant 0 : i32
      %lt3A_1438 = vector.broadcast %lt3A_1437 : i32 to vector<16xi32>
      %lt3A_1439 = arith.cmpi slt, %xor3A_1436, %lt3A_1438 : vector<16xi32>
      %add3A_1440 = arith.constant 16 : i32
      %add3A_1441 = vector.broadcast %add3A_1440 : i32 to vector<16xi32>
      %add3A_1442 = arith.addi %xor3A_1436, %add3A_1441 : vector<16xi32>
      %select_n3A_1443 = arith.select %lt3A_1439, %add3A_1442, %xor3A_1436 : vector<16xi1>, vector<16xi32>
      %broadcast_in_dim3A_1444 = vector.shape_cast %select_n3A_1443 : vector<16xi32> to vector<16x1xi32>
      %gather3A_1445 = vector.shape_cast %broadcast_in_dim3A_1444 : vector<16x1xi32> to vector<16xi32>
      %gather3A_1446 = tpu.dynamic_gather %min3A_1433[%gather3A_1445] in [0] : vector<16xi32>, vector<16xi32> -> vector<16xi32>
      %min3A_1447 = arith.minsi %min3A_1433, %gather3A_1446 : vector<16xi32>
      %eq3A_1448 = arith.cmpi eq, %iota3A, %min3A_1447 : vector<16xi32>
      %jit3A_1449 = arith.constant -1.000000e+30 : f32
      %broadcast_in_dim3A_1450 = vector.broadcast %jit3A_1449 : f32 to vector<16xf32>
      %select_n3A_1451 = arith.select %eq3A_1448, %broadcast_in_dim3A_1450, %get3A_1331 : vector<16xi1>, vector<16xf32>
      %xor3A_1452 = arith.constant 8 : i32
      %xor3A_1453 = vector.broadcast %xor3A_1452 : i32 to vector<16xi32>
      %xor3A_1454 = arith.xori %iota3A, %xor3A_1453 : vector<16xi32>
      %lt3A_1455 = arith.constant 0 : i32
      %lt3A_1456 = vector.broadcast %lt3A_1455 : i32 to vector<16xi32>
      %lt3A_1457 = arith.cmpi slt, %xor3A_1454, %lt3A_1456 : vector<16xi32>
      %add3A_1458 = arith.constant 16 : i32
      %add3A_1459 = vector.broadcast %add3A_1458 : i32 to vector<16xi32>
      %add3A_1460 = arith.addi %xor3A_1454, %add3A_1459 : vector<16xi32>
      %select_n3A_1461 = arith.select %lt3A_1457, %add3A_1460, %xor3A_1454 : vector<16xi1>, vector<16xi32>
      %broadcast_in_dim3A_1462 = vector.shape_cast %select_n3A_1461 : vector<16xi32> to vector<16x1xi32>
      %gather3A_1463 = vector.shape_cast %broadcast_in_dim3A_1462 : vector<16x1xi32> to vector<16xi32>
      %gather3A_1464 = tpu.dynamic_gather %select_n3A_1451[%gather3A_1463] in [0] : vector<16xf32>, vector<16xi32> -> vector<16xf32>
      %max3A_1465 = arith.maximumf %select_n3A_1451, %gather3A_1464 : vector<16xf32>
      %xor3A_1466 = arith.constant 4 : i32
      %xor3A_1467 = vector.broadcast %xor3A_1466 : i32 to vector<16xi32>
      %xor3A_1468 = arith.xori %iota3A, %xor3A_1467 : vector<16xi32>
      %lt3A_1469 = arith.constant 0 : i32
      %lt3A_1470 = vector.broadcast %lt3A_1469 : i32 to vector<16xi32>
      %lt3A_1471 = arith.cmpi slt, %xor3A_1468, %lt3A_1470 : vector<16xi32>
      %add3A_1472 = arith.constant 16 : i32
      %add3A_1473 = vector.broadcast %add3A_1472 : i32 to vector<16xi32>
      %add3A_1474 = arith.addi %xor3A_1468, %add3A_1473 : vector<16xi32>
      %select_n3A_1475 = arith.select %lt3A_1471, %add3A_1474, %xor3A_1468 : vector<16xi1>, vector<16xi32>
      %broadcast_in_dim3A_1476 = vector.shape_cast %select_n3A_1475 : vector<16xi32> to vector<16x1xi32>
      %gather3A_1477 = vector.shape_cast %broadcast_in_dim3A_1476 : vector<16x1xi32> to vector<16xi32>
      %gather3A_1478 = tpu.dynamic_gather %max3A_1465[%gather3A_1477] in [0] : vector<16xf32>, vector<16xi32> -> vector<16xf32>
      %max3A_1479 = arith.maximumf %max3A_1465, %gather3A_1478 : vector<16xf32>
      %xor3A_1480 = arith.constant 2 : i32
      %xor3A_1481 = vector.broadcast %xor3A_1480 : i32 to vector<16xi32>
      %xor3A_1482 = arith.xori %iota3A, %xor3A_1481 : vector<16xi32>
      %lt3A_1483 = arith.constant 0 : i32
      %lt3A_1484 = vector.broadcast %lt3A_1483 : i32 to vector<16xi32>
      %lt3A_1485 = arith.cmpi slt, %xor3A_1482, %lt3A_1484 : vector<16xi32>
      %add3A_1486 = arith.constant 16 : i32
      %add3A_1487 = vector.broadcast %add3A_1486 : i32 to vector<16xi32>
      %add3A_1488 = arith.addi %xor3A_1482, %add3A_1487 : vector<16xi32>
      %select_n3A_1489 = arith.select %lt3A_1485, %add3A_1488, %xor3A_1482 : vector<16xi1>, vector<16xi32>
      %broadcast_in_dim3A_1490 = vector.shape_cast %select_n3A_1489 : vector<16xi32> to vector<16x1xi32>
      %gather3A_1491 = vector.shape_cast %broadcast_in_dim3A_1490 : vector<16x1xi32> to vector<16xi32>
      %gather3A_1492 = tpu.dynamic_gather %max3A_1479[%gather3A_1491] in [0] : vector<16xf32>, vector<16xi32> -> vector<16xf32>
      %max3A_1493 = arith.maximumf %max3A_1479, %gather3A_1492 : vector<16xf32>
      %xor3A_1494 = arith.constant 1 : i32
      %xor3A_1495 = vector.broadcast %xor3A_1494 : i32 to vector<16xi32>
      %xor3A_1496 = arith.xori %iota3A, %xor3A_1495 : vector<16xi32>
      %lt3A_1497 = arith.constant 0 : i32
      %lt3A_1498 = vector.broadcast %lt3A_1497 : i32 to vector<16xi32>
      %lt3A_1499 = arith.cmpi slt, %xor3A_1496, %lt3A_1498 : vector<16xi32>
      %add3A_1500 = arith.constant 16 : i32
      %add3A_1501 = vector.broadcast %add3A_1500 : i32 to vector<16xi32>
      %add3A_1502 = arith.addi %xor3A_1496, %add3A_1501 : vector<16xi32>
      %select_n3A_1503 = arith.select %lt3A_1499, %add3A_1502, %xor3A_1496 : vector<16xi1>, vector<16xi32>
      %broadcast_in_dim3A_1504 = vector.shape_cast %select_n3A_1503 : vector<16xi32> to vector<16x1xi32>
      %gather3A_1505 = vector.shape_cast %broadcast_in_dim3A_1504 : vector<16x1xi32> to vector<16xi32>
      %gather3A_1506 = tpu.dynamic_gather %max3A_1493[%gather3A_1505] in [0] : vector<16xf32>, vector<16xi32> -> vector<16xf32>
      %max3A_1507 = arith.maximumf %max3A_1493, %gather3A_1506 : vector<16xf32>
      %eq3A_1508 = arith.cmpf oeq, %select_n3A_1451, %max3A_1507 : vector<16xf32>
      %jit3A_1509 = arith.constant 16 : i32
      %broadcast_in_dim3A_1510 = vector.broadcast %jit3A_1509 : i32 to vector<16xi32>
      %select_n3A_1511 = arith.select %eq3A_1508, %iota3A, %broadcast_in_dim3A_1510 : vector<16xi1>, vector<16xi32>
      %xor3A_1512 = arith.constant 8 : i32
      %xor3A_1513 = vector.broadcast %xor3A_1512 : i32 to vector<16xi32>
      %xor3A_1514 = arith.xori %iota3A, %xor3A_1513 : vector<16xi32>
      %lt3A_1515 = arith.constant 0 : i32
      %lt3A_1516 = vector.broadcast %lt3A_1515 : i32 to vector<16xi32>
      %lt3A_1517 = arith.cmpi slt, %xor3A_1514, %lt3A_1516 : vector<16xi32>
      %add3A_1518 = arith.constant 16 : i32
      %add3A_1519 = vector.broadcast %add3A_1518 : i32 to vector<16xi32>
      %add3A_1520 = arith.addi %xor3A_1514, %add3A_1519 : vector<16xi32>
      %select_n3A_1521 = arith.select %lt3A_1517, %add3A_1520, %xor3A_1514 : vector<16xi1>, vector<16xi32>
      %broadcast_in_dim3A_1522 = vector.shape_cast %select_n3A_1521 : vector<16xi32> to vector<16x1xi32>
      %gather3A_1523 = vector.shape_cast %broadcast_in_dim3A_1522 : vector<16x1xi32> to vector<16xi32>
      %gather3A_1524 = tpu.dynamic_gather %select_n3A_1511[%gather3A_1523] in [0] : vector<16xi32>, vector<16xi32> -> vector<16xi32>
      %min3A_1525 = arith.minsi %select_n3A_1511, %gather3A_1524 : vector<16xi32>
      %xor3A_1526 = arith.constant 4 : i32
      %xor3A_1527 = vector.broadcast %xor3A_1526 : i32 to vector<16xi32>
      %xor3A_1528 = arith.xori %iota3A, %xor3A_1527 : vector<16xi32>
      %lt3A_1529 = arith.constant 0 : i32
      %lt3A_1530 = vector.broadcast %lt3A_1529 : i32 to vector<16xi32>
      %lt3A_1531 = arith.cmpi slt, %xor3A_1528, %lt3A_1530 : vector<16xi32>
      %add3A_1532 = arith.constant 16 : i32
      %add3A_1533 = vector.broadcast %add3A_1532 : i32 to vector<16xi32>
      %add3A_1534 = arith.addi %xor3A_1528, %add3A_1533 : vector<16xi32>
      %select_n3A_1535 = arith.select %lt3A_1531, %add3A_1534, %xor3A_1528 : vector<16xi1>, vector<16xi32>
      %broadcast_in_dim3A_1536 = vector.shape_cast %select_n3A_1535 : vector<16xi32> to vector<16x1xi32>
      %gather3A_1537 = vector.shape_cast %broadcast_in_dim3A_1536 : vector<16x1xi32> to vector<16xi32>
      %gather3A_1538 = tpu.dynamic_gather %min3A_1525[%gather3A_1537] in [0] : vector<16xi32>, vector<16xi32> -> vector<16xi32>
      %min3A_1539 = arith.minsi %min3A_1525, %gather3A_1538 : vector<16xi32>
      %xor3A_1540 = arith.constant 2 : i32
      %xor3A_1541 = vector.broadcast %xor3A_1540 : i32 to vector<16xi32>
      %xor3A_1542 = arith.xori %iota3A, %xor3A_1541 : vector<16xi32>
      %lt3A_1543 = arith.constant 0 : i32
      %lt3A_1544 = vector.broadcast %lt3A_1543 : i32 to vector<16xi32>
      %lt3A_1545 = arith.cmpi slt, %xor3A_1542, %lt3A_1544 : vector<16xi32>
      %add3A_1546 = arith.constant 16 : i32
      %add3A_1547 = vector.broadcast %add3A_1546 : i32 to vector<16xi32>
      %add3A_1548 = arith.addi %xor3A_1542, %add3A_1547 : vector<16xi32>
      %select_n3A_1549 = arith.select %lt3A_1545, %add3A_1548, %xor3A_1542 : vector<16xi1>, vector<16xi32>
      %broadcast_in_dim3A_1550 = vector.shape_cast %select_n3A_1549 : vector<16xi32> to vector<16x1xi32>
      %gather3A_1551 = vector.shape_cast %broadcast_in_dim3A_1550 : vector<16x1xi32> to vector<16xi32>
      %gather3A_1552 = tpu.dynamic_gather %min3A_1539[%gather3A_1551] in [0] : vector<16xi32>, vector<16xi32> -> vector<16xi32>
      %min3A_1553 = arith.minsi %min3A_1539, %gather3A_1552 : vector<16xi32>
      %xor3A_1554 = arith.constant 1 : i32
      %xor3A_1555 = vector.broadcast %xor3A_1554 : i32 to vector<16xi32>
      %xor3A_1556 = arith.xori %iota3A, %xor3A_1555 : vector<16xi32>
      %lt3A_1557 = arith.constant 0 : i32
      %lt3A_1558 = vector.broadcast %lt3A_1557 : i32 to vector<16xi32>
      %lt3A_1559 = arith.cmpi slt, %xor3A_1556, %lt3A_1558 : vector<16xi32>
      %add3A_1560 = arith.constant 16 : i32
      %add3A_1561 = vector.broadcast %add3A_1560 : i32 to vector<16xi32>
      %add3A_1562 = arith.addi %xor3A_1556, %add3A_1561 : vector<16xi32>
      %select_n3A_1563 = arith.select %lt3A_1559, %add3A_1562, %xor3A_1556 : vector<16xi1>, vector<16xi32>
      %broadcast_in_dim3A_1564 = vector.shape_cast %select_n3A_1563 : vector<16xi32> to vector<16x1xi32>
      %gather3A_1565 = vector.shape_cast %broadcast_in_dim3A_1564 : vector<16x1xi32> to vector<16xi32>
      %gather3A_1566 = tpu.dynamic_gather %min3A_1553[%gather3A_1565] in [0] : vector<16xi32>, vector<16xi32> -> vector<16xi32>
      %min3A_1567 = arith.minsi %min3A_1553, %gather3A_1566 : vector<16xi32>
      %sub3A_1568 = arith.subf %max3A_1507, %max3A_1387 : vector<16xf32>
      %exp3A_1569 = math.exp %sub3A_1568 : vector<16xf32>
      %add3A_1570 = arith.constant 1.000000e+00 : f32
      %add3A_1571 = vector.broadcast %add3A_1570 : f32 to vector<16xf32>
      %add3A_1572 = arith.addf %add3A_1571, %exp3A_1569 : vector<16xf32>
      %div3A_1573 = arith.constant 1.000000e+00 : f32
      %div3A_1574 = vector.broadcast %div3A_1573 : f32 to vector<16xf32>
      %div3A_1575 = arith.divf %div3A_1574, %add3A_1572 : vector<16xf32>
      %sub3A_1576 = arith.constant 1.000000e+00 : f32
      %sub3A_1577 = vector.broadcast %sub3A_1576 : f32 to vector<16xf32>
      %sub3A_1578 = arith.subf %sub3A_1577, %div3A_1575 : vector<16xf32>
      %eq3A_1579 = arith.cmpi eq, %iota3A, %min3A_1447 : vector<16xi32>
      %jit3A_1580 = arith.constant 0.000000e+00 : f32
      %broadcast_in_dim3A_1581 = vector.broadcast %jit3A_1580 : f32 to vector<16xf32>
      %select_n3A_1582 = arith.select %eq3A_1579, %div3A_1575, %broadcast_in_dim3A_1581 : vector<16xi1>, vector<16xf32>
      %eq3A_1583 = arith.cmpi eq, %iota3A, %min3A_1567 : vector<16xi32>
      %jit3A_1584 = arith.constant 0.000000e+00 : f32
      %broadcast_in_dim3A_1585 = vector.broadcast %jit3A_1584 : f32 to vector<16xf32>
      %select_n3A_1586 = arith.select %eq3A_1583, %sub3A_1578, %broadcast_in_dim3A_1585 : vector<16xi1>, vector<16xf32>
      %add3A_1587 = arith.addf %select_n3A_1582, %select_n3A_1586 : vector<16xf32>
      %swap3A_1588 = arith.constant 5 : i32
      %swap3A_1589 = arith.index_cast %swap3A_1588 : i32 to index
      %swap3A_1590 = arith.constant 0 : index
      %swap3A_1591 = tpu.vector_load %arg5[%swap3A_1589, %swap3A_1590] {strides = array<i32>} : memref<8x16xf32, #tpu.memory_space<vmem>>, vector<1x16xf32>,
      %swap3A_1592 = vector.shape_cast %swap3A_1591 : vector<1x16xf32> to vector<16xf32>
      %swap3A_1593 = vector.shape_cast %add3A_1587 : vector<16xf32> to vector<1x16xf32>
      tpu.vector_store %arg5[%swap3A_1589, %swap3A_1590], %swap3A_1593 {strides = array<i32>} : memref<8x16xf32, #tpu.memory_space<vmem>>, vector<1x16xf32>,
      %get3A_1594 = arith.constant 6 : i32
      %get3A_1595 = arith.index_cast %get3A_1594 : i32 to index
      %get3A_1596 = arith.constant 0 : index
      %get3A_1597 = tpu.vector_load %arg4[%get3A_1595, %get3A_1596] {strides = array<i32>} : memref<8x16xf32, #tpu.memory_space<vmem>>, vector<1x16xf32>,
      %get3A_1598 = vector.shape_cast %get3A_1597 : vector<1x16xf32> to vector<16xf32>
      %xor3A_1599 = arith.constant 8 : i32
      %xor3A_1600 = vector.broadcast %xor3A_1599 : i32 to vector<16xi32>
      %xor3A_1601 = arith.xori %iota3A, %xor3A_1600 : vector<16xi32>
      %lt3A_1602 = arith.constant 0 : i32
      %lt3A_1603 = vector.broadcast %lt3A_1602 : i32 to vector<16xi32>
      %lt3A_1604 = arith.cmpi slt, %xor3A_1601, %lt3A_1603 : vector<16xi32>
      %add3A_1605 = arith.constant 16 : i32
      %add3A_1606 = vector.broadcast %add3A_1605 : i32 to vector<16xi32>
      %add3A_1607 = arith.addi %xor3A_1601, %add3A_1606 : vector<16xi32>
      %select_n3A_1608 = arith.select %lt3A_1604, %add3A_1607, %xor3A_1601 : vector<16xi1>, vector<16xi32>
      %broadcast_in_dim3A_1609 = vector.shape_cast %select_n3A_1608 : vector<16xi32> to vector<16x1xi32>
      %gather3A_1610 = vector.shape_cast %broadcast_in_dim3A_1609 : vector<16x1xi32> to vector<16xi32>
      %gather3A_1611 = tpu.dynamic_gather %get3A_1598[%gather3A_1610] in [0] : vector<16xf32>, vector<16xi32> -> vector<16xf32>
      %max3A_1612 = arith.maximumf %get3A_1598, %gather3A_1611 : vector<16xf32>
      %xor3A_1613 = arith.constant 4 : i32
      %xor3A_1614 = vector.broadcast %xor3A_1613 : i32 to vector<16xi32>
      %xor3A_1615 = arith.xori %iota3A, %xor3A_1614 : vector<16xi32>
      %lt3A_1616 = arith.constant 0 : i32
      %lt3A_1617 = vector.broadcast %lt3A_1616 : i32 to vector<16xi32>
      %lt3A_1618 = arith.cmpi slt, %xor3A_1615, %lt3A_1617 : vector<16xi32>
      %add3A_1619 = arith.constant 16 : i32
      %add3A_1620 = vector.broadcast %add3A_1619 : i32 to vector<16xi32>
      %add3A_1621 = arith.addi %xor3A_1615, %add3A_1620 : vector<16xi32>
      %select_n3A_1622 = arith.select %lt3A_1618, %add3A_1621, %xor3A_1615 : vector<16xi1>, vector<16xi32>
      %broadcast_in_dim3A_1623 = vector.shape_cast %select_n3A_1622 : vector<16xi32> to vector<16x1xi32>
      %gather3A_1624 = vector.shape_cast %broadcast_in_dim3A_1623 : vector<16x1xi32> to vector<16xi32>
      %gather3A_1625 = tpu.dynamic_gather %max3A_1612[%gather3A_1624] in [0] : vector<16xf32>, vector<16xi32> -> vector<16xf32>
      %max3A_1626 = arith.maximumf %max3A_1612, %gather3A_1625 : vector<16xf32>
      %xor3A_1627 = arith.constant 2 : i32
      %xor3A_1628 = vector.broadcast %xor3A_1627 : i32 to vector<16xi32>
      %xor3A_1629 = arith.xori %iota3A, %xor3A_1628 : vector<16xi32>
      %lt3A_1630 = arith.constant 0 : i32
      %lt3A_1631 = vector.broadcast %lt3A_1630 : i32 to vector<16xi32>
      %lt3A_1632 = arith.cmpi slt, %xor3A_1629, %lt3A_1631 : vector<16xi32>
      %add3A_1633 = arith.constant 16 : i32
      %add3A_1634 = vector.broadcast %add3A_1633 : i32 to vector<16xi32>
      %add3A_1635 = arith.addi %xor3A_1629, %add3A_1634 : vector<16xi32>
      %select_n3A_1636 = arith.select %lt3A_1632, %add3A_1635, %xor3A_1629 : vector<16xi1>, vector<16xi32>
      %broadcast_in_dim3A_1637 = vector.shape_cast %select_n3A_1636 : vector<16xi32> to vector<16x1xi32>
      %gather3A_1638 = vector.shape_cast %broadcast_in_dim3A_1637 : vector<16x1xi32> to vector<16xi32>
      %gather3A_1639 = tpu.dynamic_gather %max3A_1626[%gather3A_1638] in [0] : vector<16xf32>, vector<16xi32> -> vector<16xf32>
      %max3A_1640 = arith.maximumf %max3A_1626, %gather3A_1639 : vector<16xf32>
      %xor3A_1641 = arith.constant 1 : i32
      %xor3A_1642 = vector.broadcast %xor3A_1641 : i32 to vector<16xi32>
      %xor3A_1643 = arith.xori %iota3A, %xor3A_1642 : vector<16xi32>
      %lt3A_1644 = arith.constant 0 : i32
      %lt3A_1645 = vector.broadcast %lt3A_1644 : i32 to vector<16xi32>
      %lt3A_1646 = arith.cmpi slt, %xor3A_1643, %lt3A_1645 : vector<16xi32>
      %add3A_1647 = arith.constant 16 : i32
      %add3A_1648 = vector.broadcast %add3A_1647 : i32 to vector<16xi32>
      %add3A_1649 = arith.addi %xor3A_1643, %add3A_1648 : vector<16xi32>
      %select_n3A_1650 = arith.select %lt3A_1646, %add3A_1649, %xor3A_1643 : vector<16xi1>, vector<16xi32>
      %broadcast_in_dim3A_1651 = vector.shape_cast %select_n3A_1650 : vector<16xi32> to vector<16x1xi32>
      %gather3A_1652 = vector.shape_cast %broadcast_in_dim3A_1651 : vector<16x1xi32> to vector<16xi32>
      %gather3A_1653 = tpu.dynamic_gather %max3A_1640[%gather3A_1652] in [0] : vector<16xf32>, vector<16xi32> -> vector<16xf32>
      %max3A_1654 = arith.maximumf %max3A_1640, %gather3A_1653 : vector<16xf32>
      %eq3A_1655 = arith.cmpf oeq, %get3A_1598, %max3A_1654 : vector<16xf32>
      %jit3A_1656 = arith.constant 16 : i32
      %broadcast_in_dim3A_1657 = vector.broadcast %jit3A_1656 : i32 to vector<16xi32>
      %select_n3A_1658 = arith.select %eq3A_1655, %iota3A, %broadcast_in_dim3A_1657 : vector<16xi1>, vector<16xi32>
      %xor3A_1659 = arith.constant 8 : i32
      %xor3A_1660 = vector.broadcast %xor3A_1659 : i32 to vector<16xi32>
      %xor3A_1661 = arith.xori %iota3A, %xor3A_1660 : vector<16xi32>
      %lt3A_1662 = arith.constant 0 : i32
      %lt3A_1663 = vector.broadcast %lt3A_1662 : i32 to vector<16xi32>
      %lt3A_1664 = arith.cmpi slt, %xor3A_1661, %lt3A_1663 : vector<16xi32>
      %add3A_1665 = arith.constant 16 : i32
      %add3A_1666 = vector.broadcast %add3A_1665 : i32 to vector<16xi32>
      %add3A_1667 = arith.addi %xor3A_1661, %add3A_1666 : vector<16xi32>
      %select_n3A_1668 = arith.select %lt3A_1664, %add3A_1667, %xor3A_1661 : vector<16xi1>, vector<16xi32>
      %broadcast_in_dim3A_1669 = vector.shape_cast %select_n3A_1668 : vector<16xi32> to vector<16x1xi32>
      %gather3A_1670 = vector.shape_cast %broadcast_in_dim3A_1669 : vector<16x1xi32> to vector<16xi32>
      %gather3A_1671 = tpu.dynamic_gather %select_n3A_1658[%gather3A_1670] in [0] : vector<16xi32>, vector<16xi32> -> vector<16xi32>
      %min3A_1672 = arith.minsi %select_n3A_1658, %gather3A_1671 : vector<16xi32>
      %xor3A_1673 = arith.constant 4 : i32
      %xor3A_1674 = vector.broadcast %xor3A_1673 : i32 to vector<16xi32>
      %xor3A_1675 = arith.xori %iota3A, %xor3A_1674 : vector<16xi32>
      %lt3A_1676 = arith.constant 0 : i32
      %lt3A_1677 = vector.broadcast %lt3A_1676 : i32 to vector<16xi32>
      %lt3A_1678 = arith.cmpi slt, %xor3A_1675, %lt3A_1677 : vector<16xi32>
      %add3A_1679 = arith.constant 16 : i32
      %add3A_1680 = vector.broadcast %add3A_1679 : i32 to vector<16xi32>
      %add3A_1681 = arith.addi %xor3A_1675, %add3A_1680 : vector<16xi32>
      %select_n3A_1682 = arith.select %lt3A_1678, %add3A_1681, %xor3A_1675 : vector<16xi1>, vector<16xi32>
      %broadcast_in_dim3A_1683 = vector.shape_cast %select_n3A_1682 : vector<16xi32> to vector<16x1xi32>
      %gather3A_1684 = vector.shape_cast %broadcast_in_dim3A_1683 : vector<16x1xi32> to vector<16xi32>
      %gather3A_1685 = tpu.dynamic_gather %min3A_1672[%gather3A_1684] in [0] : vector<16xi32>, vector<16xi32> -> vector<16xi32>
      %min3A_1686 = arith.minsi %min3A_1672, %gather3A_1685 : vector<16xi32>
      %xor3A_1687 = arith.constant 2 : i32
      %xor3A_1688 = vector.broadcast %xor3A_1687 : i32 to vector<16xi32>
      %xor3A_1689 = arith.xori %iota3A, %xor3A_1688 : vector<16xi32>
      %lt3A_1690 = arith.constant 0 : i32
      %lt3A_1691 = vector.broadcast %lt3A_1690 : i32 to vector<16xi32>
      %lt3A_1692 = arith.cmpi slt, %xor3A_1689, %lt3A_1691 : vector<16xi32>
      %add3A_1693 = arith.constant 16 : i32
      %add3A_1694 = vector.broadcast %add3A_1693 : i32 to vector<16xi32>
      %add3A_1695 = arith.addi %xor3A_1689, %add3A_1694 : vector<16xi32>
      %select_n3A_1696 = arith.select %lt3A_1692, %add3A_1695, %xor3A_1689 : vector<16xi1>, vector<16xi32>
      %broadcast_in_dim3A_1697 = vector.shape_cast %select_n3A_1696 : vector<16xi32> to vector<16x1xi32>
      %gather3A_1698 = vector.shape_cast %broadcast_in_dim3A_1697 : vector<16x1xi32> to vector<16xi32>
      %gather3A_1699 = tpu.dynamic_gather %min3A_1686[%gather3A_1698] in [0] : vector<16xi32>, vector<16xi32> -> vector<16xi32>
      %min3A_1700 = arith.minsi %min3A_1686, %gather3A_1699 : vector<16xi32>
      %xor3A_1701 = arith.constant 1 : i32
      %xor3A_1702 = vector.broadcast %xor3A_1701 : i32 to vector<16xi32>
      %xor3A_1703 = arith.xori %iota3A, %xor3A_1702 : vector<16xi32>
      %lt3A_1704 = arith.constant 0 : i32
      %lt3A_1705 = vector.broadcast %lt3A_1704 : i32 to vector<16xi32>
      %lt3A_1706 = arith.cmpi slt, %xor3A_1703, %lt3A_1705 : vector<16xi32>
      %add3A_1707 = arith.constant 16 : i32
      %add3A_1708 = vector.broadcast %add3A_1707 : i32 to vector<16xi32>
      %add3A_1709 = arith.addi %xor3A_1703, %add3A_1708 : vector<16xi32>
      %select_n3A_1710 = arith.select %lt3A_1706, %add3A_1709, %xor3A_1703 : vector<16xi1>, vector<16xi32>
      %broadcast_in_dim3A_1711 = vector.shape_cast %select_n3A_1710 : vector<16xi32> to vector<16x1xi32>
      %gather3A_1712 = vector.shape_cast %broadcast_in_dim3A_1711 : vector<16x1xi32> to vector<16xi32>
      %gather3A_1713 = tpu.dynamic_gather %min3A_1700[%gather3A_1712] in [0] : vector<16xi32>, vector<16xi32> -> vector<16xi32>
      %min3A_1714 = arith.minsi %min3A_1700, %gather3A_1713 : vector<16xi32>
      %eq3A_1715 = arith.cmpi eq, %iota3A, %min3A_1714 : vector<16xi32>
      %jit3A_1716 = arith.constant -1.000000e+30 : f32
      %broadcast_in_dim3A_1717 = vector.broadcast %jit3A_1716 : f32 to vector<16xf32>
      %select_n3A_1718 = arith.select %eq3A_1715, %broadcast_in_dim3A_1717, %get3A_1598 : vector<16xi1>, vector<16xf32>
      %xor3A_1719 = arith.constant 8 : i32
      %xor3A_1720 = vector.broadcast %xor3A_1719 : i32 to vector<16xi32>
      %xor3A_1721 = arith.xori %iota3A, %xor3A_1720 : vector<16xi32>
      %lt3A_1722 = arith.constant 0 : i32
      %lt3A_1723 = vector.broadcast %lt3A_1722 : i32 to vector<16xi32>
      %lt3A_1724 = arith.cmpi slt, %xor3A_1721, %lt3A_1723 : vector<16xi32>
      %add3A_1725 = arith.constant 16 : i32
      %add3A_1726 = vector.broadcast %add3A_1725 : i32 to vector<16xi32>
      %add3A_1727 = arith.addi %xor3A_1721, %add3A_1726 : vector<16xi32>
      %select_n3A_1728 = arith.select %lt3A_1724, %add3A_1727, %xor3A_1721 : vector<16xi1>, vector<16xi32>
      %broadcast_in_dim3A_1729 = vector.shape_cast %select_n3A_1728 : vector<16xi32> to vector<16x1xi32>
      %gather3A_1730 = vector.shape_cast %broadcast_in_dim3A_1729 : vector<16x1xi32> to vector<16xi32>
      %gather3A_1731 = tpu.dynamic_gather %select_n3A_1718[%gather3A_1730] in [0] : vector<16xf32>, vector<16xi32> -> vector<16xf32>
      %max3A_1732 = arith.maximumf %select_n3A_1718, %gather3A_1731 : vector<16xf32>
      %xor3A_1733 = arith.constant 4 : i32
      %xor3A_1734 = vector.broadcast %xor3A_1733 : i32 to vector<16xi32>
      %xor3A_1735 = arith.xori %iota3A, %xor3A_1734 : vector<16xi32>
      %lt3A_1736 = arith.constant 0 : i32
      %lt3A_1737 = vector.broadcast %lt3A_1736 : i32 to vector<16xi32>
      %lt3A_1738 = arith.cmpi slt, %xor3A_1735, %lt3A_1737 : vector<16xi32>
      %add3A_1739 = arith.constant 16 : i32
      %add3A_1740 = vector.broadcast %add3A_1739 : i32 to vector<16xi32>
      %add3A_1741 = arith.addi %xor3A_1735, %add3A_1740 : vector<16xi32>
      %select_n3A_1742 = arith.select %lt3A_1738, %add3A_1741, %xor3A_1735 : vector<16xi1>, vector<16xi32>
      %broadcast_in_dim3A_1743 = vector.shape_cast %select_n3A_1742 : vector<16xi32> to vector<16x1xi32>
      %gather3A_1744 = vector.shape_cast %broadcast_in_dim3A_1743 : vector<16x1xi32> to vector<16xi32>
      %gather3A_1745 = tpu.dynamic_gather %max3A_1732[%gather3A_1744] in [0] : vector<16xf32>, vector<16xi32> -> vector<16xf32>
      %max3A_1746 = arith.maximumf %max3A_1732, %gather3A_1745 : vector<16xf32>
      %xor3A_1747 = arith.constant 2 : i32
      %xor3A_1748 = vector.broadcast %xor3A_1747 : i32 to vector<16xi32>
      %xor3A_1749 = arith.xori %iota3A, %xor3A_1748 : vector<16xi32>
      %lt3A_1750 = arith.constant 0 : i32
      %lt3A_1751 = vector.broadcast %lt3A_1750 : i32 to vector<16xi32>
      %lt3A_1752 = arith.cmpi slt, %xor3A_1749, %lt3A_1751 : vector<16xi32>
      %add3A_1753 = arith.constant 16 : i32
      %add3A_1754 = vector.broadcast %add3A_1753 : i32 to vector<16xi32>
      %add3A_1755 = arith.addi %xor3A_1749, %add3A_1754 : vector<16xi32>
      %select_n3A_1756 = arith.select %lt3A_1752, %add3A_1755, %xor3A_1749 : vector<16xi1>, vector<16xi32>
      %broadcast_in_dim3A_1757 = vector.shape_cast %select_n3A_1756 : vector<16xi32> to vector<16x1xi32>
      %gather3A_1758 = vector.shape_cast %broadcast_in_dim3A_1757 : vector<16x1xi32> to vector<16xi32>
      %gather3A_1759 = tpu.dynamic_gather %max3A_1746[%gather3A_1758] in [0] : vector<16xf32>, vector<16xi32> -> vector<16xf32>
      %max3A_1760 = arith.maximumf %max3A_1746, %gather3A_1759 : vector<16xf32>
      %xor3A_1761 = arith.constant 1 : i32
      %xor3A_1762 = vector.broadcast %xor3A_1761 : i32 to vector<16xi32>
      %xor3A_1763 = arith.xori %iota3A, %xor3A_1762 : vector<16xi32>
      %lt3A_1764 = arith.constant 0 : i32
      %lt3A_1765 = vector.broadcast %lt3A_1764 : i32 to vector<16xi32>
      %lt3A_1766 = arith.cmpi slt, %xor3A_1763, %lt3A_1765 : vector<16xi32>
      %add3A_1767 = arith.constant 16 : i32
      %add3A_1768 = vector.broadcast %add3A_1767 : i32 to vector<16xi32>
      %add3A_1769 = arith.addi %xor3A_1763, %add3A_1768 : vector<16xi32>
      %select_n3A_1770 = arith.select %lt3A_1766, %add3A_1769, %xor3A_1763 : vector<16xi1>, vector<16xi32>
      %broadcast_in_dim3A_1771 = vector.shape_cast %select_n3A_1770 : vector<16xi32> to vector<16x1xi32>
      %gather3A_1772 = vector.shape_cast %broadcast_in_dim3A_1771 : vector<16x1xi32> to vector<16xi32>
      %gather3A_1773 = tpu.dynamic_gather %max3A_1760[%gather3A_1772] in [0] : vector<16xf32>, vector<16xi32> -> vector<16xf32>
      %max3A_1774 = arith.maximumf %max3A_1760, %gather3A_1773 : vector<16xf32>
      %eq3A_1775 = arith.cmpf oeq, %select_n3A_1718, %max3A_1774 : vector<16xf32>
      %jit3A_1776 = arith.constant 16 : i32
      %broadcast_in_dim3A_1777 = vector.broadcast %jit3A_1776 : i32 to vector<16xi32>
      %select_n3A_1778 = arith.select %eq3A_1775, %iota3A, %broadcast_in_dim3A_1777 : vector<16xi1>, vector<16xi32>
      %xor3A_1779 = arith.constant 8 : i32
      %xor3A_1780 = vector.broadcast %xor3A_1779 : i32 to vector<16xi32>
      %xor3A_1781 = arith.xori %iota3A, %xor3A_1780 : vector<16xi32>
      %lt3A_1782 = arith.constant 0 : i32
      %lt3A_1783 = vector.broadcast %lt3A_1782 : i32 to vector<16xi32>
      %lt3A_1784 = arith.cmpi slt, %xor3A_1781, %lt3A_1783 : vector<16xi32>
      %add3A_1785 = arith.constant 16 : i32
      %add3A_1786 = vector.broadcast %add3A_1785 : i32 to vector<16xi32>
      %add3A_1787 = arith.addi %xor3A_1781, %add3A_1786 : vector<16xi32>
      %select_n3A_1788 = arith.select %lt3A_1784, %add3A_1787, %xor3A_1781 : vector<16xi1>, vector<16xi32>
      %broadcast_in_dim3A_1789 = vector.shape_cast %select_n3A_1788 : vector<16xi32> to vector<16x1xi32>
      %gather3A_1790 = vector.shape_cast %broadcast_in_dim3A_1789 : vector<16x1xi32> to vector<16xi32>
      %gather3A_1791 = tpu.dynamic_gather %select_n3A_1778[%gather3A_1790] in [0] : vector<16xi32>, vector<16xi32> -> vector<16xi32>
      %min3A_1792 = arith.minsi %select_n3A_1778, %gather3A_1791 : vector<16xi32>
      %xor3A_1793 = arith.constant 4 : i32
      %xor3A_1794 = vector.broadcast %xor3A_1793 : i32 to vector<16xi32>
      %xor3A_1795 = arith.xori %iota3A, %xor3A_1794 : vector<16xi32>
      %lt3A_1796 = arith.constant 0 : i32
      %lt3A_1797 = vector.broadcast %lt3A_1796 : i32 to vector<16xi32>
      %lt3A_1798 = arith.cmpi slt, %xor3A_1795, %lt3A_1797 : vector<16xi32>
      %add3A_1799 = arith.constant 16 : i32
      %add3A_1800 = vector.broadcast %add3A_1799 : i32 to vector<16xi32>
      %add3A_1801 = arith.addi %xor3A_1795, %add3A_1800 : vector<16xi32>
      %select_n3A_1802 = arith.select %lt3A_1798, %add3A_1801, %xor3A_1795 : vector<16xi1>, vector<16xi32>
      %broadcast_in_dim3A_1803 = vector.shape_cast %select_n3A_1802 : vector<16xi32> to vector<16x1xi32>
      %gather3A_1804 = vector.shape_cast %broadcast_in_dim3A_1803 : vector<16x1xi32> to vector<16xi32>
      %gather3A_1805 = tpu.dynamic_gather %min3A_1792[%gather3A_1804] in [0] : vector<16xi32>, vector<16xi32> -> vector<16xi32>
      %min3A_1806 = arith.minsi %min3A_1792, %gather3A_1805 : vector<16xi32>
      %xor3A_1807 = arith.constant 2 : i32
      %xor3A_1808 = vector.broadcast %xor3A_1807 : i32 to vector<16xi32>
      %xor3A_1809 = arith.xori %iota3A, %xor3A_1808 : vector<16xi32>
      %lt3A_1810 = arith.constant 0 : i32
      %lt3A_1811 = vector.broadcast %lt3A_1810 : i32 to vector<16xi32>
      %lt3A_1812 = arith.cmpi slt, %xor3A_1809, %lt3A_1811 : vector<16xi32>
      %add3A_1813 = arith.constant 16 : i32
      %add3A_1814 = vector.broadcast %add3A_1813 : i32 to vector<16xi32>
      %add3A_1815 = arith.addi %xor3A_1809, %add3A_1814 : vector<16xi32>
      %select_n3A_1816 = arith.select %lt3A_1812, %add3A_1815, %xor3A_1809 : vector<16xi1>, vector<16xi32>
      %broadcast_in_dim3A_1817 = vector.shape_cast %select_n3A_1816 : vector<16xi32> to vector<16x1xi32>
      %gather3A_1818 = vector.shape_cast %broadcast_in_dim3A_1817 : vector<16x1xi32> to vector<16xi32>
      %gather3A_1819 = tpu.dynamic_gather %min3A_1806[%gather3A_1818] in [0] : vector<16xi32>, vector<16xi32> -> vector<16xi32>
      %min3A_1820 = arith.minsi %min3A_1806, %gather3A_1819 : vector<16xi32>
      %xor3A_1821 = arith.constant 1 : i32
      %xor3A_1822 = vector.broadcast %xor3A_1821 : i32 to vector<16xi32>
      %xor3A_1823 = arith.xori %iota3A, %xor3A_1822 : vector<16xi32>
      %lt3A_1824 = arith.constant 0 : i32
      %lt3A_1825 = vector.broadcast %lt3A_1824 : i32 to vector<16xi32>
      %lt3A_1826 = arith.cmpi slt, %xor3A_1823, %lt3A_1825 : vector<16xi32>
      %add3A_1827 = arith.constant 16 : i32
      %add3A_1828 = vector.broadcast %add3A_1827 : i32 to vector<16xi32>
      %add3A_1829 = arith.addi %xor3A_1823, %add3A_1828 : vector<16xi32>
      %select_n3A_1830 = arith.select %lt3A_1826, %add3A_1829, %xor3A_1823 : vector<16xi1>, vector<16xi32>
      %broadcast_in_dim3A_1831 = vector.shape_cast %select_n3A_1830 : vector<16xi32> to vector<16x1xi32>
      %gather3A_1832 = vector.shape_cast %broadcast_in_dim3A_1831 : vector<16x1xi32> to vector<16xi32>
      %gather3A_1833 = tpu.dynamic_gather %min3A_1820[%gather3A_1832] in [0] : vector<16xi32>, vector<16xi32> -> vector<16xi32>
      %min3A_1834 = arith.minsi %min3A_1820, %gather3A_1833 : vector<16xi32>
      %sub3A_1835 = arith.subf %max3A_1774, %max3A_1654 : vector<16xf32>
      %exp3A_1836 = math.exp %sub3A_1835 : vector<16xf32>
      %add3A_1837 = arith.constant 1.000000e+00 : f32
      %add3A_1838 = vector.broadcast %add3A_1837 : f32 to vector<16xf32>
      %add3A_1839 = arith.addf %add3A_1838, %exp3A_1836 : vector<16xf32>
      %div3A_1840 = arith.constant 1.000000e+00 : f32
      %div3A_1841 = vector.broadcast %div3A_1840 : f32 to vector<16xf32>
      %div3A_1842 = arith.divf %div3A_1841, %add3A_1839 : vector<16xf32>
      %sub3A_1843 = arith.constant 1.000000e+00 : f32
      %sub3A_1844 = vector.broadcast %sub3A_1843 : f32 to vector<16xf32>
      %sub3A_1845 = arith.subf %sub3A_1844, %div3A_1842 : vector<16xf32>
      %eq3A_1846 = arith.cmpi eq, %iota3A, %min3A_1714 : vector<16xi32>
      %jit3A_1847 = arith.constant 0.000000e+00 : f32
      %broadcast_in_dim3A_1848 = vector.broadcast %jit3A_1847 : f32 to vector<16xf32>
      %select_n3A_1849 = arith.select %eq3A_1846, %div3A_1842, %broadcast_in_dim3A_1848 : vector<16xi1>, vector<16xf32>
      %eq3A_1850 = arith.cmpi eq, %iota3A, %min3A_1834 : vector<16xi32>
      %jit3A_1851 = arith.constant 0.000000e+00 : f32
      %broadcast_in_dim3A_1852 = vector.broadcast %jit3A_1851 : f32 to vector<16xf32>
      %select_n3A_1853 = arith.select %eq3A_1850, %sub3A_1845, %broadcast_in_dim3A_1852 : vector<16xi1>, vector<16xf32>
      %add3A_1854 = arith.addf %select_n3A_1849, %select_n3A_1853 : vector<16xf32>
      %swap3A_1855 = arith.constant 6 : i32
      %swap3A_1856 = arith.index_cast %swap3A_1855 : i32 to index
      %swap3A_1857 = arith.constant 0 : index
      %swap3A_1858 = tpu.vector_load %arg5[%swap3A_1856, %swap3A_1857] {strides = array<i32>} : memref<8x16xf32, #tpu.memory_space<vmem>>, vector<1x16xf32>,
      %swap3A_1859 = vector.shape_cast %swap3A_1858 : vector<1x16xf32> to vector<16xf32>
      %swap3A_1860 = vector.shape_cast %add3A_1854 : vector<16xf32> to vector<1x16xf32>
      tpu.vector_store %arg5[%swap3A_1856, %swap3A_1857], %swap3A_1860 {strides = array<i32>} : memref<8x16xf32, #tpu.memory_space<vmem>>, vector<1x16xf32>,
      %get3A_1861 = arith.constant 7 : i32
      %get3A_1862 = arith.index_cast %get3A_1861 : i32 to index
      %get3A_1863 = arith.constant 0 : index
      %get3A_1864 = tpu.vector_load %arg4[%get3A_1862, %get3A_1863] {strides = array<i32>} : memref<8x16xf32, #tpu.memory_space<vmem>>, vector<1x16xf32>,
      %get3A_1865 = vector.shape_cast %get3A_1864 : vector<1x16xf32> to vector<16xf32>
      %xor3A_1866 = arith.constant 8 : i32
      %xor3A_1867 = vector.broadcast %xor3A_1866 : i32 to vector<16xi32>
      %xor3A_1868 = arith.xori %iota3A, %xor3A_1867 : vector<16xi32>
      %lt3A_1869 = arith.constant 0 : i32
      %lt3A_1870 = vector.broadcast %lt3A_1869 : i32 to vector<16xi32>
      %lt3A_1871 = arith.cmpi slt, %xor3A_1868, %lt3A_1870 : vector<16xi32>
      %add3A_1872 = arith.constant 16 : i32
      %add3A_1873 = vector.broadcast %add3A_1872 : i32 to vector<16xi32>
      %add3A_1874 = arith.addi %xor3A_1868, %add3A_1873 : vector<16xi32>
      %select_n3A_1875 = arith.select %lt3A_1871, %add3A_1874, %xor3A_1868 : vector<16xi1>, vector<16xi32>
      %broadcast_in_dim3A_1876 = vector.shape_cast %select_n3A_1875 : vector<16xi32> to vector<16x1xi32>
      %gather3A_1877 = vector.shape_cast %broadcast_in_dim3A_1876 : vector<16x1xi32> to vector<16xi32>
      %gather3A_1878 = tpu.dynamic_gather %get3A_1865[%gather3A_1877] in [0] : vector<16xf32>, vector<16xi32> -> vector<16xf32>
      %max3A_1879 = arith.maximumf %get3A_1865, %gather3A_1878 : vector<16xf32>
      %xor3A_1880 = arith.constant 4 : i32
      %xor3A_1881 = vector.broadcast %xor3A_1880 : i32 to vector<16xi32>
      %xor3A_1882 = arith.xori %iota3A, %xor3A_1881 : vector<16xi32>
      %lt3A_1883 = arith.constant 0 : i32
      %lt3A_1884 = vector.broadcast %lt3A_1883 : i32 to vector<16xi32>
      %lt3A_1885 = arith.cmpi slt, %xor3A_1882, %lt3A_1884 : vector<16xi32>
      %add3A_1886 = arith.constant 16 : i32
      %add3A_1887 = vector.broadcast %add3A_1886 : i32 to vector<16xi32>
      %add3A_1888 = arith.addi %xor3A_1882, %add3A_1887 : vector<16xi32>
      %select_n3A_1889 = arith.select %lt3A_1885, %add3A_1888, %xor3A_1882 : vector<16xi1>, vector<16xi32>
      %broadcast_in_dim3A_1890 = vector.shape_cast %select_n3A_1889 : vector<16xi32> to vector<16x1xi32>
      %gather3A_1891 = vector.shape_cast %broadcast_in_dim3A_1890 : vector<16x1xi32> to vector<16xi32>
      %gather3A_1892 = tpu.dynamic_gather %max3A_1879[%gather3A_1891] in [0] : vector<16xf32>, vector<16xi32> -> vector<16xf32>
      %max3A_1893 = arith.maximumf %max3A_1879, %gather3A_1892 : vector<16xf32>
      %xor3A_1894 = arith.constant 2 : i32
      %xor3A_1895 = vector.broadcast %xor3A_1894 : i32 to vector<16xi32>
      %xor3A_1896 = arith.xori %iota3A, %xor3A_1895 : vector<16xi32>
      %lt3A_1897 = arith.constant 0 : i32
      %lt3A_1898 = vector.broadcast %lt3A_1897 : i32 to vector<16xi32>
      %lt3A_1899 = arith.cmpi slt, %xor3A_1896, %lt3A_1898 : vector<16xi32>
      %add3A_1900 = arith.constant 16 : i32
      %add3A_1901 = vector.broadcast %add3A_1900 : i32 to vector<16xi32>
      %add3A_1902 = arith.addi %xor3A_1896, %add3A_1901 : vector<16xi32>
      %select_n3A_1903 = arith.select %lt3A_1899, %add3A_1902, %xor3A_1896 : vector<16xi1>, vector<16xi32>
      %broadcast_in_dim3A_1904 = vector.shape_cast %select_n3A_1903 : vector<16xi32> to vector<16x1xi32>
      %gather3A_1905 = vector.shape_cast %broadcast_in_dim3A_1904 : vector<16x1xi32> to vector<16xi32>
      %gather3A_1906 = tpu.dynamic_gather %max3A_1893[%gather3A_1905] in [0] : vector<16xf32>, vector<16xi32> -> vector<16xf32>
      %max3A_1907 = arith.maximumf %max3A_1893, %gather3A_1906 : vector<16xf32>
      %xor3A_1908 = arith.constant 1 : i32
      %xor3A_1909 = vector.broadcast %xor3A_1908 : i32 to vector<16xi32>
      %xor3A_1910 = arith.xori %iota3A, %xor3A_1909 : vector<16xi32>
      %lt3A_1911 = arith.constant 0 : i32
      %lt3A_1912 = vector.broadcast %lt3A_1911 : i32 to vector<16xi32>
      %lt3A_1913 = arith.cmpi slt, %xor3A_1910, %lt3A_1912 : vector<16xi32>
      %add3A_1914 = arith.constant 16 : i32
      %add3A_1915 = vector.broadcast %add3A_1914 : i32 to vector<16xi32>
      %add3A_1916 = arith.addi %xor3A_1910, %add3A_1915 : vector<16xi32>
      %select_n3A_1917 = arith.select %lt3A_1913, %add3A_1916, %xor3A_1910 : vector<16xi1>, vector<16xi32>
      %broadcast_in_dim3A_1918 = vector.shape_cast %select_n3A_1917 : vector<16xi32> to vector<16x1xi32>
      %gather3A_1919 = vector.shape_cast %broadcast_in_dim3A_1918 : vector<16x1xi32> to vector<16xi32>
      %gather3A_1920 = tpu.dynamic_gather %max3A_1907[%gather3A_1919] in [0] : vector<16xf32>, vector<16xi32> -> vector<16xf32>
      %max3A_1921 = arith.maximumf %max3A_1907, %gather3A_1920 : vector<16xf32>
      %eq3A_1922 = arith.cmpf oeq, %get3A_1865, %max3A_1921 : vector<16xf32>
      %jit3A_1923 = arith.constant 16 : i32
      %broadcast_in_dim3A_1924 = vector.broadcast %jit3A_1923 : i32 to vector<16xi32>
      %select_n3A_1925 = arith.select %eq3A_1922, %iota3A, %broadcast_in_dim3A_1924 : vector<16xi1>, vector<16xi32>
      %xor3A_1926 = arith.constant 8 : i32
      %xor3A_1927 = vector.broadcast %xor3A_1926 : i32 to vector<16xi32>
      %xor3A_1928 = arith.xori %iota3A, %xor3A_1927 : vector<16xi32>
      %lt3A_1929 = arith.constant 0 : i32
      %lt3A_1930 = vector.broadcast %lt3A_1929 : i32 to vector<16xi32>
      %lt3A_1931 = arith.cmpi slt, %xor3A_1928, %lt3A_1930 : vector<16xi32>
      %add3A_1932 = arith.constant 16 : i32
      %add3A_1933 = vector.broadcast %add3A_1932 : i32 to vector<16xi32>
      %add3A_1934 = arith.addi %xor3A_1928, %add3A_1933 : vector<16xi32>
      %select_n3A_1935 = arith.select %lt3A_1931, %add3A_1934, %xor3A_1928 : vector<16xi1>, vector<16xi32>
      %broadcast_in_dim3A_1936 = vector.shape_cast %select_n3A_1935 : vector<16xi32> to vector<16x1xi32>
      %gather3A_1937 = vector.shape_cast %broadcast_in_dim3A_1936 : vector<16x1xi32> to vector<16xi32>
      %gather3A_1938 = tpu.dynamic_gather %select_n3A_1925[%gather3A_1937] in [0] : vector<16xi32>, vector<16xi32> -> vector<16xi32>
      %min3A_1939 = arith.minsi %select_n3A_1925, %gather3A_1938 : vector<16xi32>
      %xor3A_1940 = arith.constant 4 : i32
      %xor3A_1941 = vector.broadcast %xor3A_1940 : i32 to vector<16xi32>
      %xor3A_1942 = arith.xori %iota3A, %xor3A_1941 : vector<16xi32>
      %lt3A_1943 = arith.constant 0 : i32
      %lt3A_1944 = vector.broadcast %lt3A_1943 : i32 to vector<16xi32>
      %lt3A_1945 = arith.cmpi slt, %xor3A_1942, %lt3A_1944 : vector<16xi32>
      %add3A_1946 = arith.constant 16 : i32
      %add3A_1947 = vector.broadcast %add3A_1946 : i32 to vector<16xi32>
      %add3A_1948 = arith.addi %xor3A_1942, %add3A_1947 : vector<16xi32>
      %select_n3A_1949 = arith.select %lt3A_1945, %add3A_1948, %xor3A_1942 : vector<16xi1>, vector<16xi32>
      %broadcast_in_dim3A_1950 = vector.shape_cast %select_n3A_1949 : vector<16xi32> to vector<16x1xi32>
      %gather3A_1951 = vector.shape_cast %broadcast_in_dim3A_1950 : vector<16x1xi32> to vector<16xi32>
      %gather3A_1952 = tpu.dynamic_gather %min3A_1939[%gather3A_1951] in [0] : vector<16xi32>, vector<16xi32> -> vector<16xi32>
      %min3A_1953 = arith.minsi %min3A_1939, %gather3A_1952 : vector<16xi32>
      %xor3A_1954 = arith.constant 2 : i32
      %xor3A_1955 = vector.broadcast %xor3A_1954 : i32 to vector<16xi32>
      %xor3A_1956 = arith.xori %iota3A, %xor3A_1955 : vector<16xi32>
      %lt3A_1957 = arith.constant 0 : i32
      %lt3A_1958 = vector.broadcast %lt3A_1957 : i32 to vector<16xi32>
      %lt3A_1959 = arith.cmpi slt, %xor3A_1956, %lt3A_1958 : vector<16xi32>
      %add3A_1960 = arith.constant 16 : i32
      %add3A_1961 = vector.broadcast %add3A_1960 : i32 to vector<16xi32>
      %add3A_1962 = arith.addi %xor3A_1956, %add3A_1961 : vector<16xi32>
      %select_n3A_1963 = arith.select %lt3A_1959, %add3A_1962, %xor3A_1956 : vector<16xi1>, vector<16xi32>
      %broadcast_in_dim3A_1964 = vector.shape_cast %select_n3A_1963 : vector<16xi32> to vector<16x1xi32>
      %gather3A_1965 = vector.shape_cast %broadcast_in_dim3A_1964 : vector<16x1xi32> to vector<16xi32>
      %gather3A_1966 = tpu.dynamic_gather %min3A_1953[%gather3A_1965] in [0] : vector<16xi32>, vector<16xi32> -> vector<16xi32>
      %min3A_1967 = arith.minsi %min3A_1953, %gather3A_1966 : vector<16xi32>
      %xor3A_1968 = arith.constant 1 : i32
      %xor3A_1969 = vector.broadcast %xor3A_1968 : i32 to vector<16xi32>
      %xor3A_1970 = arith.xori %iota3A, %xor3A_1969 : vector<16xi32>
      %lt3A_1971 = arith.constant 0 : i32
      %lt3A_1972 = vector.broadcast %lt3A_1971 : i32 to vector<16xi32>
      %lt3A_1973 = arith.cmpi slt, %xor3A_1970, %lt3A_1972 : vector<16xi32>
      %add3A_1974 = arith.constant 16 : i32
      %add3A_1975 = vector.broadcast %add3A_1974 : i32 to vector<16xi32>
      %add3A_1976 = arith.addi %xor3A_1970, %add3A_1975 : vector<16xi32>
      %select_n3A_1977 = arith.select %lt3A_1973, %add3A_1976, %xor3A_1970 : vector<16xi1>, vector<16xi32>
      %broadcast_in_dim3A_1978 = vector.shape_cast %select_n3A_1977 : vector<16xi32> to vector<16x1xi32>
      %gather3A_1979 = vector.shape_cast %broadcast_in_dim3A_1978 : vector<16x1xi32> to vector<16xi32>
      %gather3A_1980 = tpu.dynamic_gather %min3A_1967[%gather3A_1979] in [0] : vector<16xi32>, vector<16xi32> -> vector<16xi32>
      %min3A_1981 = arith.minsi %min3A_1967, %gather3A_1980 : vector<16xi32>
      %eq3A_1982 = arith.cmpi eq, %iota3A, %min3A_1981 : vector<16xi32>
      %jit3A_1983 = arith.constant -1.000000e+30 : f32
      %broadcast_in_dim3A_1984 = vector.broadcast %jit3A_1983 : f32 to vector<16xf32>
      %select_n3A_1985 = arith.select %eq3A_1982, %broadcast_in_dim3A_1984, %get3A_1865 : vector<16xi1>, vector<16xf32>
      %xor3A_1986 = arith.constant 8 : i32
      %xor3A_1987 = vector.broadcast %xor3A_1986 : i32 to vector<16xi32>
      %xor3A_1988 = arith.xori %iota3A, %xor3A_1987 : vector<16xi32>
      %lt3A_1989 = arith.constant 0 : i32
      %lt3A_1990 = vector.broadcast %lt3A_1989 : i32 to vector<16xi32>
      %lt3A_1991 = arith.cmpi slt, %xor3A_1988, %lt3A_1990 : vector<16xi32>
      %add3A_1992 = arith.constant 16 : i32
      %add3A_1993 = vector.broadcast %add3A_1992 : i32 to vector<16xi32>
      %add3A_1994 = arith.addi %xor3A_1988, %add3A_1993 : vector<16xi32>
      %select_n3A_1995 = arith.select %lt3A_1991, %add3A_1994, %xor3A_1988 : vector<16xi1>, vector<16xi32>
      %broadcast_in_dim3A_1996 = vector.shape_cast %select_n3A_1995 : vector<16xi32> to vector<16x1xi32>
      %gather3A_1997 = vector.shape_cast %broadcast_in_dim3A_1996 : vector<16x1xi32> to vector<16xi32>
      %gather3A_1998 = tpu.dynamic_gather %select_n3A_1985[%gather3A_1997] in [0] : vector<16xf32>, vector<16xi32> -> vector<16xf32>
      %max3A_1999 = arith.maximumf %select_n3A_1985, %gather3A_1998 : vector<16xf32>
      %xor3A_2000 = arith.constant 4 : i32
      %xor3A_2001 = vector.broadcast %xor3A_2000 : i32 to vector<16xi32>
      %xor3A_2002 = arith.xori %iota3A, %xor3A_2001 : vector<16xi32>
      %lt3A_2003 = arith.constant 0 : i32
      %lt3A_2004 = vector.broadcast %lt3A_2003 : i32 to vector<16xi32>
      %lt3A_2005 = arith.cmpi slt, %xor3A_2002, %lt3A_2004 : vector<16xi32>
      %add3A_2006 = arith.constant 16 : i32
      %add3A_2007 = vector.broadcast %add3A_2006 : i32 to vector<16xi32>
      %add3A_2008 = arith.addi %xor3A_2002, %add3A_2007 : vector<16xi32>
      %select_n3A_2009 = arith.select %lt3A_2005, %add3A_2008, %xor3A_2002 : vector<16xi1>, vector<16xi32>
      %broadcast_in_dim3A_2010 = vector.shape_cast %select_n3A_2009 : vector<16xi32> to vector<16x1xi32>
      %gather3A_2011 = vector.shape_cast %broadcast_in_dim3A_2010 : vector<16x1xi32> to vector<16xi32>
      %gather3A_2012 = tpu.dynamic_gather %max3A_1999[%gather3A_2011] in [0] : vector<16xf32>, vector<16xi32> -> vector<16xf32>
      %max3A_2013 = arith.maximumf %max3A_1999, %gather3A_2012 : vector<16xf32>
      %xor3A_2014 = arith.constant 2 : i32
      %xor3A_2015 = vector.broadcast %xor3A_2014 : i32 to vector<16xi32>
      %xor3A_2016 = arith.xori %iota3A, %xor3A_2015 : vector<16xi32>
      %lt3A_2017 = arith.constant 0 : i32
      %lt3A_2018 = vector.broadcast %lt3A_2017 : i32 to vector<16xi32>
      %lt3A_2019 = arith.cmpi slt, %xor3A_2016, %lt3A_2018 : vector<16xi32>
      %add3A_2020 = arith.constant 16 : i32
      %add3A_2021 = vector.broadcast %add3A_2020 : i32 to vector<16xi32>
      %add3A_2022 = arith.addi %xor3A_2016, %add3A_2021 : vector<16xi32>
      %select_n3A_2023 = arith.select %lt3A_2019, %add3A_2022, %xor3A_2016 : vector<16xi1>, vector<16xi32>
      %broadcast_in_dim3A_2024 = vector.shape_cast %select_n3A_2023 : vector<16xi32> to vector<16x1xi32>
      %gather3A_2025 = vector.shape_cast %broadcast_in_dim3A_2024 : vector<16x1xi32> to vector<16xi32>
      %gather3A_2026 = tpu.dynamic_gather %max3A_2013[%gather3A_2025] in [0] : vector<16xf32>, vector<16xi32> -> vector<16xf32>
      %max3A_2027 = arith.maximumf %max3A_2013, %gather3A_2026 : vector<16xf32>
      %xor3A_2028 = arith.constant 1 : i32
      %xor3A_2029 = vector.broadcast %xor3A_2028 : i32 to vector<16xi32>
      %xor3A_2030 = arith.xori %iota3A, %xor3A_2029 : vector<16xi32>
      %lt3A_2031 = arith.constant 0 : i32
      %lt3A_2032 = vector.broadcast %lt3A_2031 : i32 to vector<16xi32>
      %lt3A_2033 = arith.cmpi slt, %xor3A_2030, %lt3A_2032 : vector<16xi32>
      %add3A_2034 = arith.constant 16 : i32
      %add3A_2035 = vector.broadcast %add3A_2034 : i32 to vector<16xi32>
      %add3A_2036 = arith.addi %xor3A_2030, %add3A_2035 : vector<16xi32>
      %select_n3A_2037 = arith.select %lt3A_2033, %add3A_2036, %xor3A_2030 : vector<16xi1>, vector<16xi32>
      %broadcast_in_dim3A_2038 = vector.shape_cast %select_n3A_2037 : vector<16xi32> to vector<16x1xi32>
      %gather3A_2039 = vector.shape_cast %broadcast_in_dim3A_2038 : vector<16x1xi32> to vector<16xi32>
      %gather3A_2040 = tpu.dynamic_gather %max3A_2027[%gather3A_2039] in [0] : vector<16xf32>, vector<16xi32> -> vector<16xf32>
      %max3A_2041 = arith.maximumf %max3A_2027, %gather3A_2040 : vector<16xf32>
      %eq3A_2042 = arith.cmpf oeq, %select_n3A_1985, %max3A_2041 : vector<16xf32>
      %jit3A_2043 = arith.constant 16 : i32
      %broadcast_in_dim3A_2044 = vector.broadcast %jit3A_2043 : i32 to vector<16xi32>
      %select_n3A_2045 = arith.select %eq3A_2042, %iota3A, %broadcast_in_dim3A_2044 : vector<16xi1>, vector<16xi32>
      %xor3A_2046 = arith.constant 8 : i32
      %xor3A_2047 = vector.broadcast %xor3A_2046 : i32 to vector<16xi32>
      %xor3A_2048 = arith.xori %iota3A, %xor3A_2047 : vector<16xi32>
      %lt3A_2049 = arith.constant 0 : i32
      %lt3A_2050 = vector.broadcast %lt3A_2049 : i32 to vector<16xi32>
      %lt3A_2051 = arith.cmpi slt, %xor3A_2048, %lt3A_2050 : vector<16xi32>
      %add3A_2052 = arith.constant 16 : i32
      %add3A_2053 = vector.broadcast %add3A_2052 : i32 to vector<16xi32>
      %add3A_2054 = arith.addi %xor3A_2048, %add3A_2053 : vector<16xi32>
      %select_n3A_2055 = arith.select %lt3A_2051, %add3A_2054, %xor3A_2048 : vector<16xi1>, vector<16xi32>
      %broadcast_in_dim3A_2056 = vector.shape_cast %select_n3A_2055 : vector<16xi32> to vector<16x1xi32>
      %gather3A_2057 = vector.shape_cast %broadcast_in_dim3A_2056 : vector<16x1xi32> to vector<16xi32>
      %gather3A_2058 = tpu.dynamic_gather %select_n3A_2045[%gather3A_2057] in [0] : vector<16xi32>, vector<16xi32> -> vector<16xi32>
      %min3A_2059 = arith.minsi %select_n3A_2045, %gather3A_2058 : vector<16xi32>
      %xor3A_2060 = arith.constant 4 : i32
      %xor3A_2061 = vector.broadcast %xor3A_2060 : i32 to vector<16xi32>
      %xor3A_2062 = arith.xori %iota3A, %xor3A_2061 : vector<16xi32>
      %lt3A_2063 = arith.constant 0 : i32
      %lt3A_2064 = vector.broadcast %lt3A_2063 : i32 to vector<16xi32>
      %lt3A_2065 = arith.cmpi slt, %xor3A_2062, %lt3A_2064 : vector<16xi32>
      %add3A_2066 = arith.constant 16 : i32
      %add3A_2067 = vector.broadcast %add3A_2066 : i32 to vector<16xi32>
      %add3A_2068 = arith.addi %xor3A_2062, %add3A_2067 : vector<16xi32>
      %select_n3A_2069 = arith.select %lt3A_2065, %add3A_2068, %xor3A_2062 : vector<16xi1>, vector<16xi32>
      %broadcast_in_dim3A_2070 = vector.shape_cast %select_n3A_2069 : vector<16xi32> to vector<16x1xi32>
      %gather3A_2071 = vector.shape_cast %broadcast_in_dim3A_2070 : vector<16x1xi32> to vector<16xi32>
      %gather3A_2072 = tpu.dynamic_gather %min3A_2059[%gather3A_2071] in [0] : vector<16xi32>, vector<16xi32> -> vector<16xi32>
      %min3A_2073 = arith.minsi %min3A_2059, %gather3A_2072 : vector<16xi32>
      %xor3A_2074 = arith.constant 2 : i32
      %xor3A_2075 = vector.broadcast %xor3A_2074 : i32 to vector<16xi32>
      %xor3A_2076 = arith.xori %iota3A, %xor3A_2075 : vector<16xi32>
      %lt3A_2077 = arith.constant 0 : i32
      %lt3A_2078 = vector.broadcast %lt3A_2077 : i32 to vector<16xi32>
      %lt3A_2079 = arith.cmpi slt, %xor3A_2076, %lt3A_2078 : vector<16xi32>
      %add3A_2080 = arith.constant 16 : i32
      %add3A_2081 = vector.broadcast %add3A_2080 : i32 to vector<16xi32>
      %add3A_2082 = arith.addi %xor3A_2076, %add3A_2081 : vector<16xi32>
      %select_n3A_2083 = arith.select %lt3A_2079, %add3A_2082, %xor3A_2076 : vector<16xi1>, vector<16xi32>
      %broadcast_in_dim3A_2084 = vector.shape_cast %select_n3A_2083 : vector<16xi32> to vector<16x1xi32>
      %gather3A_2085 = vector.shape_cast %broadcast_in_dim3A_2084 : vector<16x1xi32> to vector<16xi32>
      %gather3A_2086 = tpu.dynamic_gather %min3A_2073[%gather3A_2085] in [0] : vector<16xi32>, vector<16xi32> -> vector<16xi32>
      %min3A_2087 = arith.minsi %min3A_2073, %gather3A_2086 : vector<16xi32>
      %xor3A_2088 = arith.constant 1 : i32
      %xor3A_2089 = vector.broadcast %xor3A_2088 : i32 to vector<16xi32>
      %xor3A_2090 = arith.xori %iota3A, %xor3A_2089 : vector<16xi32>
      %lt3A_2091 = arith.constant 0 : i32
      %lt3A_2092 = vector.broadcast %lt3A_2091 : i32 to vector<16xi32>
      %lt3A_2093 = arith.cmpi slt, %xor3A_2090, %lt3A_2092 : vector<16xi32>
      %add3A_2094 = arith.constant 16 : i32
      %add3A_2095 = vector.broadcast %add3A_2094 : i32 to vector<16xi32>
      %add3A_2096 = arith.addi %xor3A_2090, %add3A_2095 : vector<16xi32>
      %select_n3A_2097 = arith.select %lt3A_2093, %add3A_2096, %xor3A_2090 : vector<16xi1>, vector<16xi32>
      %broadcast_in_dim3A_2098 = vector.shape_cast %select_n3A_2097 : vector<16xi32> to vector<16x1xi32>
      %gather3A_2099 = vector.shape_cast %broadcast_in_dim3A_2098 : vector<16x1xi32> to vector<16xi32>
      %gather3A_2100 = tpu.dynamic_gather %min3A_2087[%gather3A_2099] in [0] : vector<16xi32>, vector<16xi32> -> vector<16xi32>
      %min3A_2101 = arith.minsi %min3A_2087, %gather3A_2100 : vector<16xi32>
      %sub3A_2102 = arith.subf %max3A_2041, %max3A_1921 : vector<16xf32>
      %exp3A_2103 = math.exp %sub3A_2102 : vector<16xf32>
      %add3A_2104 = arith.constant 1.000000e+00 : f32
      %add3A_2105 = vector.broadcast %add3A_2104 : f32 to vector<16xf32>
      %add3A_2106 = arith.addf %add3A_2105, %exp3A_2103 : vector<16xf32>
      %div3A_2107 = arith.constant 1.000000e+00 : f32
      %div3A_2108 = vector.broadcast %div3A_2107 : f32 to vector<16xf32>
      %div3A_2109 = arith.divf %div3A_2108, %add3A_2106 : vector<16xf32>
      %sub3A_2110 = arith.constant 1.000000e+00 : f32
      %sub3A_2111 = vector.broadcast %sub3A_2110 : f32 to vector<16xf32>
      %sub3A_2112 = arith.subf %sub3A_2111, %div3A_2109 : vector<16xf32>
      %eq3A_2113 = arith.cmpi eq, %iota3A, %min3A_1981 : vector<16xi32>
      %jit3A_2114 = arith.constant 0.000000e+00 : f32
      %broadcast_in_dim3A_2115 = vector.broadcast %jit3A_2114 : f32 to vector<16xf32>
      %select_n3A_2116 = arith.select %eq3A_2113, %div3A_2109, %broadcast_in_dim3A_2115 : vector<16xi1>, vector<16xf32>
      %eq3A_2117 = arith.cmpi eq, %iota3A, %min3A_2101 : vector<16xi32>
      %jit3A_2118 = arith.constant 0.000000e+00 : f32
      %broadcast_in_dim3A_2119 = vector.broadcast %jit3A_2118 : f32 to vector<16xf32>
      %select_n3A_2120 = arith.select %eq3A_2117, %sub3A_2112, %broadcast_in_dim3A_2119 : vector<16xi1>, vector<16xf32>
      %add3A_2121 = arith.addf %select_n3A_2116, %select_n3A_2120 : vector<16xf32>
      %swap3A_2122 = arith.constant 7 : i32
      %swap3A_2123 = arith.index_cast %swap3A_2122 : i32 to index
      %swap3A_2124 = arith.constant 0 : index
      %swap3A_2125 = tpu.vector_load %arg5[%swap3A_2123, %swap3A_2124] {strides = array<i32>} : memref<8x16xf32, #tpu.memory_space<vmem>>, vector<1x16xf32>,
      %swap3A_2126 = vector.shape_cast %swap3A_2125 : vector<1x16xf32> to vector<16xf32>
      %swap3A_2127 = vector.shape_cast %add3A_2121 : vector<16xf32> to vector<1x16xf32>
      tpu.vector_store %arg5[%swap3A_2123, %swap3A_2124], %swap3A_2127 {strides = array<i32>} : memref<8x16xf32, #tpu.memory_space<vmem>>, vector<1x16xf32>,
      "tpu.region"() ({
        %run_scoped3A = tpu.sem_alloc : memref<!tpu.dma_semaphore, #tpu.memory_space<semaphore_mem>>
        %dma_start3A = arith.constant 0 : i32
        %dma_start3A_2128 = tpu.memref_slice %arg3[%mul3A_4, %dma_start3A] : memref<128x16xf32, #tpu.memory_space<hbm>> -> memref<8x16xf32, #tpu.memory_space<hbm>>
        %dma_start3A_2129 = arith.constant 0 : i32
        %dma_start3A_2130 = tpu.memref_slice %arg3[%mul3A_4, %dma_start3A_2129] : memref<128x16xf32, #tpu.memory_space<hbm>> -> memref<8x16xf32, #tpu.memory_space<hbm>>
        tpu.enqueue_dma source(%arg5 : memref<8x16xf32, #tpu.memory_space<vmem>>) target(%dma_start3A_2130 : memref<8x16xf32, #tpu.memory_space<hbm>>) target_semaphore(%run_scoped3A : memref<!tpu.dma_semaphore, #tpu.memory_space<semaphore_mem>>)
        %dma_wait3A = arith.constant 0 : i32
        %dma_wait3A_2131 = tpu.memref_slice %arg3[%mul3A_4, %dma_wait3A] : memref<128x16xf32, #tpu.memory_space<hbm>> -> memref<8x16xf32, #tpu.memory_space<hbm>>
        %dma_wait3A_2132 = arith.constant 0 : i32
        %dma_wait3A_2133 = tpu.memref_slice %arg3[%mul3A_4, %dma_wait3A_2132] : memref<128x16xf32, #tpu.memory_space<hbm>> -> memref<8x16xf32, #tpu.memory_space<hbm>>
        tpu.wait_dma2 semaphore(%run_scoped3A : memref<!tpu.dma_semaphore, #tpu.memory_space<semaphore_mem>>) src(%arg5 : memref<8x16xf32, #tpu.memory_space<vmem>>) dst(%dma_wait3A_2133 : memref<8x16xf32, #tpu.memory_space<hbm>>)
        tpu.yield
      }) : () -> ()
    } else {
    }
    return
  }
}

module attributes {stable_mosaic.version = 14 : i64} {
  func.func @_moe_body(%arg0: i32, %arg1: i32, %arg2: i32, %arg3: memref<128x16xf32, #tpu.memory_space<vmem>>, %arg4: memref<128x1024xf32, #tpu.memory_space<vmem>>, %arg5: memref<1x1024x1024xf32, #tpu.memory_space<vmem>>, %arg6: memref<1x1024x1024xf32, #tpu.memory_space<vmem>>, %arg7: memref<1x1024x1024xf32, #tpu.memory_space<vmem>>, %arg8: memref<1x128x1024xf32, #tpu.memory_space<vmem>>) attributes {dimension_semantics = [#tpu.dimension_semantics<parallel>, #tpu.dimension_semantics<arbitrary>, #tpu.dimension_semantics<arbitrary>], iteration_bounds = array<i64: 2, 8, 2>, scalar_prefetch = 0 : i64, scratch_operands = 0 : i64, tpu.core_type = #tpu.core_type<tc>, window_params = [{pipeline_mode = #tpu.pipeline_mode<synchronous>, transform_indices = @transform_0, window_bounds = array<i64: 128, 16>}, {pipeline_mode = #tpu.pipeline_mode<synchronous>, transform_indices = @transform_1, window_bounds = array<i64: 128, 1024>}, {transform_indices = @transform_2, window_bounds = array<i64: 1, 1024, 1024>}, {transform_indices = @transform_3, window_bounds = array<i64: 1, 1024, 1024>}, {transform_indices = @transform_4, window_bounds = array<i64: 1, 1024, 1024>}, {transform_indices = @transform_5, window_bounds = array<i64: 1, 128, 1024>}]} {
    %mul3A = arith.constant 8 : i32
    %mul3A_0 = arith.muli %arg0, %mul3A : i32
    %add3A = arith.addi %mul3A_0, %arg1 : i32
    %eq3A = arith.constant 0 : i32
    %eq3A_1 = arith.cmpi eq, %arg1, %eq3A : i32
    %eq3A_2 = arith.constant 0 : i32
    %eq3A_3 = arith.cmpi eq, %arg2, %eq3A_2 : i32
    %and3A = arith.andi %eq3A_1, %eq3A_3 : i1
    %convert_element_type3A = arith.extui %and3A : i1 to i32
    %cond3A = arith.constant 0 : i32
    %cond3A_4 = arith.cmpi ne, %convert_element_type3A, %cond3A : i32
    scf.if %cond3A_4 {
      %broadcast_in_dim3A_54 = arith.constant 0.000000e+00 : f32
      %broadcast_in_dim3A_55 = vector.broadcast %broadcast_in_dim3A_54 : f32 to vector<1x128x1024xf32>
      %swap3A_56 = arith.constant 0 : index
      %swap3A_57 = arith.constant 0 : index
      %swap3A_58 = arith.constant 0 : index
      %swap3A_59 = vector.load %arg8[%swap3A_56, %swap3A_57, %swap3A_58] : memref<1x128x1024xf32, #tpu.memory_space<vmem>>, vector<1x128x1024xf32>
      tpu.vector_store %arg8[%swap3A_56, %swap3A_57, %swap3A_58], %broadcast_in_dim3A_55 {strides = array<i32>} : memref<1x128x1024xf32, #tpu.memory_space<vmem>>, vector<1x128x1024xf32>,
    } else {
    }
    %get3A = arith.constant 0 : index
    %get3A_5 = arith.constant 0 : index
    %get3A_6 = vector.load %arg4[%get3A, %get3A_5] : memref<128x1024xf32, #tpu.memory_space<vmem>>, vector<128x1024xf32>
    %get3A_7 = arith.constant 0 : index
    %get3A_8 = arith.constant 0 : index
    %get3A_9 = arith.constant 0 : index
    %get3A_10 = vector.load %arg5[%get3A_7, %get3A_8, %get3A_9] : memref<1x1024x1024xf32, #tpu.memory_space<vmem>>, vector<1x1024x1024xf32>
    %get3A_11 = vector.shape_cast %get3A_10 : vector<1x1024x1024xf32> to vector<1024x1024xf32>
    %dot_general3A = arith.constant dense<0.000000e+00> : vector<128x1024xf32>
    %dot_general3A_12 = tpu.matmul %get3A_6, %get3A_11, %dot_general3A {dimension_numbers = #tpu.dot_dimension_numbers<[1], [0], [0], [1], [0, 0, 1, 1], [], []>, transpose_lhs_hint = false} : vector<128x1024xf32>, vector<1024x1024xf32>, vector<128x1024xf32> -> vector<128x1024xf32>
    %get3A_13 = arith.constant 0 : index
    %get3A_14 = arith.constant 0 : index
    %get3A_15 = arith.constant 0 : index
    %get3A_16 = vector.load %arg6[%get3A_13, %get3A_14, %get3A_15] : memref<1x1024x1024xf32, #tpu.memory_space<vmem>>, vector<1x1024x1024xf32>
    %get3A_17 = vector.shape_cast %get3A_16 : vector<1x1024x1024xf32> to vector<1024x1024xf32>
    %dot_general3A_18 = arith.constant dense<0.000000e+00> : vector<128x1024xf32>
    %dot_general3A_19 = tpu.matmul %get3A_6, %get3A_17, %dot_general3A_18 {dimension_numbers = #tpu.dot_dimension_numbers<[1], [0], [0], [1], [0, 0, 1, 1], [], []>, transpose_lhs_hint = false} : vector<128x1024xf32>, vector<1024x1024xf32>, vector<128x1024xf32> -> vector<128x1024xf32>
    %logistic3A = arith.negf %dot_general3A_12 : vector<128x1024xf32>
    %logistic3A_20 = math.exp %logistic3A : vector<128x1024xf32>
    %logistic3A_21 = arith.constant 1.000000e+00 : f32
    %logistic3A_22 = vector.broadcast %logistic3A_21 : f32 to vector<128x1024xf32>
    %logistic3A_23 = arith.addf %logistic3A_22, %logistic3A_20 : vector<128x1024xf32>
    %logistic3A_24 = arith.divf %logistic3A_22, %logistic3A_23 : vector<128x1024xf32>
    %mul3A_25 = arith.mulf %dot_general3A_12, %logistic3A_24 : vector<128x1024xf32>
    %mul3A_26 = arith.mulf %mul3A_25, %dot_general3A_19 : vector<128x1024xf32>
    %get3A_27 = arith.constant 0 : index
    %get3A_28 = arith.constant 0 : index
    %get3A_29 = arith.constant 0 : index
    %get3A_30 = vector.load %arg7[%get3A_27, %get3A_28, %get3A_29] : memref<1x1024x1024xf32, #tpu.memory_space<vmem>>, vector<1x1024x1024xf32>
    %get3A_31 = vector.shape_cast %get3A_30 : vector<1x1024x1024xf32> to vector<1024x1024xf32>
    %dot_general3A_32 = arith.constant dense<0.000000e+00> : vector<128x1024xf32>
    %dot_general3A_33 = tpu.matmul %mul3A_26, %get3A_31, %dot_general3A_32 {dimension_numbers = #tpu.dot_dimension_numbers<[1], [0], [0], [1], [0, 0, 1, 1], [], []>, transpose_lhs_hint = false} : vector<128x1024xf32>, vector<1024x1024xf32>, vector<128x1024xf32> -> vector<128x1024xf32>
    %iota3A = tpu.iota {dimensions = array<i32: 1>} : vector<128x16xi32>
    %eq3A_34 = vector.broadcast %add3A : i32 to vector<128x16xi32>
    %eq3A_35 = arith.cmpi eq, %iota3A, %eq3A_34 : vector<128x16xi32>
    %get3A_36 = arith.constant 0 : index
    %get3A_37 = arith.constant 0 : index
    %get3A_38 = vector.load %arg3[%get3A_36, %get3A_37] : memref<128x16xf32, #tpu.memory_space<vmem>>, vector<128x16xf32>
    %jit3A = arith.constant 0.000000e+00 : f32
    %broadcast_in_dim3A = vector.broadcast %jit3A : f32 to vector<128x16xf32>
    %select_n3A = arith.select %eq3A_35, %get3A_38, %broadcast_in_dim3A : vector<128x16xi1>, vector<128x16xf32>
    %reduce_sum3A = arith.constant dense<0.000000e+00> : vector<128xf32>
    %reduce_sum3A_39 = vector.multi_reduction <add>, %select_n3A, %reduce_sum3A [1] : vector<128x16xf32> to vector<128xf32>
    %broadcast_in_dim3A_40 = vector.shape_cast %reduce_sum3A_39 : vector<128xf32> to vector<128x1xf32>
    %get3A_41 = arith.constant 0 : index
    %get3A_42 = arith.constant 0 : index
    %get3A_43 = arith.constant 0 : index
    %get3A_44 = vector.load %arg8[%get3A_41, %get3A_42, %get3A_43] : memref<1x128x1024xf32, #tpu.memory_space<vmem>>, vector<1x128x1024xf32>
    %get3A_45 = vector.shape_cast %get3A_44 : vector<1x128x1024xf32> to vector<128x1024xf32>
    %mul3A_46 = vector.broadcast %broadcast_in_dim3A_40 : vector<128x1xf32> to vector<128x1024xf32>
    %mul3A_47 = arith.mulf %dot_general3A_33, %mul3A_46 : vector<128x1024xf32>
    %add3A_48 = arith.addf %get3A_45, %mul3A_47 : vector<128x1024xf32>
    %swap3A = arith.constant 0 : index
    %swap3A_49 = arith.constant 0 : index
    %swap3A_50 = arith.constant 0 : index
    %swap3A_51 = vector.load %arg8[%swap3A, %swap3A_49, %swap3A_50] : memref<1x128x1024xf32, #tpu.memory_space<vmem>>, vector<1x128x1024xf32>
    %swap3A_52 = vector.shape_cast %swap3A_51 : vector<1x128x1024xf32> to vector<128x1024xf32>
    %swap3A_53 = vector.shape_cast %add3A_48 : vector<128x1024xf32> to vector<1x128x1024xf32>
    tpu.vector_store %arg8[%swap3A, %swap3A_49, %swap3A_50], %swap3A_53 {strides = array<i32>} : memref<1x128x1024xf32, #tpu.memory_space<vmem>>, vector<1x128x1024xf32>,
    return
  }
  func.func @transform_0(%arg0: i32, %arg1: i32, %arg2: i32) -> (i32, i32) {
    %c0_i32 = arith.constant 0 : i32
    %c0_i32_0 = arith.constant 0 : i32
    %c0_i32_1 = arith.constant 0 : i32
    return %c0_i32, %c0_i32_0 : i32, i32
  }
  func.func @transform_1(%arg0: i32, %arg1: i32, %arg2: i32) -> (i32, i32) {
    %c0_i32 = arith.constant 0 : i32
    %c0_i32_0 = arith.constant 0 : i32
    %c0_i32_1 = arith.constant 0 : i32
    return %c0_i32, %c0_i32_0 : i32, i32
  }
  func.func @transform_2(%arg0: i32, %arg1: i32, %arg2: i32) -> (i32, i32, i32) {
    %mul3A = arith.constant 8 : i32
    %mul3A_0 = arith.muli %arg0, %mul3A : i32
    %add3A = arith.addi %mul3A_0, %arg1 : i32
    %c0_i32 = arith.constant 0 : i32
    %c0_i32_1 = arith.constant 0 : i32
    return %add3A, %c0_i32, %arg2 : i32, i32, i32
  }
  func.func @transform_3(%arg0: i32, %arg1: i32, %arg2: i32) -> (i32, i32, i32) {
    %mul3A = arith.constant 8 : i32
    %mul3A_0 = arith.muli %arg0, %mul3A : i32
    %add3A = arith.addi %mul3A_0, %arg1 : i32
    %c0_i32 = arith.constant 0 : i32
    %c0_i32_1 = arith.constant 0 : i32
    return %add3A, %c0_i32, %arg2 : i32, i32, i32
  }
  func.func @transform_4(%arg0: i32, %arg1: i32, %arg2: i32) -> (i32, i32, i32) {
    %mul3A = arith.constant 8 : i32
    %mul3A_0 = arith.muli %arg0, %mul3A : i32
    %add3A = arith.addi %mul3A_0, %arg1 : i32
    %c0_i32 = arith.constant 0 : i32
    %c0_i32_1 = arith.constant 0 : i32
    return %add3A, %arg2, %c0_i32 : i32, i32, i32
  }
  func.func @transform_5(%arg0: i32, %arg1: i32, %arg2: i32) -> (i32, i32, i32) {
    %c0_i32 = arith.constant 0 : i32
    %c0_i32_0 = arith.constant 0 : i32
    %c0_i32_1 = arith.constant 0 : i32
    return %arg0, %c0_i32, %c0_i32_0 : i32, i32, i32
  }
}

</mosaic_0001>

<sc_bundles>
// kernel: kernel.4.cloned.1.call-start
scs
__scs_entry_jumppad:
0x0: {  	(pc) =	sbr.rel $0x88, $3  }
0x1: {  	(tag) =	ssettag $0x0;
	lr =	simm.s32 $0x1  }
0x2: {  	[smem:$0x3F9C] =	sst lr;
	_ =	strace $0xD0000000  }
0x3: {  	_ = 	snop  }
0x4: {  	_ = 	snop  }
0x5: {  	_ = 	snop  }
0x6: {  	_ = 	snop  }
0x7: {  	_ = 	snop  }
__scs_overlays_trampoline_lowered:
0x8: {  	[smem:$0x3FAB] =	sst s0  }
0x9: {  	[smem:$0x3FAC] =	sst s1  }
0xa: {  	[smem:$0x3FAD] =	sst s2  }
0xb: {  	[smem:$0x3FAE] =	sst s3  }
0xc: {  	[smem:$0x3FAF] =	sst s4  }
0xd: {  	[smem:$0x3FB0] =	sst s5  }
0xe: {  	[smem:$0x3FB1] =	sst s6  }
0xf: {  	[smem:$0x3FB2] =	sst s7  }
0x10: {  	[smem:$0x3FB3] =	sst s8  }
0x11: {  	[smem:$0x3FB4] =	sst s9;
	s0 =	simm.s32 @!p0 $0x0  }
0x12: {  	s1 =	sld [smem:$0x3F9A];
	s0 =	simm.s32 @p0 $0x1  }
0x13: {  	[smem:$0x3FB5] =	sst s0;
	s0 =	simm.s32 @!p1 $0x0  }
0x14: {  	s2 =	sld [smem:$0x3F99];
	s0 =	simm.s32 @p1 $0x1  }
0x15: {  	[smem:$0x3FB6] =	sst s0;
	s0 =	simm.s32 @!p2 $0x0  }
0x16: {  	s3 =	sld [smem:$0x3FDB];
	s0 =	simm.s32 @p2 $0x1  }
0x17: {  	s4 =	simm.s32 $0x1BF5;
	[smem:$0x3FB8] =	sst s0  }
0x18: {  	s0 =	sld [smem:$0x3F9B];
	_ =	swait.ge [sflag:s4], $0x0  }
0x19: {  	s7 =	sld [smem:$0x3F9C]  }
0x1a: {  	s8 =	sadd.s32 $0xFFFFE003, lr  }
0x1b: {  	s9 =	sadd.s32 $0xFFFFFEF7, lr;
	s5 =	simm.s32 $0xFFFFFFFF;
	p2 =	slt.u32 s8, $0xFFFFF086  }
0x1c: {  	p1 =	slt.u32 s9, $0xF7A;
	s5 =	simm.s32 @!p2 $0x0  }
0x1d: {  	s5 =	simm.s32 @p1 $0x1;
	p0 =	seq.s32 s7, s2  }
0x1e: {  	s7 =	smul.u32 @!p0 $0xF7A, s2;
	p2 =	seq.s32 @!p0 s5, $0x0  }
0x1f: {  	s9 =	smul.u32 $0xF7A, s1;
	s8 =	simm.s32 @!p0 $0x1BF5;
	p2 =	por !p2, p0  }
0x20: {  	[sflag:s8] =	ssyncset.s32 @!p0 $0xFFFFF086;
	s6 =	sadd.s32 @!p0 s3, s7;
	s7 =	simm.s32 @!p0 $0x108  }
0x21: {  	s3 =	sadd.s32 s3, s9;
	s6 =	sadd.s32 @!p0 $0x88, s6;
	s7 =	simm.s32 @p2 $0x1082  }
0x22: {  	[simem:s7], [sflag:s8] =	dma.local @!p0 [hbm:s6], $0xF7A  }
0x23: {  	s9 =	sor.u32 $0xD0000000, s2;
	s6 =	simm.s32 $0x108;
	_ =	swait.ge @!p0 [sflag:s8], $0x0  }
0x24: {  	s3 =	sadd.s32 $0x88, s3;
	s6 =	simm.s32 @!p1 $0x1082;
	[sflag:s4] =	ssyncset.s32 $0xFFFFF086  }
0x25: {  	[simem:s6], [sflag:s4] =	dma.local [hbm:s3], $0xF7A  }
0x26: {  	[smem:$0x3F9C] =	sst s1;
	(tag) =	ssettag s2;
	_ =	strace s9  }
0x27: {  	s1 =	sld [smem:$0x3FAC]  }
0x28: {  	s2 =	sld [smem:$0x3FAD]  }
0x29: {  	s4 =	sld [smem:$0x3FAF]  }
0x2a: {  	p0 =	seq.s32 s5, $0x0;
	s5 =	sld [smem:$0x3FB0]  }
0x2b: {  	s6 =	sld [smem:$0x3FB1]  }
0x2c: {  	s7 =	sld [smem:$0x3FB2]  }
0x2d: {  	s3 =	simm.s32 $0x108;
	s8 =	sld [smem:$0x3FB3]  }
0x2e: {  	s3 =	simm.s32 @!p0 $0x1082;
	s9 =	sld [smem:$0x3FB4]  }
0x2f: {  	lr =	sadd.s32 s0, s3;
	s0 =	sld [smem:$0x3FAB]  }
0x30: {  	s3 =	sld [smem:$0x3FAE]  }
0x31: {  	[smem:$0x3FB7] =	sst s10  }
0x32: {  	s10 =	sld [smem:$0x3FB5];
	_ =	sdelay $0x3  }
0x33: {  	p0 =	seq.s32 s10, $0x1;
	s10 =	sld [smem:$0x3FB7];
	_ =	sdelay $0x3  }
0x34: {  	[smem:$0x3FB7] =	sst s10  }
0x35: {  	s10 =	sld [smem:$0x3FB6];
	_ =	sdelay $0x3  }
0x36: {  	p1 =	seq.s32 s10, $0x1;
	s10 =	sld [smem:$0x3FB7];
	_ =	sdelay $0x3  }
0x37: {  	[smem:$0x3FB7] =	sst s10  }
0x38: {  	s10 =	sld [smem:$0x3FB8]  }
0x39: {  	_ = 	snop;
	(pc) =	sbr.ind lr, $3  }
0x3a: {  	_ = 	snop  }
0x3b: {  	_ = 	snop  }
0x3c: {  	p2 =	seq.s32 s10, $0x1;
	s10 =	sld [smem:$0x3FB7]  }
0x3d: {  	_ =	shalt  }
0x3e: {  	_ =	shalt  }
0x3f: {  	_ =	shalt  }
0x40: {  	_ =	shalt  }
0x41: {  	_ =	shalt  }
0x42: {  	_ =	shalt  }
0x43: {  	_ =	shalt  }
0x44: {  	_ =	shalt  }
0x45: {  	_ =	shalt  }
0x46: {  	_ =	shalt  }
0x47: {  	_ =	shalt  }
0x48: {  	_ =	shalt  }
0x49: {  	_ =	shalt  }
0x4a: {  	_ =	shalt  }
0x4b: {  	_ =	shalt  }
0x4c: {  	_ =	shalt  }
0x4d: {  	_ =	shalt  }
0x4e: {  	_ =	shalt  }
0x4f: {  	_ =	shalt  }
0x50: {  	_ =	shalt  }
0x51: {  	_ =	shalt  }
0x52: {  	_ =	shalt  }
0x53: {  	_ =	shalt  }
0x54: {  	_ =	shalt  }
0x55: {  	_ =	shalt  }
0x56: {  	_ =	shalt  }
0x57: {  	_ =	shalt  }
0x58: {  	_ =	shalt  }
0x59: {  	_ =	shalt  }
0x5a: {  	_ =	shalt  }
0x5b: {  	_ =	shalt  }
0x5c: {  	_ =	shalt  }
0x5d: {  	_ =	shalt  }
0x5e: {  	_ =	shalt  }
0x5f: {  	_ =	shalt  }
0x60: {  	_ =	shalt  }
0x61: {  	_ =	shalt  }
0x62: {  	_ =	shalt  }
0x63: {  	_ =	shalt  }
0x64: {  	_ =	shalt  }
0x65: {  	_ =	shalt  }
0x66: {  	_ =	shalt  }
0x67: {  	_ =	shalt  }
0x68: {  	_ =	shalt  }
0x69: {  	_ =	shalt  }
0x6a: {  	_ =	shalt  }
0x6b: {  	_ =	shalt  }
0x6c: {  	_ =	shalt  }
0x6d: {  	_ =	shalt  }
0x6e: {  	_ =	shalt  }
0x6f: {  	_ =	shalt  }
0x70: {  	_ =	shalt  }
0x71: {  	_ =	shalt  }
0x72: {  	_ =	shalt  }
0x73: {  	_ =	shalt  }
0x74: {  	_ =	shalt  }
0x75: {  	_ =	shalt  }
0x76: {  	_ =	shalt  }
0x77: {  	_ =	shalt  }
0x78: {  	_ =	shalt  }
0x79: {  	_ =	shalt  }
0x7a: {  	_ =	shalt  }
0x7b: {  	_ =	shalt  }
0x7c: {  	_ =	shalt  }
0x7d: {  	_ =	shalt  }
0x7e: {  	_ =	shalt  }
0x7f: {  	_ =	shalt  }
0x80: {  	_ =	shalt  }
0x81: {  	_ =	shalt  }
0x82: {  	_ =	shalt  }
0x83: {  	_ =	shalt  }
0x84: {  	_ =	shalt  }
0x85: {  	_ =	shalt  }
0x86: {  	_ =	shalt  }
0x87: {  	_ =	shalt  }
.Lfunc_end0:
.L_simem_size_0:
called_computation_lowered:
.L_overlay_start_0:
0x88: {  	s2 =	sld [smem:$0x3FD9]  }
0x89: {  	s3 =	sld [smem:$0x3FFE];
	_ =	sdelay $0x1  }
0x8a: {  	s1 =	srdreg.scid  }
0x8b: {  	s0 =	sand.u32 $0x1, s1  }
0x8c: {  	s17 =	sshll.u32 s0, $0xA;
	s2 =	sadd.s32 s3, s2  }
0x8d: {  	s2 =	sadd.s32 s2, s17  }
0x8e: {  	[smem:$0x3FC3] =	sst s2  }
0x8f: {  	_ = 	snop  }
0x90: {  	s2 =	sld [smem:$0x3FD0];
	(tm) =	ssettm $0x1  }
0x91: {  	s18 =	sld [smem:$0x3FFB];
	_ =	sdelay $0x3  }
0x92: {  	_ =	strace s18  }
0x93: {  	s3 =	sld [smem:$0x3FFC];
	_ =	sdelay $0x3  }
0x94: {  	_ =	strace s3  }
0x95: {  	s3 =	sld [smem:$0x3FFD];
	_ =	sdelay $0x3  }
0x96: {  	_ =	strace s3  }
0x97: {  	_ =	strace $0x8FFFFFFF  }
0x98: {  	s19 =	sld [smem:$0x3FDB];
	_ =	sdelay $0x1  }
0x99: {  	s4 =	simm.s32 $_scs_section_size  }
0x9a: {  	s5 =	simm.s32 $_size__tile_overlayer_lowered;
	s6 =	simm.s32 $_tile_overlayer_lowered  }
0x9b: {  	s22 =	simm.s32 $0x1BFF;
	s21 =	sshll.u32 s6, $0x1;
	s3 =	sadd.s32 s4, s19  }
0x9c: {  	s7 =	simm.s32 $0x0;
	s20 =	sshll.u32 s5, $0x1;
	s5 =	sadd.s32 s21, s3  }
0x9d: {  	[timem:s7], [sflag:s22] =	dma.local [hbm:s5], s20  }
0x9e: {  	_ =	swait.ge [sflag:s22], s20  }
0x9f: {  	s4 =	ssub.s32 $0x0, s20;
	[sflag:s22] =	ssyncset.done $0x0  }
0xa0: {  	[sflag:s22] =	ssyncadd.s32 s4;
	_ =	sdelay $0x1  }
0xa1: {  	s23 =	simm.s32 $0x1B8B  }
0xa2: {  	_ =	swait.ge [sflag:s23], $0x1  }
0xa3: {  	[sflag:s23] =	ssyncset.done $0x0  }
0xa4: {  	s25 =	simm.s32 $0x1B8E;
	s24 =	sld [smem:$0x3FFE];
	[sflag:s23] =	ssyncadd.s32 $0xFFFFFFFF  }
0xa5: {  	s26 =	simm.s32 $execute0_lowered;
	[smem:$0x3FD2] =	sst s25  }
0xa6: {  	s5 =	sshll.u32 s26, $0x1;
	_ =	strace $0x80000046;
	[dreg:$0x1] =	wrdreg $0xFFFFFFFF  }
0xa7: {  	s28 =	simm.s32 $_size_execute0_lowered;
	s3 =	sadd.s32 s3, s5;
	[dreg:$0x0] =	wrdreg $0x0  }
0xa8: {  	s5 =	sshll.u32 s28, $0x1;
	[dreg:$0x2] =	wrdreg s3  }
0xa9: {  	[dreg:$0x3] =	wrdreg s5  }
0xaa: {  	[dreg:$0x4] =	wrdreg $0xC0  }
0xab: {  	_ =	task [dreg:s7], $0x5FFFF  }
0xac: {  	[dreg:$0x1] =	wrdreg $0xFFFFFFFF  }
0xad: {  	[dreg:$0x0] =	wrdreg $0x60  }
0xae: {  	[dreg:$0x2] =	wrdreg s2  }
0xaf: {  	[dreg:$0x3] =	wrdreg s24  }
0xb0: {  	[dreg:$0x4] =	wrdreg $0x9  }
0xb1: {  	_ =	task.clear_ibuf [dreg:s7], $0x5FFFF;
	_ =	strace $0x90000046  }
0xb2: {  	s29 =	simm.s32 $0x9;
	_ =	strace $0x80000048  }
0xb3: {  	_ =	swait.ge [sflag:s29], $0x1  }
0xb4: {  	[sflag:s29] =	ssyncadd.s32 $0xFFFFFFFF  }
0xb5: {  	_ =	strace $0x90000048  }
0xb6: {  	_ =	sfence  }
0xb7: {  	s30 =	sld [smem:$0x0];
	_ =	sdelay $0x2  }
0xb8: {  	s31 =	sshll.u32 s1, $0xD;
	s1 =	sshrl.u32 s1, $0x2  }
0xb9: {  	s3 =	sand.u32 $0x4000, s31;
	s1 =	sadd.s32 s1, s30  }
0xba: {  	s0 =	sor.u32 s3, s0;
	s1 =	sshll.u32 s1, $0x11  }
0xbb: {  	s0 =	sor.u32 s1, s0  }
0xbc: {  	s0 =	sadd.s32 $0x8F2B, s0  }
0xbd: {  	[sflag:s0] =	ssyncadd.remote.s32 $0x1  }
0xbe: {  	_ =	sfence.sel $0xFFFF  }
0xbf: {  	[dreg:$0x0] =	wrdreg $0xFFFFFFFF;
	(pc) =	sbr.abs _section_cstart, $3  }
0xc0: {  	[dreg:$0x1] =	wrdreg $0xFFFFFFFF  }
0xc1: {  	_ =	task.clear_ibuf [dreg:s7], $0x2FFFF;
	_ =	strace $0x9FFFFFFF  }
0xc2: {  	(tm) =	ssettm $0x7FFFFFFF  }
0xc3: {  	_ =	shalt  }
tec
execute0_lowered:
.L_overlay_start_1:
0x0: {  	(tag) =	ssettag $0x1  }
0x1: {  	s1 =	stileid.u32  }
0x2: {  	p0 =	sgt.u32 s1, $0x7  }
.Ltmp0:
0x3: {  	_ = 	snop;
	(pc) =	sbr.rel @p0 .LBB2_3-.Ltmp0, $4  }
0x4: {  	s4 =	rddreg [dreg:$0x0]  }
0x5: {  	s3 =	rddreg [dreg:$0x1];
	s2 =	simm.s32 $0x0  }
0x6: {  	[smem:$0x7FF] =	sst s2  }
0x7: {  	s0 =	rddreg [dreg:$0x2];
	_ =	strace $0x80000047  }
0x8: {  	v0 =	vimm.s32 $0xFEDCBA98;
	v1 =	vimm.s32 $0x76543210  }
0x9: {  	v2 =	vimm.s32 $0xBA98FEDC;
	v3 =	vimm.s32 $0x32107654;
	v4 =	vimm.s32 $0xDCFE98BA  }
0xa: {  	v5 =	vimm.s32 $0x54761032;
	v6 =	vimm.s32 $0xEFCDAB89;
	v7 =	vimm.s32 $0x67452301  }
0xb: {  	v0 =	vunpack.c.l.s4.s8 v0;
	v1 =	vunpack.c.l.s4.s8 v1;
	v2 =	vunpack.c.l.s4.s8 v2  }
0xc: {  	v3 =	vunpack.c.l.s4.s8 v3;
	v4 =	vunpack.c.l.s4.s8 v4;
	v5 =	vunpack.c.l.s4.s8 v5  }
0xd: {  	v6 =	vunpack.c.l.s4.s8 v6;
	v7 =	vunpack.c.l.s4.s8 v7;
	v0 =	vunpack.c.0.s8.s32 v0  }
0xe: {  	s5 =	srdreg.scid;
	v2 =	vunpack.c.0.s8.s32 v2;
	v3 =	vunpack.c.0.s8.s32 v3;
	v4 =	vunpack.c.0.s8.s32 v4  }
0xf: {  	s5 =	sand.u32 $0x1, s5;
	v5 =	vunpack.c.0.s8.s32 v5;
	v6 =	vunpack.c.0.s8.s32 v6;
	v7 =	vunpack.c.0.s8.s32 v7  }
0x10: {  	s6 =	sshll.u32 s1, $0x8;
	s7 =	sshll.u32 s5, $0x7;
	s5 =	ssub.s32 $0x2, s5;
	v1 =	vunpack.c.0.s8.s32 v1;
	v2 =	vcombine.low v3, v2  }
0x11: {  	s6 =	sor.u32 s7, s6;
	s31 =	sshrl.u32 s5, $0x1;
	s7 =	simm.s32 $0x400;
	v3 =	vcombine.low v5, v4;
	v4 =	vcombine.low v7, v6;
	v0 =	vand.u32 $0xF, v0  }
0x12: {  	s3 =	sadd.s32 s6, s3;
	s5 =	ssub.s32 s5, s31;
	s4 =	sadd.s32 s4, s6;
	v0 =	vcombine.low v0, v1;
	v1 =	vand.u32 $0xF, v2  }
0x13: {  	s6 =	simm.s32 $0x1;
	s3 =	sadd.s32 $0x800, s3;
	s5 =	smax.u32 s5, $0x1;
	v2 =	vand.u32 $0xF, v3;
	v3 =	vand.u32 $0xF, v4;
	v4 =	vlaneseq.u32  }
.LBB2_2:
0x14: {  	[tilespmem:s2], [sflag:$0x1] =	stream.linear.gather [hbm4b:s4+s2], $0x400, $0x38;
	[tilespmem:$0x800] =	vst v63  }
0x15: {  	_ =	swait.ge [sflag:s6], $0x400  }
0x16: {  	[sflag:s6] =	ssyncset.done $0x0  }
0x17: {  	[sflag:s6] =	ssyncadd.s32 $0xFFFFFC00  }
0x18: {  	v5 =	vld [tilespmem:$0x0];
	_ =	sdelay $0x4  }
0x19: {  	v6 =	vperm.xlane v5, v0;
	_ =	sdelay $0x1  }
0x1a: {  	v6 =	vmax.f32 v5, v6  }
0x1b: {  	v7 =	vperm.xlane v6, v1;
	_ =	sdelay $0x1  }
0x1c: {  	v6 =	vmax.f32 v6, v7  }
0x1d: {  	v7 =	vperm.xlane v6, v2  }
0x1e: {  	v8 =	vld [tilespmem:$0x80]  }
0x1f: {  	v6 =	vmax.f32 v6, v7  }
0x20: {  	v7 =	vperm.xlane v6, v3;
	_ =	sdelay $0x1  }
0x21: {  	v6 =	vmax.f32 v6, v7  }
0x22: {  	v10 =	vperm.xlane v8, v0;
	vm0 =	veq.f32 v5, v6  }
0x23: {  	v7 =	vnsel vm0, $0x10, v4  }
0x24: {  	v40 =	vmax.f32 v8, v10;
	v9 =	vperm.xlane v7, v0  }
0x25: {  	v11 =	vperm.xlane v40, v1  }
0x26: {  	vm0 =	vlt.s32 v7, v9  }
0x27: {  	v7 =	vsel vm0, v7, v9;
	v9 =	vmax.f32 v40, v11  }
0x28: {  	v41 =	vperm.xlane v7, v1;
	v42 =	vperm.xlane v9, v2;
	_ =	sdelay $0x1  }
0x29: {  	vm0 =	vlt.s32 v7, v41;
	v9 =	vmax.f32 v9, v42  }
0x2a: {  	v7 =	vsel vm0, v7, v41;
	v10 =	vperm.xlane v9, v3  }
0x2b: {  	v43 =	vperm.xlane v7, v2  }
0x2c: {  	v12 =	vld [tilespmem:$0x100];
	v9 =	vmax.f32 v9, v10  }
0x2d: {  	vm0 =	vlt.s32 v7, v43;
	vm10 =	veq.f32 v8, v9  }
0x2e: {  	v7 =	vsel vm0, v7, v43;
	v44 =	vnsel vm10, $0x10, v4  }
0x2f: {  	v11 =	vperm.xlane v7, v3;
	v45 =	vperm.xlane v44, v0;
	_ =	sdelay $0x1  }
0x30: {  	v13 =	vperm.xlane v12, v0;
	vm1 =	vlt.s32 v7, v11;
	vm11 =	vlt.s32 v44, v45  }
0x31: {  	v7 =	vsel vm1, v7, v11;
	v10 =	vsel vm11, v44, v45  }
0x32: {  	v13 =	vmax.f32 v12, v13;
	vm0 =	veq.s32 v7, v4;
	v11 =	vperm.xlane v10, v1  }
0x33: {  	v46 =	vperm.xlane v13, v1;
	v5 =	vsel vm0, $0xF149F2CA, v5  }
0x34: {  	v7 =	vperm.xlane v5, v0;
	vm1 =	vlt.s32 v10, v11  }
0x35: {  	v10 =	vsel vm1, v10, v11;
	v11 =	vmax.f32 v13, v46  }
0x36: {  	v7 =	vmax.f32 v5, v7;
	v13 =	vperm.xlane v11, v2  }
0x37: {  	v47 =	vperm.xlane v10, v2;
	v14 =	vperm.xlane v7, v1  }
0x38: {  	v11 =	vmax.f32 v11, v13  }
0x39: {  	vm1 =	vlt.s32 v10, v47;
	v7 =	vmax.f32 v7, v14;
	v13 =	vperm.xlane v11, v3  }
0x3a: {  	v50 =	vld [tilespmem:$0x180];
	v10 =	vsel vm1, v10, v47;
	v15 =	vperm.xlane v7, v2  }
0x3b: {  	v49 =	vperm.xlane v10, v3;
	v11 =	vmax.f32 v11, v13  }
0x3c: {  	v7 =	vmax.f32 v7, v15;
	vm2 =	veq.f32 v12, v11  }
0x3d: {  	vm1 =	vlt.s32 v10, v49;
	v48 =	vperm.xlane v7, v3;
	v51 =	vnsel vm2, $0x10, v4  }
0x3e: {  	v10 =	vsel vm1, v10, v49;
	v53 =	vperm.xlane v51, v0  }
0x3f: {  	v16 =	vperm.xlane v50, v0;
	vm1 =	veq.s32 v10, v4;
	v7 =	vmax.f32 v7, v48  }
0x40: {  	v8 =	vsel vm1, $0xF149F2CA, v8;
	v6 =	vsub.f32 v7, v6;
	vm2 =	vlt.s32 v51, v53  }
0x41: {  	v52 =	vperm.xlane v8, v0;
	v10 =	vsel vm2, v51, v53  }
0x42: {  	v54 =	vmax.f32 v50, v16;
	v6 =	vmul.f32 $1.442695020e+00, v6;
	v55 =	vperm.xlane v10, v1  }
0x43: {  	v17 =	vperm.xlane v54, v1  }
0x44: {  	(erf) = vpow2.f32 v6;
	v6 =	vmax.f32 v8, v52;
	vm2 =	vlt.s32 v10, v55  }
0x45: {  	v56 =	vmax.f32 v54, v17;
	v13 =	vperm.xlane v6, v1;
	v10 =	vsel vm2, v10, v55  }
0x46: {  	v59 =	vld [tilespmem:$0x200];
	v58 =	vperm.xlane v56, v2;
	vm12 =	veq.f32 v5, v7;
	v5 =	vperm.xlane v10, v2  }
0x47: {  	v6 =	vmax.f32 v6, v13  }
0x48: {  	v13 =	vmax.f32 v56, v58;
	v57 =	vperm.xlane v6, v2;
	vm13 =	vlt.s32 v10, v5  }
0x49: {  	v7 =	vnsel vm12, $0x10, v4;
	v61 =	vperm.xlane v13, v3;
	v5 =	vsel vm13, v10, v5  }
0x4a: {  	v18 =	vperm.xlane v7, v0;
	v6 =	vmax.f32 v6, v57;
	v63 =	vperm.xlane v5, v3  }
0x4b: {  	v19 =	vperm.xlane v59, v0;
	v13 =	vmax.f32 v13, v61;
	v60 =	vperm.xlane v6, v3  }
0x4c: {  	vm15 =	vlt.s32 v7, v18;
	vm14 =	veq.f32 v50, v13;
	vm3 =	vlt.s32 v5, v63  }
0x4d: {  	v21 =	vnsel vm14, $0x10, v4;
	v62 =	vpop (erf);
	v6 =	vmax.f32 v6, v60;
	v5 =	vsel vm3, v5, v63  }
0x4e: {  	v22 =	vperm.xlane v21, v0;
	v10 =	vadd.f32 $1.000000000e+00, v62;
	vm3 =	veq.s32 v5, v4  }
0x4f: {  	v9 =	vsub.f32 v6, v9;
	v5 =	vmax.f32 v59, v19;
	v12 =	vsel vm3, $0xF149F2CA, v12  }
0x50: {  	vm2 =	vlt.s32 v21, v22;
	v23 =	vperm.xlane v5, v1;
	(erf) = vrcp.f32 v10  }
0x51: {  	v9 =	vmul.f32 $1.442695020e+00, v9;
	v24 =	vperm.xlane v12, v0;
	v10 =	vsel vm2, v21, v22  }
0x52: {  	v7 =	vsel vm15, v7, v18;
	v17 =	vperm.xlane v10, v1  }
0x53: {  	v5 =	vmax.f32 v5, v23;
	(erf) = vpow2.f32 v9;
	v9 =	vmax.f32 v12, v24  }
0x54: {  	v16 =	vperm.xlane v5, v2;
	v25 =	vperm.xlane v9, v1;
	vm4 =	vlt.s32 v10, v17  }
0x55: {  	v26 =	vperm.xlane v7, v1;
	v10 =	vsel vm4, v10, v17  }
0x56: {  	v5 =	vmax.f32 v5, v16;
	v9 =	vmax.f32 v9, v25;
	v27 =	vperm.xlane v10, v2  }
0x57: {  	vm5 =	vlt.s32 v7, v26;
	v28 =	vperm.xlane v5, v3;
	v18 =	vperm.xlane v9, v2  }
0x58: {  	v20 =	vld [tilespmem:$0x280];
	v19 =	vsel vm5, v7, v26  }
0x59: {  	vm6 =	vlt.s32 v10, v27;
	v17 =	vmax.f32 v5, v28;
	v7 =	vmax.f32 v9, v18  }
0x5a: {  	v29 =	vsel vm6, v10, v27;
	vm7 =	veq.f32 v59, v17;
	v31 =	vperm.xlane v7, v3  }
0x5b: {  	v5 =	vpop (erf);
	v32 =	vperm.xlane v29, v3;
	v21 =	vnsel vm7, $0x10, v4  }
0x5c: {  	v22 =	vperm.xlane v19, v2;
	v23 =	vperm.xlane v21, v0;
	v30 =	vpop (erf);
	v16 =	vmax.f32 v7, v31  }
0x5d: {  	vm8 =	vlt.s32 v29, v32;
	v7 =	vperm.xlane v20, v0;
	v10 =	vadd.f32 $1.000000000e+00, v30  }
0x5e: {  	v11 =	vsub.f32 v16, v11;
	v9 =	vsel vm8, v29, v32;
	vm4 =	vlt.s32 v21, v23  }
0x5f: {  	vm2 =	veq.s32 v9, v4;
	v33 =	vsel vm4, v21, v23;
	v34 =	vmax.f32 v20, v7  }
0x60: {  	v7 =	vsel vm2, $0xF149F2CA, v50;
	v35 =	vperm.xlane v33, v1;
	v36 =	vperm.xlane v34, v1  }
0x61: {  	vm11 =	veq.f32 v8, v6;
	(erf) = vrcp.f32 v10;
	v37 =	vperm.xlane v7, v0  }
0x62: {  	v11 =	vmul.f32 $1.442695020e+00, v11;
	vm5 =	vlt.s32 v33, v35;
	v18 =	vmax.f32 v34, v36  }
0x63: {  	v10 =	vmax.f32 v7, v37;
	v9 =	vsel vm5, v33, v35;
	v38 =	vperm.xlane v18, v2  }
0x64: {  	v43 =	vnsel vm11, $0x10, v4;
	v39 =	vperm.xlane v10, v1;
	v40 =	vperm.xlane v9, v2  }
0x65: {  	v45 =	vperm.xlane v43, v0;
	(erf) = vpow2.f32 v11;
	v41 =	vmax.f32 v18, v38  }
0x66: {  	v18 =	vld [tilespmem:$0x300];
	v10 =	vmax.f32 v10, v39;
	vm10 =	vlt.s32 v9, v40;
	v14 =	vperm.xlane v41, v3  }
0x67: {  	vm9 =	vlt.s32 v19, v22;
	v6 =	vperm.xlane v10, v2;
	v42 =	vsel vm10, v9, v40  }
0x68: {  	v19 =	vsel vm9, v19, v22;
	v44 =	vperm.xlane v42, v3;
	v11 =	vmax.f32 v41, v14  }
0x69: {  	vm6 =	vlt.s32 v43, v45;
	v6 =	vmax.f32 v10, v6;
	vm12 =	veq.f32 v20, v11  }
0x6a: {  	v10 =	vperm.xlane v6, v3;
	vm13 =	vlt.s32 v42, v44;
	v46 =	vnsel vm12, $0x10, v4  }
0x6b: {  	v24 =	vperm.xlane v18, v0;
	v8 =	vsel vm13, v42, v44;
	v47 =	vperm.xlane v46, v0  }
0x6c: {  	v23 =	vperm.xlane v19, v3;
	v9 =	vsel vm6, v43, v45;
	v10 =	vmax.f32 v6, v10  }
0x6d: {  	vm4 =	veq.s32 v8, v4;
	v48 =	vmax.f32 v18, v24;
	vm14 =	vlt.s32 v46, v47  }
0x6e: {  	v6 =	vsel vm4, $0xF149F2CA, v59;
	v25 =	vperm.xlane v48, v1;
	v8 =	vpop (erf);
	v21 =	vsel vm14, v46, v47  }
0x6f: {  	vm10 =	veq.f32 v12, v16;
	v15 =	vperm.xlane v6, v0;
	v49 =	vpop (erf);
	v50 =	vperm.xlane v21, v1  }
0x70: {  	v13 =	vsub.f32 v10, v13;
	v22 =	vmax.f32 v48, v25;
	v14 =	vadd.f32 $1.000000000e+00, v49  }
0x71: {  	v15 =	vmax.f32 v6, v15;
	v52 =	vperm.xlane v22, v2;
	vm5 =	vlt.s32 v21, v50  }
0x72: {  	v13 =	vmul.f32 $1.442695020e+00, v13;
	v51 =	vperm.xlane v15, v1;
	v21 =	vsel vm5, v21, v50  }
0x73: {  	(erf) = vrcp.f32 v14;
	v55 =	vmax.f32 v22, v52;
	v53 =	vperm.xlane v21, v2  }
0x74: {  	v22 =	vld [tilespmem:$0x380];
	(erf) = vpow2.f32 v13;
	v54 =	vmax.f32 v15, v51;
	v57 =	vperm.xlane v55, v3  }
0x75: {  	v26 =	vperm.xlane v9, v1;
	v61 =	vnsel vm10, $0x10, v4;
	v56 =	vperm.xlane v54, v2  }
0x76: {  	v32 =	vperm.xlane v61, v0;
	vm9 =	vlt.s32 v21, v53;
	v14 =	vmax.f32 v55, v57  }
0x77: {  	v58 =	vsel vm9, v21, v53;
	v59 =	vmax.f32 v54, v56;
	vm11 =	veq.f32 v18, v14  }
0x78: {  	v60 =	vperm.xlane v58, v3;
	v62 =	vperm.xlane v59, v3;
	v63 =	vnsel vm11, $0x10, v4  }
0x79: {  	vm15 =	vlt.s32 v9, v26;
	v31 =	vperm.xlane v22, v0;
	v33 =	vperm.xlane v63, v0  }
0x7a: {  	v26 =	vsel vm15, v9, v26;
	vm6 =	vlt.s32 v58, v60;
	v12 =	vmax.f32 v59, v62  }
0x7b: {  	v34 =	vmax.f32 v22, v31;
	v9 =	vsel vm6, v58, v60;
	vm12 =	vlt.s32 v63, v33  }
0x7c: {  	v24 =	vperm.xlane v34, v1;
	vm5 =	veq.s32 v9, v4;
	v35 =	vpop (erf);
	v13 =	vsel vm12, v63, v33  }
0x7d: {  	v17 =	vsub.f32 v12, v17;
	v20 =	vsel vm5, $0xF149F2CA, v20;
	v27 =	vpop (erf);
	v37 =	vperm.xlane v13, v1  }
0x7e: {  	v9 =	vmax.f32 v34, v24;
	v28 =	vperm.xlane v20, v0;
	v36 =	vadd.f32 $1.000000000e+00, v27  }
0x7f: {  	v17 =	vmul.f32 $1.442695020e+00, v17;
	v39 =	vperm.xlane v9, v2;
	vm6 =	vlt.s32 v13, v37  }
0x80: {  	v38 =	vmax.f32 v20, v28;
	(erf) = vrcp.f32 v36;
	v13 =	vsel vm6, v13, v37  }
0x81: {  	v9 =	vmax.f32 v9, v39;
	v40 =	vperm.xlane v38, v1;
	(erf) = vpow2.f32 v17  }
0x82: {  	vm13 =	vlt.s32 v19, v23;
	v42 =	vperm.xlane v13, v2;
	v43 =	vperm.xlane v9, v3  }
0x83: {  	vm7 =	vlt.s32 v61, v32;
	v44 =	vperm.xlane v26, v2;
	v41 =	vmax.f32 v38, v40  }
0x84: {  	v24 =	vmax.f32 v9, v43;
	vm8 =	vlt.s32 v13, v42;
	v45 =	vperm.xlane v41, v2  }
0x85: {  	v19 =	vsel vm13, v19, v23;
	v13 =	vsel vm8, v13, v42;
	vm14 =	veq.f32 v22, v24  }
0x86: {  	v21 =	vperm.xlane v13, v3;
	v47 =	vnsel vm14, $0x10, v4;
	v46 =	vmax.f32 v41, v45  }
0x87: {  	v15 =	vsel vm7, v61, v32;
	v48 =	vperm.xlane v47, v0;
	v17 =	vperm.xlane v46, v3  }
0x88: {  	vm15 =	vlt.s32 v26, v44;
	v25 =	vperm.xlane v15, v1;
	vm12 =	vlt.s32 v13, v21  }
0x89: {  	v13 =	vsel vm12, v13, v21;
	vm8 =	vlt.s32 v47, v48;
	v17 =	vmax.f32 v46, v17;
	v9 =	vpop (erf)  }
0x8a: {  	vm6 =	veq.s32 v13, v4;
	v50 =	vsel vm8, v47, v48;
	v49 =	vpop (erf);
	v11 =	vsub.f32 v17, v11  }
0x8b: {  	v18 =	vsel vm6, $0xF149F2CA, v18;
	v23 =	vperm.xlane v50, v1;
	v13 =	vadd.f32 $1.000000000e+00, v49  }
0x8c: {  	v26 =	vsel vm15, v26, v44;
	v51 =	vperm.xlane v18, v0;
	v11 =	vmul.f32 $1.442695020e+00, v11  }
0x8d: {  	vm13 =	vlt.s32 v15, v25;
	vm8 =	vlt.s32 v50, v23;
	(erf) = vrcp.f32 v13  }
0x8e: {  	v52 =	vmax.f32 v18, v51;
	v53 =	vsel vm8, v50, v23;
	(erf) = vpow2.f32 v11  }
0x8f: {  	v15 =	vsel vm13, v15, v25;
	v54 =	vperm.xlane v52, v1;
	v23 =	vperm.xlane v53, v2  }
0x90: {  	vm10 =	veq.s32 v19, v4;
	v55 =	vperm.xlane v26, v3;
	v56 =	vperm.xlane v15, v2  }
0x91: {  	v59 =	vsub.f32 $1.000000000e+00, v5;
	v57 =	vmax.f32 v52, v54;
	vm15 =	vlt.s32 v53, v23  }
0x92: {  	vm13 =	vlt.s32 v15, v56;
	v11 =	vperm.xlane v57, v2;
	v13 =	vsel vm15, v53, v23  }
0x93: {  	v5 =	vnsel vm0, $0x0, v5;
	v15 =	vsel vm13, v15, v56;
	v23 =	vperm.xlane v13, v3  }
0x94: {  	v31 =	vsub.f32 $1.000000000e+00, v35;
	vm14 =	veq.f32 v7, v10;
	v10 =	vmax.f32 v57, v11  }
0x95: {  	v16 =	vnsel vm3, $0x0, v35;
	v11 =	vperm.xlane v10, v3;
	vm15 =	vlt.s32 v13, v23  }
0x96: {  	v28 =	vsub.f32 $1.000000000e+00, v8;
	v7 =	vnsel vm14, $0x10, v4;
	v13 =	vsel vm15, v13, v23  }
0x97: {  	v58 =	vperm.xlane v7, v0;
	v60 =	vpop (erf);
	v10 =	vmax.f32 v10, v11;
	vm0 =	veq.s32 v13, v4  }
0x98: {  	vm12 =	vlt.s32 v26, v55;
	v61 =	vpop (erf);
	v62 =	vsub.f32 v10, v14;
	v63 =	vsel vm0, $0xF149F2CA, v22  }
0x99: {  	v21 =	vnsel vm10, $0x0, v59;
	v11 =	vadd.f32 $1.000000000e+00, v61;
	v22 =	vperm.xlane v63, v0  }
0x9a: {  	v25 =	vsel vm12, v26, v55;
	vm14 =	vlt.s32 v7, v58;
	v27 =	vmul.f32 $1.442695020e+00, v62  }
0x9b: {  	v26 =	vperm.xlane v15, v3;
	(erf) = vrcp.f32 v11;
	v22 =	vmax.f32 v63, v22  }
0x9c: {  	v7 =	vsel vm14, v7, v58;
	(erf) = vpow2.f32 v27;
	v29 =	vperm.xlane v22, v1  }
0x9d: {  	v8 =	vnsel vm1, $0x0, v8;
	v5 =	vadd.f32 v21, v5;
	v30 =	vperm.xlane v7, v1  }
0x9e: {  	vm14 =	veq.f32 v6, v12;
	vm11 =	vlt.s32 v15, v26;
	v11 =	vmax.f32 v22, v29  }
0x9f: {  	v12 =	vnsel vm14, $0x10, v4;
	vm13 =	vlt.s32 v7, v30;
	v32 =	vperm.xlane v11, v2  }
0xa0: {  	v15 =	vsel vm11, v15, v26;
	v33 =	vperm.xlane v12, v0;
	v7 =	vsel vm13, v7, v30  }
0xa1: {  	vm1 =	veq.s32 v15, v4;
	v6 =	vperm.xlane v7, v2;
	v11 =	vmax.f32 v11, v32  }
0xa2: {  	vm12 =	veq.s32 v25, v4;
	v35 =	vnsel vm1, $0x0, v31;
	v34 =	vperm.xlane v11, v3  }
0xa3: {  	vm8 =	vlt.s32 v12, v33;
	v16 =	vadd.f32 v35, v16;
	vm7 =	vlt.s32 v7, v6  }
0xa4: {  	v6 =	vsel vm7, v7, v6;
	v7 =	vsel vm8, v12, v33;
	v11 =	vmax.f32 v11, v34;
	v37 =	vpop (erf)  }
0xa5: {  	v40 =	vperm.xlane v7, v1;
	vm15 =	veq.f32 v20, v17;
	v38 =	vpop (erf);
	v39 =	vsub.f32 v11, v24  }
0xa6: {  	v44 =	vperm.xlane v6, v3;
	v20 =	vnsel vm15, $0x10, v4;
	v12 =	vadd.f32 $1.000000000e+00, v38  }
0xa7: {  	v54 =	vnsel vm2, $0x0, v9;
	v36 =	vperm.xlane v20, v0;
	v41 =	vmul.f32 $1.442695020e+00, v39  }
0xa8: {  	v9 =	vsub.f32 $1.000000000e+00, v9;
	vm11 =	vlt.s32 v7, v40;
	(erf) = vrcp.f32 v12  }
0xa9: {  	vm14 =	vlt.s32 v6, v44;
	vm9 =	vlt.s32 v20, v36;
	(erf) = vpow2.f32 v41  }
0xaa: {  	v13 =	vnsel vm12, $0x0, v28;
	v7 =	vsel vm11, v7, v40;
	v20 =	vsel vm9, v20, v36  }
0xab: {  	v6 =	vsel vm14, v6, v44;
	vm10 =	veq.f32 v18, v10;
	v42 =	vperm.xlane v20, v1  }
0xac: {  	v45 =	vperm.xlane v7, v2;
	vm8 =	veq.s32 v6, v4;
	v6 =	vsub.f32 $1.000000000e+00, v60  }
0xad: {  	v8 =	vadd.f32 v13, v8;
	v18 =	vnsel vm10, $0x10, v4;
	vm12 =	vlt.s32 v20, v42  }
0xae: {  	v43 =	vperm.xlane v18, v0;
	v15 =	vsel vm12, v20, v42;
	vm9 =	veq.f32 v63, v11  }
0xaf: {  	vm15 =	vlt.s32 v7, v45;
	v20 =	vperm.xlane v15, v2;
	v11 =	vnsel vm9, $0x10, v4  }
0xb0: {  	v9 =	vnsel vm8, $0x0, v9;
	v7 =	vsel vm15, v7, v45;
	v47 =	vperm.xlane v11, v0  }
0xb1: {  	vm13 =	vlt.s32 v18, v43;
	v48 =	vperm.xlane v7, v3;
	vm10 =	vlt.s32 v15, v20;
	v50 =	vpop (erf)  }
0xb2: {  	v46 =	vsel vm10, v15, v20;
	v12 =	vsel vm13, v18, v43;
	vm12 =	vlt.s32 v11, v47;
	v52 =	vpop (erf)  }
0xb3: {  	v18 =	vperm.xlane v12, v1;
	v11 =	vsel vm12, v11, v47;
	v15 =	vadd.f32 $1.000000000e+00, v52  }
0xb4: {  	[tilespmem:$0x400] =	vst v5;
	v5 =	vadd.f32 v9, v54;
	v49 =	vperm.xlane v46, v3;
	v53 =	vperm.xlane v11, v1  }
0xb5: {  	v57 =	vsub.f32 $1.000000000e+00, v37;
	vm11 =	vlt.s32 v12, v18;
	(erf) = vrcp.f32 v15  }
0xb6: {  	v17 =	vnsel vm5, $0x0, v37;
	v12 =	vsel vm11, v12, v18;
	vm7 =	vlt.s32 v11, v53  }
0xb7: {  	vm13 =	vlt.s32 v7, v48;
	v51 =	vperm.xlane v12, v2;
	v11 =	vsel vm7, v11, v53  }
0xb8: {  	vm14 =	vlt.s32 v46, v49;
	v7 =	vsel vm13, v7, v48;
	v56 =	vperm.xlane v11, v2  }
0xb9: {  	v14 =	vsel vm14, v46, v49;
	vm9 =	veq.s32 v7, v4;
	vm15 =	vlt.s32 v12, v51  }
0xba: {  	v7 =	vnsel vm4, $0x0, v60;
	v10 =	vsel vm15, v12, v51;
	vm11 =	vlt.s32 v11, v56  }
0xbb: {  	vm12 =	veq.s32 v14, v4;
	v55 =	vperm.xlane v10, v3;
	v11 =	vsel vm11, v11, v56  }
0xbc: {  	v6 =	vnsel vm9, $0x0, v6;
	v59 =	vnsel vm12, $0x0, v57;
	v58 =	vperm.xlane v11, v3  }
0xbd: {  	[tilespmem:$0x580] =	vst v5;
	v6 =	vadd.f32 v6, v7;
	v5 =	vadd.f32 v59, v17;
	vm10 =	vlt.s32 v10, v55  }
0xbe: {  	v7 =	vsub.f32 $1.000000000e+00, v50;
	v10 =	vsel vm10, v10, v55;
	vm13 =	vlt.s32 v11, v58;
	v60 =	vpop (erf)  }
0xbf: {  	[tilespmem:$0x500] =	vst v16;
	vm14 =	veq.s32 v10, v4;
	v11 =	vsel vm13, v11, v58;
	v62 =	vsub.f32 $1.000000000e+00, v60  }
0xc0: {  	[tilespmem:$0x480] =	vst v8;
	v61 =	vnsel vm6, $0x0, v50;
	v7 =	vnsel vm14, $0x0, v7;
	vm15 =	veq.s32 v11, v4  }
0xc1: {  	[tilespmem:$0x600] =	vst v6;
	v6 =	vadd.f32 v7, v61;
	v7 =	vnsel vm0, $0x0, v60;
	v63 =	vnsel vm15, $0x0, v62  }
0xc2: {  	[tilespmem:$0x680] =	vst v5;
	v5 =	vadd.f32 v63, v7  }
0xc3: {  	p0 =	sne.s32 s5, $0x1;
	[tilespmem:$0x700] =	vst v6  }
.Ltmp1:
0xc4: {  	[tilespmem:$0x780] =	vst v5;
	(pc) =	sbr.rel @p0 .LBB2_2-.Ltmp1, $4  }
0xc5: {  	[hbm4b:s3+s2] =	stream.linear.scatter [tilespmem:s7], [sflag:$0x1], $0x400, $0x38;
	[tilespmem:$0x800] =	vst v63  }
0xc6: {  	_ =	swait.ge [sflag:s6], $0x400  }
0xc7: {  	[sflag:s6] =	ssyncset.done $0x0  }
0xc8: {  	s5 =	sadd.s32 $0xFFFFFFFF, s5;
	[sflag:s6] =	ssyncadd.s32 $0xFFFFFC00  }
.LBB2_3:
0xc9: {  	_ =	sfence.sel $0x180000  }
0xca: {  	[bflag:$0x0] =	sbarrier.arrive $0xFFFF  }
0xcb: {  	p0 =	sne.s32 s1, $0x0;
	_ =	strace $0x90000047  }
0xcc: {  	s0 =	sadd.s32 @!p0 $0x100000, s0;
	[bflag:$0x2] =	sbarrier.arrive $0xFFFF  }
0xcd: {  	[sflag:s0] =	ssyncadd.tile.s32 @!p0 $0x1;
	_ =	shalt  }
.Lfunc_end2:
_tile_overlayer_lowered:
.L_overlay_start_2:
0xce: {  	(tag) =	ssettag $0x2  }
0xcf: {  	s0 =	rddreg [dreg:$0x0];
	s2 =	stileid.u32  }
0xd0: {  	s1 =	rddreg [dreg:$0x1];
	p0 =	sne.s32 s2, $0x0  }
0xd1: {  	s3 =	rddreg [dreg:$0x2];
	[bflag:$0x3] =	sbarrier.arrive $0xFFFF;
	s2 =	simm.s32 @!p0 $0x1C01  }
0xd2: {  	[timem:s3], [sflag:s2] =	dma.local @!p0 [hbm:s0], s1  }
0xd3: {  	s0 =	simm.s32 @!p0 $0x1  }
0xd4: {  	_ =	swait.ge @!p0 [sflag:s0], s1  }
0xd5: {  	s1 =	ssub.s32 @!p0 $0x0, s1;
	[sflag:s0] =	ssyncset.done @!p0 $0x0  }
0xd6: {  	[sflag:s0] =	ssyncadd.s32 @!p0 s1  }
0xd7: {  	[bflag:$0x3] =	sbarrier.arrive $0xFFFF  }
0xd8: {  	_ =	shalt  }

</sc_bundles>
